<compile_context>
chip_gen: v7x
topology: tpu7x:2x2x1
jax: 0.10.2.dev20260603
libtpu: 0.0.44.dev20260713+nightly
codegen_flags: <defaults>
</compile_context>

<pallas_src>
import functools

import jax
import jax.numpy as jnp
from jax import lax
from jax.experimental import pallas as pl
from jax.experimental.pallas import tpu as pltpu
from jax.experimental.pallas import tpu_sc as plsc

N = 10000
E = 320000
NC = 2
NS = 16
NW = NC * NS
EPW = E // NW
K = 80
T = EPW // K
NPAD = 10240
RPT = NPAD // NS
F1 = 128
F2 = 64
DEGW = 16

_SC_MESH = plsc.VectorSubcoreMesh(
    core_axis_name="c", subcore_axis_name="s", num_cores=NC, num_subcores=NS
)
_SC_PARAMS = pltpu.CompilerParams(
    use_tc_tiling_on_sc=False, skip_device_barrier=True
)


def _deg_body(dst_hbm, out_hbm, idx_d, ones_v, zeros_v, acc_sh, dsem):
    cid = lax.axis_index("c")
    sid = lax.axis_index("s")
    wid = cid * NS + sid

    def fill(r, carry):
        ones_v[r, pl.ds(0, 16)] = jnp.full((16,), 1.0, jnp.float32)
        zeros_v[r, pl.ds(0, 16)] = jnp.zeros((16,), jnp.float32)
        return carry

    lax.fori_loop(0, K, fill, None)

    def zero_chunk(c, carry):
        pltpu.sync_copy(zeros_v, acc_sh.at[pl.ds(sid * RPT + c * K, K)])
        return carry

    lax.fori_loop(0, RPT // K, zero_chunk, None)
    plsc.subcore_barrier()

    pltpu.sync_copy(dst_hbm.at[wid], idx_d)

    def step(c, carry):
        pltpu.async_copy(ones_v, acc_sh.at[idx_d.at[c]], dsem, add=True)
        return carry

    lax.fori_loop(0, T, step, None)

    def drain(c, carry):
        pltpu.make_async_copy(ones_v, acc_sh.at[idx_d.at[c]], dsem).wait()
        return carry

    lax.fori_loop(0, T, drain, None)
    plsc.subcore_barrier()
    pltpu.sync_copy(
        acc_sh.at[pl.ds(sid * RPT, RPT)], out_hbm.at[cid, pl.ds(sid * RPT, RPT)]
    )


_deg_call = pl.kernel(
    _deg_body,
    out_type=jax.ShapeDtypeStruct((NC, NPAD, DEGW), jnp.float32),
    mesh=_SC_MESH,
    compiler_params=_SC_PARAMS,
    scratch_types=[
        pltpu.VMEM((T, K), jnp.int32),
        pltpu.VMEM((K, DEGW), jnp.float32),
        pltpu.VMEM((K, DEGW), jnp.float32),
        pltpu.VMEM_SHARED((NPAD, DEGW), jnp.float32),
        pltpu.SemaphoreType.DMA,
    ],
)


NBUF = 5


def _agg_body(*refs, n_tab):
    tabs = refs[:n_tab]
    (src_hbm, dst_hbm, out_hbm, idx_s, idx_d) = refs[n_tab:n_tab + 5]
    rows = refs[n_tab + 5:n_tab + 5 + NBUF]
    zeros_v, acc_sh = refs[n_tab + 5 + NBUF:n_tab + 7 + NBUF]
    sems = refs[n_tab + 7 + NBUF:n_tab + 7 + 2 * NBUF]
    ssems = refs[n_tab + 7 + 2 * NBUF:]
    cid = lax.axis_index("c")
    sid = lax.axis_index("s")
    wid = cid * NS + sid

    def zrow(r, carry):
        def zcol(j, inner):
            zeros_v[r, pl.ds(j * 16, 16)] = jnp.zeros((16,), jnp.float32)
            return inner

        return lax.fori_loop(0, F2 // 16, zcol, carry)

    lax.fori_loop(0, K, zrow, None)

    pltpu.sync_copy(src_hbm.at[wid], idx_s)
    pltpu.sync_copy(dst_hbm.at[wid], idx_d)

    def zero_chunk(c, carry):
        pltpu.sync_copy(zeros_v, acc_sh.at[pl.ds(sid * RPT + c * K, K)])
        return carry

    for h in range(n_tab):
        tab = tabs[h]
        lax.fori_loop(0, RPT // K, zero_chunk, None)
        plsc.subcore_barrier()

        for b in range(NBUF - 1):
            pltpu.async_copy(tab.at[idx_s.at[b]], rows[b], sems[b])

        def group(g, carry):
            for b in range(NBUF):
                c = g * NBUF + b
                pltpu.make_async_copy(tab.at[idx_s.at[c]], rows[b], sems[b]).wait()
                pltpu.async_copy(rows[b], acc_sh.at[idx_d.at[c]], ssems[b], add=True)
                nxt = c + NBUF - 1
                nb = (b + NBUF - 1) % NBUF

                @pl.when(jnp.logical_and(nxt < T, c > 0))
                def _drain(nb=nb, c=c):
                    pltpu.make_async_copy(
                        rows[nb], acc_sh.at[idx_d.at[c - 1]], ssems[nb]
                    ).wait()

                @pl.when(nxt < T)
                def _issue(nxt=nxt, nb=nb):
                    pltpu.async_copy(tab.at[idx_s.at[nxt]], rows[nb], sems[nb])

            return carry

        lax.fori_loop(0, T // NBUF, group, None)

        for b in range(NBUF):
            pltpu.make_async_copy(rows[b], acc_sh.at[idx_d.at[0]], ssems[b]).wait()

        plsc.subcore_barrier()
        pltpu.sync_copy(
            acc_sh.at[pl.ds(sid * RPT, RPT)],
            out_hbm.at[cid, h, pl.ds(sid * RPT, RPT)],
        )


def _make_agg(n_tab):
    return pl.kernel(
        functools.partial(_agg_body, n_tab=n_tab),
        out_type=jax.ShapeDtypeStruct((NC, n_tab, NPAD, F2), jnp.float32),
        mesh=_SC_MESH,
        compiler_params=_SC_PARAMS,
        scratch_types=[
            pltpu.VMEM((T, K), jnp.int32),
            pltpu.VMEM((T, K), jnp.int32),
        ]
        + [pltpu.VMEM((K, F2), jnp.float32) for _ in range(NBUF)]
        + [
            pltpu.VMEM((K, F2), jnp.float32),
            pltpu.VMEM_SHARED((NPAD, F2), jnp.float32),
        ]
        + [pltpu.SemaphoreType.DMA for _ in range(2 * NBUF)],
    )


_agg1_call = _make_agg(2)
_agg2_call = _make_agg(1)

_R = 1000


def _mm1_body(x_ref, w_ref, p0_ref, p1_ref, ga_ref, gb_ref, dinv_ref):
    dinv = lax.rsqrt(1.0 + p0_ref[0][:, :1] + p1_ref[0][:, :1])
    g1 = jnp.dot(x_ref[...], w_ref[...]) * dinv
    ga_ref[...] = g1[:, :F2]
    gb_ref[...] = g1[:, F2:]
    dinv_ref[...] = dinv


def _mm2_body(sa0_ref, sa1_ref, sb0_ref, sb1_ref, ga_ref, gb_ref, dinv_ref,
              b1_ref, w2_ref, g2_ref):
    dinv = dinv_ref[...]
    left = sa0_ref[0, 0] + sa1_ref[0, 0] + ga_ref[...]
    right = sb0_ref[0, 0] + sb1_ref[0, 0] + gb_ref[...]
    out1 = dinv * jnp.concatenate([left, right], axis=1) + b1_ref[...]
    g2_ref[...] = jnp.dot(out1, w2_ref[...]) * dinv


def _finmlp_body(s2a_ref, s2b_ref, g2_ref, dinv_ref, b2_ref, wl_ref, bl_ref,
                 wc_ref, bc_ref, out_ref):
    out2 = dinv_ref[...] * (s2a_ref[0, 0] + s2b_ref[0, 0] + g2_ref[...])
    out2 = out2 + b2_ref[...]
    o3 = out2.reshape(625, 16, F2)
    h = jnp.zeros((625, 128), jnp.float32)
    for j in range(16):
        h = h + jnp.dot(o3[:, j, :], wl_ref[j])
    h = jnp.maximum(h + bl_ref[...], 0.0)
    logits = jnp.dot(h, wc_ref[...]) + bc_ref[...]
    m = jnp.max(logits, axis=1, keepdims=True)
    shifted = logits - m
    lse = jnp.log(jnp.sum(jnp.exp(shifted), axis=1, keepdims=True))
    out_ref[...] = shifted - lse


def _row_spec(w):
    return pl.BlockSpec((_R, w), lambda i: (i, 0))


def _full_spec(h, w):
    return pl.BlockSpec((h, w), lambda i: (0, 0))


def _plane_spec(i0, j0):
    return pl.BlockSpec((1, 1, _R, F2), lambda i, i0=i0, j0=j0: (i0, j0, i, 0))


def _deg_plane_spec(i0):
    return pl.BlockSpec((1, _R, DEGW), lambda i, i0=i0: (i0, i, 0))


_mm1 = pl.pallas_call(
    _mm1_body,
    grid=(N // _R,),
    in_specs=[
        _row_spec(F1),
        _full_spec(F1, F1),
        _deg_plane_spec(0),
        _deg_plane_spec(1),
    ],
    out_specs=[_row_spec(F2), _row_spec(F2), _row_spec(1)],
    out_shape=[
        jax.ShapeDtypeStruct((N, F2), jnp.float32),
        jax.ShapeDtypeStruct((N, F2), jnp.float32),
        jax.ShapeDtypeStruct((N, 1), jnp.float32),
    ],
)

_mm2 = pl.pallas_call(
    _mm2_body,
    grid=(N // _R,),
    in_specs=[
        _plane_spec(0, 0),
        _plane_spec(1, 0),
        _plane_spec(0, 1),
        _plane_spec(1, 1),
        _row_spec(F2),
        _row_spec(F2),
        _row_spec(1),
        _full_spec(1, F1),
        _full_spec(F1, F2),
    ],
    out_specs=_row_spec(F2),
    out_shape=jax.ShapeDtypeStruct((N, F2), jnp.float32),
)

_finmlp = pl.pallas_call(
    _finmlp_body,
    grid=(1,),
    in_specs=[
        pl.BlockSpec((1, 1, N, F2), lambda i: (0, 0, 0, 0)),
        pl.BlockSpec((1, 1, N, F2), lambda i: (1, 0, 0, 0)),
        _full_spec(N, F2),
        _full_spec(N, 1),
        _full_spec(1, F2),
        pl.BlockSpec((16, F2, 128), lambda i: (0, 0, 0)),
        _full_spec(1, 128),
        _full_spec(128, 10),
        _full_spec(1, 10),
    ],
    out_specs=_full_spec(625, 10),
    out_shape=jax.ShapeDtypeStruct((625, 10), jnp.float32),
)


@jax.jit
def kernel(x, edge_index, W1, b1, W2, b2, Wl, bl, Wc, bc):
    src3 = edge_index[0].reshape(NW, T, K)
    dst3 = edge_index[1].reshape(NW, T, K)

    degp = _deg_call(dst3)

    g1a, g1b, dinv = _mm1(x, W1, degp, degp)
    s1 = _agg1_call(g1a, g1b, src3, dst3)

    w2p = jnp.concatenate([W2, jnp.zeros((F1, F2 - 49), W2.dtype)], axis=1)
    g2 = _mm2(s1, s1, s1, s1, g1a, g1b, dinv, b1.reshape(1, F1), w2p)
    s2 = _agg2_call(g2, src3, dst3)

    wlext = jnp.concatenate(
        [Wl.reshape(16, 49, 128), jnp.zeros((16, F2 - 49, 128), Wl.dtype)], axis=1
    )
    b2p = jnp.concatenate([b2, jnp.zeros((F2 - 49,), b2.dtype)]).reshape(1, F2)
    return _finmlp(
        s2, s2, g2, dinv, b2p, wlext, bl.reshape(1, 128), Wc, bc.reshape(1, 10)
    )

# --- scband reference (transcript-rebuilt; emitter-appended) ---
"""Pipeline reference for scband-mnist-graph-pred-gnn-56667798504114 (READ-ONLY COPY).

The authoritative reference and input builder live on the scoring server;
editing this copy changes nothing except your own understanding.
"""

import jax, jax.numpy as jnp
import numpy as np

N_NODES = 10000
N_EDGES = 320000
IN_FEATS = 128
HIDDEN = [128, 49]


def gcn_conv(x, edge_index, W, b):
    # Faithful PyG-style GCNConv: add self-loops, symmetric normalization,
    # linear transform, scatter-add aggregation, bias.
    n = x.shape[0]
    loop = jnp.arange(n, dtype=edge_index.dtype)
    src = jnp.concatenate([edge_index[0], loop])
    dst = jnp.concatenate([edge_index[1], loop])
    deg = jax.ops.segment_sum(jnp.ones_like(src, dtype=x.dtype), dst, num_segments=n)
    dinv = jnp.where(deg > 0, 1.0 / jnp.sqrt(deg), 0.0)
    norm = dinv[src] * dinv[dst]
    h = x @ W
    msg = h[src] * norm[:, None]
    out = jax.ops.segment_sum(msg, dst, num_segments=n)
    return out + b


def setup_inputs(seed: int = 0) -> dict:
    key = jax.random.key(seed)
    ks = jax.random.split(key, 12)
    x = jax.random.normal(ks[0], (N_NODES, IN_FEATS), dtype=jnp.float32)
    edge_index = jax.random.randint(ks[1], (2, N_EDGES), 0, N_NODES, dtype=jnp.int32)
    W1 = jax.random.normal(ks[2], (IN_FEATS, HIDDEN[0]), dtype=jnp.float32) * 0.05
    b1 = jnp.zeros((HIDDEN[0],), dtype=jnp.float32)
    W2 = jax.random.normal(ks[3], (HIDDEN[0], HIDDEN[1]), dtype=jnp.float32) * 0.05
    b2 = jnp.zeros((HIDDEN[1],), dtype=jnp.float32)
    Wl = jax.random.normal(ks[4], (784, 128), dtype=jnp.float32) * 0.05
    bl = jnp.zeros((128,), dtype=jnp.float32)
    Wc = jax.random.normal(ks[5], (128, 10), dtype=jnp.float32) * 0.05
    bc = jnp.zeros((10,), dtype=jnp.float32)
    return {"x": x, "edge_index": edge_index, "W1": W1, "b1": b1, "W2": W2, "b2": b2, "Wl": Wl, "bl": bl, "Wc": Wc, "bc": bc}


def reference(x, edge_index, W1, b1, W2, b2, Wl, bl, Wc, bc):
    # conv stack (dropout is identity in eval mode)
    h = gcn_conv(x, edge_index, W1, b1)
    h = gcn_conv(h, edge_index, W2, b2)
    # reshape [-1, 784]: 10000 * 49 = 490000 -> [625, 784]
    h = h.reshape(-1, 784)
    h = h @ Wl + bl
    h = jax.nn.relu(h)
    logits = h @ Wc + bc
    return jax.nn.log_softmax(logits, axis=1)

if __name__ == "__main__":
    import jax
    _d = setup_inputs()
    print(jax.jit(kernel)(*tuple(_d.values())))

</pallas_src>

<mosaic_0001>
#map = affine_map<(d0, d1) -> (0, 0)>
#map1 = affine_map<(d0, d1) -> (0, 0, 0)>
#map2 = affine_map<(d0, d1) -> (0, 0, 0, 0)>
module attributes {stable_mosaic.version = 14 : i64} {
  func.func @_agg_body(%arg0: i32, %arg1: i32, %arg2: memref<10000x64xf32, #tpu.memory_space<hbm>>, %arg3: memref<32x125x80xi32, #tpu.memory_space<hbm>>, %arg4: memref<32x125x80xi32, #tpu.memory_space<hbm>>, %arg5: memref<2x1x10240x64xf32, #tpu.memory_space<hbm>>, %arg6: memref<125x80xi32, #tpu.memory_space<vmem>>, %arg7: memref<125x80xi32, #tpu.memory_space<vmem>>, %arg8: memref<80x64xf32, #tpu.memory_space<vmem>>, %arg9: memref<80x64xf32, #tpu.memory_space<vmem>>, %arg10: memref<80x64xf32, #tpu.memory_space<vmem>>, %arg11: memref<80x64xf32, #tpu.memory_space<vmem>>, %arg12: memref<80x64xf32, #tpu.memory_space<vmem>>, %arg13: memref<80x64xf32, #tpu.memory_space<vmem>>, %arg14: memref<10240x64xf32, #tpu.memory_space<vmem_shared>>, %arg15: memref<!tpu.dma_semaphore, #tpu.memory_space<semaphore_mem>>, %arg16: memref<!tpu.dma_semaphore, #tpu.memory_space<semaphore_mem>>, %arg17: memref<!tpu.dma_semaphore, #tpu.memory_space<semaphore_mem>>, %arg18: memref<!tpu.dma_semaphore, #tpu.memory_space<semaphore_mem>>, %arg19: memref<!tpu.dma_semaphore, #tpu.memory_space<semaphore_mem>>, %arg20: memref<!tpu.dma_semaphore, #tpu.memory_space<semaphore_mem>>, %arg21: memref<!tpu.dma_semaphore, #tpu.memory_space<semaphore_mem>>, %arg22: memref<!tpu.dma_semaphore, #tpu.memory_space<semaphore_mem>>, %arg23: memref<!tpu.dma_semaphore, #tpu.memory_space<semaphore_mem>>, %arg24: memref<!tpu.dma_semaphore, #tpu.memory_space<semaphore_mem>>) attributes {dimension_semantics = [#tpu.dimension_semantics<core_parallel>, #tpu.dimension_semantics<subcore_parallel>], iteration_bounds = array<i64: 2, 16>, scalar_prefetch = 0 : i64, scratch_operands = 19 : i64, tpu.core_type = #tpu.core_type<sc_vector_subcore>, window_params = [{transform_indices = #map}, {transform_indices = #map1}, {transform_indices = #map1}, {transform_indices = #map2}]} {
    %mul3A = arith.constant 16 : i32
    %mul3A_0 = arith.muli %arg0, %mul3A : i32
    %add3A = arith.addi %mul3A_0, %arg1 : i32
    %scan3A = arith.constant 0 : i32
    %scan3A_1 = arith.constant 80 : i32
    %scan3A_2 = arith.addi %scan3A, %scan3A_1 : i32
    %scan3A_3 = arith.constant 1 : i32
    scf.for %scan3A_81 = %scan3A to %scan3A_2 step %scan3A_3  : i32 {
      %scan3A_82 = arith.constant 0 : i32
      %scan3A_83 = arith.constant 4 : i32
      %scan3A_84 = arith.addi %scan3A_82, %scan3A_83 : i32
      %scan3A_85 = arith.constant 1 : i32
      scf.for %scan3A_87 = %scan3A_82 to %scan3A_84 step %scan3A_85  : i32 {
        %broadcast_in_dim3A = arith.constant 0.000000e+00 : f32
        %broadcast_in_dim3A_88 = vector.broadcast %broadcast_in_dim3A : f32 to vector<16xf32>
        %mul3A_89 = arith.constant 16 : i32
        %mul3A_90 = arith.muli %scan3A_87, %mul3A_89 : i32
        %swap3A = arith.index_cast %scan3A_81 : i32 to index
        %swap3A_91 = arith.index_cast %mul3A_90 : i32 to index
        %swap3A_92 = tpu.vector_load %arg13[%swap3A, %swap3A_91] {strides = array<i32>} : memref<80x64xf32, #tpu.memory_space<vmem>>, vector<1x16xf32>,
        %swap3A_93 = vector.shape_cast %swap3A_92 : vector<1x16xf32> to vector<16xf32>
        %swap3A_94 = vector.shape_cast %broadcast_in_dim3A_88 : vector<16xf32> to vector<1x16xf32>
        tpu.vector_store %arg13[%swap3A, %swap3A_91], %swap3A_94 {strides = array<i32>} : memref<80x64xf32, #tpu.memory_space<vmem>>, vector<1x16xf32>,
      }
      %scan3A_86 = arith.constant 4 : i32
    }
    %scan3A_4 = arith.constant 80 : i32
    "tpu.region"() ({
      %run_scoped3A_81 = tpu.sem_alloc : memref<!tpu.dma_semaphore, #tpu.memory_space<semaphore_mem>>
      %dma_start3A_82 = arith.constant 0 : i32
      %dma_start3A_83 = arith.constant 0 : i32
      %dma_start3A_84 = tpu.memref_slice %arg3[%add3A, %dma_start3A_82, %dma_start3A_83] : memref<32x125x80xi32, #tpu.memory_space<hbm>> -> memref<1x125x80xi32, #tpu.memory_space<hbm>>
      %dma_start3A_85 = tpu.memref_squeeze %dma_start3A_84 : memref<1x125x80xi32, #tpu.memory_space<hbm>> -> memref<125x80xi32, #tpu.memory_space<hbm>>
      %dma_start3A_86 = arith.constant 0 : i32
      %dma_start3A_87 = arith.constant 0 : i32
      %dma_start3A_88 = tpu.memref_slice %arg3[%add3A, %dma_start3A_86, %dma_start3A_87] : memref<32x125x80xi32, #tpu.memory_space<hbm>> -> memref<1x125x80xi32, #tpu.memory_space<hbm>>
      %dma_start3A_89 = tpu.memref_squeeze %dma_start3A_88 : memref<1x125x80xi32, #tpu.memory_space<hbm>> -> memref<125x80xi32, #tpu.memory_space<hbm>>
      tpu.enqueue_dma source(%dma_start3A_89 : memref<125x80xi32, #tpu.memory_space<hbm>>) target(%arg6 : memref<125x80xi32, #tpu.memory_space<vmem>>) target_semaphore(%run_scoped3A_81 : memref<!tpu.dma_semaphore, #tpu.memory_space<semaphore_mem>>)
      %dma_wait3A_90 = arith.constant 0 : i32
      %dma_wait3A_91 = arith.constant 0 : i32
      %dma_wait3A_92 = tpu.memref_slice %arg3[%add3A, %dma_wait3A_90, %dma_wait3A_91] : memref<32x125x80xi32, #tpu.memory_space<hbm>> -> memref<1x125x80xi32, #tpu.memory_space<hbm>>
      %dma_wait3A_93 = tpu.memref_squeeze %dma_wait3A_92 : memref<1x125x80xi32, #tpu.memory_space<hbm>> -> memref<125x80xi32, #tpu.memory_space<hbm>>
      %dma_wait3A_94 = arith.constant 0 : i32
      %dma_wait3A_95 = arith.constant 0 : i32
      %dma_wait3A_96 = tpu.memref_slice %arg3[%add3A, %dma_wait3A_94, %dma_wait3A_95] : memref<32x125x80xi32, #tpu.memory_space<hbm>> -> memref<1x125x80xi32, #tpu.memory_space<hbm>>
      %dma_wait3A_97 = tpu.memref_squeeze %dma_wait3A_96 : memref<1x125x80xi32, #tpu.memory_space<hbm>> -> memref<125x80xi32, #tpu.memory_space<hbm>>
      tpu.wait_dma2 semaphore(%run_scoped3A_81 : memref<!tpu.dma_semaphore, #tpu.memory_space<semaphore_mem>>) src(%dma_wait3A_97 : memref<125x80xi32, #tpu.memory_space<hbm>>) dst(%arg6 : memref<125x80xi32, #tpu.memory_space<vmem>>)
      tpu.yield
    }) : () -> ()
    "tpu.region"() ({
      %run_scoped3A_81 = tpu.sem_alloc : memref<!tpu.dma_semaphore, #tpu.memory_space<semaphore_mem>>
      %dma_start3A_82 = arith.constant 0 : i32
      %dma_start3A_83 = arith.constant 0 : i32
      %dma_start3A_84 = tpu.memref_slice %arg4[%add3A, %dma_start3A_82, %dma_start3A_83] : memref<32x125x80xi32, #tpu.memory_space<hbm>> -> memref<1x125x80xi32, #tpu.memory_space<hbm>>
      %dma_start3A_85 = tpu.memref_squeeze %dma_start3A_84 : memref<1x125x80xi32, #tpu.memory_space<hbm>> -> memref<125x80xi32, #tpu.memory_space<hbm>>
      %dma_start3A_86 = arith.constant 0 : i32
      %dma_start3A_87 = arith.constant 0 : i32
      %dma_start3A_88 = tpu.memref_slice %arg4[%add3A, %dma_start3A_86, %dma_start3A_87] : memref<32x125x80xi32, #tpu.memory_space<hbm>> -> memref<1x125x80xi32, #tpu.memory_space<hbm>>
      %dma_start3A_89 = tpu.memref_squeeze %dma_start3A_88 : memref<1x125x80xi32, #tpu.memory_space<hbm>> -> memref<125x80xi32, #tpu.memory_space<hbm>>
      tpu.enqueue_dma source(%dma_start3A_89 : memref<125x80xi32, #tpu.memory_space<hbm>>) target(%arg7 : memref<125x80xi32, #tpu.memory_space<vmem>>) target_semaphore(%run_scoped3A_81 : memref<!tpu.dma_semaphore, #tpu.memory_space<semaphore_mem>>)
      %dma_wait3A_90 = arith.constant 0 : i32
      %dma_wait3A_91 = arith.constant 0 : i32
      %dma_wait3A_92 = tpu.memref_slice %arg4[%add3A, %dma_wait3A_90, %dma_wait3A_91] : memref<32x125x80xi32, #tpu.memory_space<hbm>> -> memref<1x125x80xi32, #tpu.memory_space<hbm>>
      %dma_wait3A_93 = tpu.memref_squeeze %dma_wait3A_92 : memref<1x125x80xi32, #tpu.memory_space<hbm>> -> memref<125x80xi32, #tpu.memory_space<hbm>>
      %dma_wait3A_94 = arith.constant 0 : i32
      %dma_wait3A_95 = arith.constant 0 : i32
      %dma_wait3A_96 = tpu.memref_slice %arg4[%add3A, %dma_wait3A_94, %dma_wait3A_95] : memref<32x125x80xi32, #tpu.memory_space<hbm>> -> memref<1x125x80xi32, #tpu.memory_space<hbm>>
      %dma_wait3A_97 = tpu.memref_squeeze %dma_wait3A_96 : memref<1x125x80xi32, #tpu.memory_space<hbm>> -> memref<125x80xi32, #tpu.memory_space<hbm>>
      tpu.wait_dma2 semaphore(%run_scoped3A_81 : memref<!tpu.dma_semaphore, #tpu.memory_space<semaphore_mem>>) src(%dma_wait3A_97 : memref<125x80xi32, #tpu.memory_space<hbm>>) dst(%arg7 : memref<125x80xi32, #tpu.memory_space<vmem>>)
      tpu.yield
    }) : () -> ()
    %scan3A_5 = arith.constant 0 : i32
    %scan3A_6 = arith.constant 8 : i32
    %scan3A_7 = arith.addi %scan3A_5, %scan3A_6 : i32
    %scan3A_8 = arith.constant 1 : i32
    scf.for %scan3A_81 = %scan3A_5 to %scan3A_7 step %scan3A_8  : i32 {
      %mul3A_82 = arith.constant 640 : i32
      %mul3A_83 = arith.muli %arg1, %mul3A_82 : i32
      %mul3A_84 = arith.constant 80 : i32
      %mul3A_85 = arith.muli %scan3A_81, %mul3A_84 : i32
      %add3A_86 = arith.addi %mul3A_83, %mul3A_85 : i32
      "tpu.region"() ({
        %run_scoped3A_87 = tpu.sem_alloc : memref<!tpu.dma_semaphore, #tpu.memory_space<semaphore_mem>>
        %dma_start3A_88 = arith.constant 0 : i32
        %dma_start3A_89 = tpu.memref_slice %arg14[%add3A_86, %dma_start3A_88] : memref<10240x64xf32, #tpu.memory_space<vmem_shared>> -> memref<80x64xf32, #tpu.memory_space<vmem_shared>>
        %dma_start3A_90 = arith.constant 0 : i32
        %dma_start3A_91 = tpu.memref_slice %arg14[%add3A_86, %dma_start3A_90] : memref<10240x64xf32, #tpu.memory_space<vmem_shared>> -> memref<80x64xf32, #tpu.memory_space<vmem_shared>>
        tpu.enqueue_dma source(%arg13 : memref<80x64xf32, #tpu.memory_space<vmem>>) target(%dma_start3A_91 : memref<80x64xf32, #tpu.memory_space<vmem_shared>>) target_semaphore(%run_scoped3A_87 : memref<!tpu.dma_semaphore, #tpu.memory_space<semaphore_mem>>)
        %dma_wait3A_92 = arith.constant 0 : i32
        %dma_wait3A_93 = tpu.memref_slice %arg14[%add3A_86, %dma_wait3A_92] : memref<10240x64xf32, #tpu.memory_space<vmem_shared>> -> memref<80x64xf32, #tpu.memory_space<vmem_shared>>
        %dma_wait3A_94 = arith.constant 0 : i32
        %dma_wait3A_95 = tpu.memref_slice %arg14[%add3A_86, %dma_wait3A_94] : memref<10240x64xf32, #tpu.memory_space<vmem_shared>> -> memref<80x64xf32, #tpu.memory_space<vmem_shared>>
        tpu.wait_dma2 semaphore(%run_scoped3A_87 : memref<!tpu.dma_semaphore, #tpu.memory_space<semaphore_mem>>) src(%arg13 : memref<80x64xf32, #tpu.memory_space<vmem>>) dst(%dma_wait3A_95 : memref<80x64xf32, #tpu.memory_space<vmem_shared>>)
        tpu.yield
      }) : () -> ()
    }
    %scan3A_9 = arith.constant 8 : i32
    %barrier3A = arith.constant 0 : index
    tpu.barrier barrier_id(%barrier3A)
    %dma_start3A = arith.constant 0 : i32
    %dma_start3A_10 = arith.constant 0 : i32
    %dma_start3A_11 = tpu.memref_slice %arg6[%dma_start3A, %dma_start3A_10] : memref<125x80xi32, #tpu.memory_space<vmem>> -> memref<1x80xi32, #tpu.memory_space<vmem>>
    %dma_start3A_12 = tpu.memref_squeeze %dma_start3A_11 : memref<1x80xi32, #tpu.memory_space<vmem>> -> memref<80xi32, #tpu.memory_space<vmem>>
    %dma_start3A_13 = arith.constant 0 : i32
    %dma_start3A_14 = arith.constant 0 : i32
    %dma_start3A_15 = tpu.memref_slice %arg2[%dma_start3A_13, %dma_start3A_14] : memref<10000x64xf32, #tpu.memory_space<hbm>> -> memref<10000x64xf32, #tpu.memory_space<hbm>>
    tpu.enqueue_indirect_dma source(%dma_start3A_15 : memref<10000x64xf32, #tpu.memory_space<hbm>>) target(%arg8 : memref<80x64xf32, #tpu.memory_space<vmem>>) offsets(%dma_start3A_12 : memref<80xi32, #tpu.memory_space<vmem>>) semaphore(%arg15 : memref<!tpu.dma_semaphore, #tpu.memory_space<semaphore_mem>>)
    %dma_start3A_16 = arith.constant 1 : i32
    %dma_start3A_17 = arith.constant 0 : i32
    %dma_start3A_18 = tpu.memref_slice %arg6[%dma_start3A_16, %dma_start3A_17] : memref<125x80xi32, #tpu.memory_space<vmem>> -> memref<1x80xi32, #tpu.memory_space<vmem>>
    %dma_start3A_19 = tpu.memref_squeeze %dma_start3A_18 : memref<1x80xi32, #tpu.memory_space<vmem>> -> memref<80xi32, #tpu.memory_space<vmem>>
    %dma_start3A_20 = arith.constant 0 : i32
    %dma_start3A_21 = arith.constant 0 : i32
    %dma_start3A_22 = tpu.memref_slice %arg2[%dma_start3A_20, %dma_start3A_21] : memref<10000x64xf32, #tpu.memory_space<hbm>> -> memref<10000x64xf32, #tpu.memory_space<hbm>>
    tpu.enqueue_indirect_dma source(%dma_start3A_22 : memref<10000x64xf32, #tpu.memory_space<hbm>>) target(%arg9 : memref<80x64xf32, #tpu.memory_space<vmem>>) offsets(%dma_start3A_19 : memref<80xi32, #tpu.memory_space<vmem>>) semaphore(%arg16 : memref<!tpu.dma_semaphore, #tpu.memory_space<semaphore_mem>>)
    %dma_start3A_23 = arith.constant 2 : i32
    %dma_start3A_24 = arith.constant 0 : i32
    %dma_start3A_25 = tpu.memref_slice %arg6[%dma_start3A_23, %dma_start3A_24] : memref<125x80xi32, #tpu.memory_space<vmem>> -> memref<1x80xi32, #tpu.memory_space<vmem>>
    %dma_start3A_26 = tpu.memref_squeeze %dma_start3A_25 : memref<1x80xi32, #tpu.memory_space<vmem>> -> memref<80xi32, #tpu.memory_space<vmem>>
    %dma_start3A_27 = arith.constant 0 : i32
    %dma_start3A_28 = arith.constant 0 : i32
    %dma_start3A_29 = tpu.memref_slice %arg2[%dma_start3A_27, %dma_start3A_28] : memref<10000x64xf32, #tpu.memory_space<hbm>> -> memref<10000x64xf32, #tpu.memory_space<hbm>>
    tpu.enqueue_indirect_dma source(%dma_start3A_29 : memref<10000x64xf32, #tpu.memory_space<hbm>>) target(%arg10 : memref<80x64xf32, #tpu.memory_space<vmem>>) offsets(%dma_start3A_26 : memref<80xi32, #tpu.memory_space<vmem>>) semaphore(%arg17 : memref<!tpu.dma_semaphore, #tpu.memory_space<semaphore_mem>>)
    %dma_start3A_30 = arith.constant 3 : i32
    %dma_start3A_31 = arith.constant 0 : i32
    %dma_start3A_32 = tpu.memref_slice %arg6[%dma_start3A_30, %dma_start3A_31] : memref<125x80xi32, #tpu.memory_space<vmem>> -> memref<1x80xi32, #tpu.memory_space<vmem>>
    %dma_start3A_33 = tpu.memref_squeeze %dma_start3A_32 : memref<1x80xi32, #tpu.memory_space<vmem>> -> memref<80xi32, #tpu.memory_space<vmem>>
    %dma_start3A_34 = arith.constant 0 : i32
    %dma_start3A_35 = arith.constant 0 : i32
    %dma_start3A_36 = tpu.memref_slice %arg2[%dma_start3A_34, %dma_start3A_35] : memref<10000x64xf32, #tpu.memory_space<hbm>> -> memref<10000x64xf32, #tpu.memory_space<hbm>>
    tpu.enqueue_indirect_dma source(%dma_start3A_36 : memref<10000x64xf32, #tpu.memory_space<hbm>>) target(%arg11 : memref<80x64xf32, #tpu.memory_space<vmem>>) offsets(%dma_start3A_33 : memref<80xi32, #tpu.memory_space<vmem>>) semaphore(%arg18 : memref<!tpu.dma_semaphore, #tpu.memory_space<semaphore_mem>>)
    %scan3A_37 = arith.constant 0 : i32
    %scan3A_38 = arith.constant 25 : i32
    %scan3A_39 = arith.addi %scan3A_37, %scan3A_38 : i32
    %scan3A_40 = arith.constant 1 : i32
    scf.for %scan3A_81 = %scan3A_37 to %scan3A_39 step %scan3A_40  : i32 {
      %mul3A_82 = arith.constant 5 : i32
      %mul3A_83 = arith.muli %scan3A_81, %mul3A_82 : i32
      %add3A_84 = arith.constant 0 : i32
      %add3A_85 = arith.addi %mul3A_83, %add3A_84 : i32
      %dma_wait3A_86 = arith.constant 0 : i32
      %dma_wait3A_87 = tpu.memref_slice %arg6[%add3A_85, %dma_wait3A_86] : memref<125x80xi32, #tpu.memory_space<vmem>> -> memref<1x80xi32, #tpu.memory_space<vmem>>
      %dma_wait3A_88 = tpu.memref_squeeze %dma_wait3A_87 : memref<1x80xi32, #tpu.memory_space<vmem>> -> memref<80xi32, #tpu.memory_space<vmem>>
      %dma_wait3A_89 = arith.constant 0 : i32
      %dma_wait3A_90 = arith.constant 0 : i32
      %dma_wait3A_91 = tpu.memref_slice %arg2[%dma_wait3A_89, %dma_wait3A_90] : memref<10000x64xf32, #tpu.memory_space<hbm>> -> memref<10000x64xf32, #tpu.memory_space<hbm>>
      tpu.wait_indirect_dma semaphore(%arg15 : memref<!tpu.dma_semaphore, #tpu.memory_space<semaphore_mem>>) src(%dma_wait3A_91 : memref<10000x64xf32, #tpu.memory_space<hbm>>) dst(%arg8 : memref<80x64xf32, #tpu.memory_space<vmem>>)
      %dma_start3A_92 = arith.constant 0 : i32
      %dma_start3A_93 = tpu.memref_slice %arg7[%add3A_85, %dma_start3A_92] : memref<125x80xi32, #tpu.memory_space<vmem>> -> memref<1x80xi32, #tpu.memory_space<vmem>>
      %dma_start3A_94 = tpu.memref_squeeze %dma_start3A_93 : memref<1x80xi32, #tpu.memory_space<vmem>> -> memref<80xi32, #tpu.memory_space<vmem>>
      %dma_start3A_95 = arith.constant 0 : i32
      %dma_start3A_96 = arith.constant 0 : i32
      %dma_start3A_97 = tpu.memref_slice %arg14[%dma_start3A_95, %dma_start3A_96] : memref<10240x64xf32, #tpu.memory_space<vmem_shared>> -> memref<10240x64xf32, #tpu.memory_space<vmem_shared>>
      tpu.enqueue_indirect_dma source(%arg8 : memref<80x64xf32, #tpu.memory_space<vmem>>) target(%dma_start3A_97 : memref<10240x64xf32, #tpu.memory_space<vmem_shared>>) offsets(%dma_start3A_94 : memref<80xi32, #tpu.memory_space<vmem>>) semaphore(%arg20 : memref<!tpu.dma_semaphore, #tpu.memory_space<semaphore_mem>>) {add = true}
      %add3A_98 = arith.constant 5 : i32
      %add3A_99 = arith.addi %add3A_85, %add3A_98 : i32
      %sub3A = arith.constant 1 : i32
      %sub3A_100 = arith.subi %add3A_99, %sub3A : i32
      %lt3A = arith.constant 125 : i32
      %lt3A_101 = arith.cmpi slt, %sub3A_100, %lt3A : i32
      %gt3A = arith.constant 0 : i32
      %gt3A_102 = arith.cmpi sgt, %add3A_85, %gt3A : i32
      %and3A = arith.andi %lt3A_101, %gt3A_102 : i1
      %convert_element_type3A = arith.extui %and3A : i1 to i32
      %cond3A = arith.constant 0 : i32
      %cond3A_103 = arith.cmpi ne, %convert_element_type3A, %cond3A : i32
      scf.if %cond3A_103 {
        %sub3A_241 = arith.constant 1 : i32
        %sub3A_242 = arith.subi %add3A_85, %sub3A_241 : i32
        %dma_wait3A_243 = arith.constant 0 : i32
        %dma_wait3A_244 = tpu.memref_slice %arg7[%sub3A_242, %dma_wait3A_243] : memref<125x80xi32, #tpu.memory_space<vmem>> -> memref<1x80xi32, #tpu.memory_space<vmem>>
        %dma_wait3A_245 = tpu.memref_squeeze %dma_wait3A_244 : memref<1x80xi32, #tpu.memory_space<vmem>> -> memref<80xi32, #tpu.memory_space<vmem>>
        %dma_wait3A_246 = arith.constant 0 : i32
        %dma_wait3A_247 = arith.constant 0 : i32
        %dma_wait3A_248 = tpu.memref_slice %arg14[%dma_wait3A_246, %dma_wait3A_247] : memref<10240x64xf32, #tpu.memory_space<vmem_shared>> -> memref<10240x64xf32, #tpu.memory_space<vmem_shared>>
        tpu.wait_indirect_dma semaphore(%arg24 : memref<!tpu.dma_semaphore, #tpu.memory_space<semaphore_mem>>) src(%arg12 : memref<80x64xf32, #tpu.memory_space<vmem>>) dst(%dma_wait3A_248 : memref<10240x64xf32, #tpu.memory_space<vmem_shared>>)
      } else {
      }
      %lt3A_104 = arith.constant 125 : i32
      %lt3A_105 = arith.cmpi slt, %sub3A_100, %lt3A_104 : i32
      %convert_element_type3A_106 = arith.extui %lt3A_105 : i1 to i32
      %cond3A_107 = arith.constant 0 : i32
      %cond3A_108 = arith.cmpi ne, %convert_element_type3A_106, %cond3A_107 : i32
      scf.if %cond3A_108 {
        %dma_start3A_241 = arith.constant 0 : i32
        %dma_start3A_242 = tpu.memref_slice %arg6[%sub3A_100, %dma_start3A_241] : memref<125x80xi32, #tpu.memory_space<vmem>> -> memref<1x80xi32, #tpu.memory_space<vmem>>
        %dma_start3A_243 = tpu.memref_squeeze %dma_start3A_242 : memref<1x80xi32, #tpu.memory_space<vmem>> -> memref<80xi32, #tpu.memory_space<vmem>>
        %dma_start3A_244 = arith.constant 0 : i32
        %dma_start3A_245 = arith.constant 0 : i32
        %dma_start3A_246 = tpu.memref_slice %arg2[%dma_start3A_244, %dma_start3A_245] : memref<10000x64xf32, #tpu.memory_space<hbm>> -> memref<10000x64xf32, #tpu.memory_space<hbm>>
        tpu.enqueue_indirect_dma source(%dma_start3A_246 : memref<10000x64xf32, #tpu.memory_space<hbm>>) target(%arg12 : memref<80x64xf32, #tpu.memory_space<vmem>>) offsets(%dma_start3A_243 : memref<80xi32, #tpu.memory_space<vmem>>) semaphore(%arg19 : memref<!tpu.dma_semaphore, #tpu.memory_space<semaphore_mem>>)
      } else {
      }
      %mul3A_109 = arith.constant 5 : i32
      %mul3A_110 = arith.muli %scan3A_81, %mul3A_109 : i32
      %add3A_111 = arith.constant 1 : i32
      %add3A_112 = arith.addi %mul3A_110, %add3A_111 : i32
      %dma_wait3A_113 = arith.constant 0 : i32
      %dma_wait3A_114 = tpu.memref_slice %arg6[%add3A_112, %dma_wait3A_113] : memref<125x80xi32, #tpu.memory_space<vmem>> -> memref<1x80xi32, #tpu.memory_space<vmem>>
      %dma_wait3A_115 = tpu.memref_squeeze %dma_wait3A_114 : memref<1x80xi32, #tpu.memory_space<vmem>> -> memref<80xi32, #tpu.memory_space<vmem>>
      %dma_wait3A_116 = arith.constant 0 : i32
      %dma_wait3A_117 = arith.constant 0 : i32
      %dma_wait3A_118 = tpu.memref_slice %arg2[%dma_wait3A_116, %dma_wait3A_117] : memref<10000x64xf32, #tpu.memory_space<hbm>> -> memref<10000x64xf32, #tpu.memory_space<hbm>>
      tpu.wait_indirect_dma semaphore(%arg16 : memref<!tpu.dma_semaphore, #tpu.memory_space<semaphore_mem>>) src(%dma_wait3A_118 : memref<10000x64xf32, #tpu.memory_space<hbm>>) dst(%arg9 : memref<80x64xf32, #tpu.memory_space<vmem>>)
      %dma_start3A_119 = arith.constant 0 : i32
      %dma_start3A_120 = tpu.memref_slice %arg7[%add3A_112, %dma_start3A_119] : memref<125x80xi32, #tpu.memory_space<vmem>> -> memref<1x80xi32, #tpu.memory_space<vmem>>
      %dma_start3A_121 = tpu.memref_squeeze %dma_start3A_120 : memref<1x80xi32, #tpu.memory_space<vmem>> -> memref<80xi32, #tpu.memory_space<vmem>>
      %dma_start3A_122 = arith.constant 0 : i32
      %dma_start3A_123 = arith.constant 0 : i32
      %dma_start3A_124 = tpu.memref_slice %arg14[%dma_start3A_122, %dma_start3A_123] : memref<10240x64xf32, #tpu.memory_space<vmem_shared>> -> memref<10240x64xf32, #tpu.memory_space<vmem_shared>>
      tpu.enqueue_indirect_dma source(%arg9 : memref<80x64xf32, #tpu.memory_space<vmem>>) target(%dma_start3A_124 : memref<10240x64xf32, #tpu.memory_space<vmem_shared>>) offsets(%dma_start3A_121 : memref<80xi32, #tpu.memory_space<vmem>>) semaphore(%arg21 : memref<!tpu.dma_semaphore, #tpu.memory_space<semaphore_mem>>) {add = true}
      %add3A_125 = arith.constant 5 : i32
      %add3A_126 = arith.addi %add3A_112, %add3A_125 : i32
      %sub3A_127 = arith.constant 1 : i32
      %sub3A_128 = arith.subi %add3A_126, %sub3A_127 : i32
      %lt3A_129 = arith.constant 125 : i32
      %lt3A_130 = arith.cmpi slt, %sub3A_128, %lt3A_129 : i32
      %gt3A_131 = arith.constant 0 : i32
      %gt3A_132 = arith.cmpi sgt, %add3A_112, %gt3A_131 : i32
      %and3A_133 = arith.andi %lt3A_130, %gt3A_132 : i1
      %convert_element_type3A_134 = arith.extui %and3A_133 : i1 to i32
      %cond3A_135 = arith.constant 0 : i32
      %cond3A_136 = arith.cmpi ne, %convert_element_type3A_134, %cond3A_135 : i32
      scf.if %cond3A_136 {
        %sub3A_241 = arith.constant 1 : i32
        %sub3A_242 = arith.subi %add3A_112, %sub3A_241 : i32
        %dma_wait3A_243 = arith.constant 0 : i32
        %dma_wait3A_244 = tpu.memref_slice %arg7[%sub3A_242, %dma_wait3A_243] : memref<125x80xi32, #tpu.memory_space<vmem>> -> memref<1x80xi32, #tpu.memory_space<vmem>>
        %dma_wait3A_245 = tpu.memref_squeeze %dma_wait3A_244 : memref<1x80xi32, #tpu.memory_space<vmem>> -> memref<80xi32, #tpu.memory_space<vmem>>
        %dma_wait3A_246 = arith.constant 0 : i32
        %dma_wait3A_247 = arith.constant 0 : i32
        %dma_wait3A_248 = tpu.memref_slice %arg14[%dma_wait3A_246, %dma_wait3A_247] : memref<10240x64xf32, #tpu.memory_space<vmem_shared>> -> memref<10240x64xf32, #tpu.memory_space<vmem_shared>>
        tpu.wait_indirect_dma semaphore(%arg20 : memref<!tpu.dma_semaphore, #tpu.memory_space<semaphore_mem>>) src(%arg8 : memref<80x64xf32, #tpu.memory_space<vmem>>) dst(%dma_wait3A_248 : memref<10240x64xf32, #tpu.memory_space<vmem_shared>>)
      } else {
      }
      %lt3A_137 = arith.constant 125 : i32
      %lt3A_138 = arith.cmpi slt, %sub3A_128, %lt3A_137 : i32
      %convert_element_type3A_139 = arith.extui %lt3A_138 : i1 to i32
      %cond3A_140 = arith.constant 0 : i32
      %cond3A_141 = arith.cmpi ne, %convert_element_type3A_139, %cond3A_140 : i32
      scf.if %cond3A_141 {
        %dma_start3A_241 = arith.constant 0 : i32
        %dma_start3A_242 = tpu.memref_slice %arg6[%sub3A_128, %dma_start3A_241] : memref<125x80xi32, #tpu.memory_space<vmem>> -> memref<1x80xi32, #tpu.memory_space<vmem>>
        %dma_start3A_243 = tpu.memref_squeeze %dma_start3A_242 : memref<1x80xi32, #tpu.memory_space<vmem>> -> memref<80xi32, #tpu.memory_space<vmem>>
        %dma_start3A_244 = arith.constant 0 : i32
        %dma_start3A_245 = arith.constant 0 : i32
        %dma_start3A_246 = tpu.memref_slice %arg2[%dma_start3A_244, %dma_start3A_245] : memref<10000x64xf32, #tpu.memory_space<hbm>> -> memref<10000x64xf32, #tpu.memory_space<hbm>>
        tpu.enqueue_indirect_dma source(%dma_start3A_246 : memref<10000x64xf32, #tpu.memory_space<hbm>>) target(%arg8 : memref<80x64xf32, #tpu.memory_space<vmem>>) offsets(%dma_start3A_243 : memref<80xi32, #tpu.memory_space<vmem>>) semaphore(%arg15 : memref<!tpu.dma_semaphore, #tpu.memory_space<semaphore_mem>>)
      } else {
      }
      %mul3A_142 = arith.constant 5 : i32
      %mul3A_143 = arith.muli %scan3A_81, %mul3A_142 : i32
      %add3A_144 = arith.constant 2 : i32
      %add3A_145 = arith.addi %mul3A_143, %add3A_144 : i32
      %dma_wait3A_146 = arith.constant 0 : i32
      %dma_wait3A_147 = tpu.memref_slice %arg6[%add3A_145, %dma_wait3A_146] : memref<125x80xi32, #tpu.memory_space<vmem>> -> memref<1x80xi32, #tpu.memory_space<vmem>>
      %dma_wait3A_148 = tpu.memref_squeeze %dma_wait3A_147 : memref<1x80xi32, #tpu.memory_space<vmem>> -> memref<80xi32, #tpu.memory_space<vmem>>
      %dma_wait3A_149 = arith.constant 0 : i32
      %dma_wait3A_150 = arith.constant 0 : i32
      %dma_wait3A_151 = tpu.memref_slice %arg2[%dma_wait3A_149, %dma_wait3A_150] : memref<10000x64xf32, #tpu.memory_space<hbm>> -> memref<10000x64xf32, #tpu.memory_space<hbm>>
      tpu.wait_indirect_dma semaphore(%arg17 : memref<!tpu.dma_semaphore, #tpu.memory_space<semaphore_mem>>) src(%dma_wait3A_151 : memref<10000x64xf32, #tpu.memory_space<hbm>>) dst(%arg10 : memref<80x64xf32, #tpu.memory_space<vmem>>)
      %dma_start3A_152 = arith.constant 0 : i32
      %dma_start3A_153 = tpu.memref_slice %arg7[%add3A_145, %dma_start3A_152] : memref<125x80xi32, #tpu.memory_space<vmem>> -> memref<1x80xi32, #tpu.memory_space<vmem>>
      %dma_start3A_154 = tpu.memref_squeeze %dma_start3A_153 : memref<1x80xi32, #tpu.memory_space<vmem>> -> memref<80xi32, #tpu.memory_space<vmem>>
      %dma_start3A_155 = arith.constant 0 : i32
      %dma_start3A_156 = arith.constant 0 : i32
      %dma_start3A_157 = tpu.memref_slice %arg14[%dma_start3A_155, %dma_start3A_156] : memref<10240x64xf32, #tpu.memory_space<vmem_shared>> -> memref<10240x64xf32, #tpu.memory_space<vmem_shared>>
      tpu.enqueue_indirect_dma source(%arg10 : memref<80x64xf32, #tpu.memory_space<vmem>>) target(%dma_start3A_157 : memref<10240x64xf32, #tpu.memory_space<vmem_shared>>) offsets(%dma_start3A_154 : memref<80xi32, #tpu.memory_space<vmem>>) semaphore(%arg22 : memref<!tpu.dma_semaphore, #tpu.memory_space<semaphore_mem>>) {add = true}
      %add3A_158 = arith.constant 5 : i32
      %add3A_159 = arith.addi %add3A_145, %add3A_158 : i32
      %sub3A_160 = arith.constant 1 : i32
      %sub3A_161 = arith.subi %add3A_159, %sub3A_160 : i32
      %lt3A_162 = arith.constant 125 : i32
      %lt3A_163 = arith.cmpi slt, %sub3A_161, %lt3A_162 : i32
      %gt3A_164 = arith.constant 0 : i32
      %gt3A_165 = arith.cmpi sgt, %add3A_145, %gt3A_164 : i32
      %and3A_166 = arith.andi %lt3A_163, %gt3A_165 : i1
      %convert_element_type3A_167 = arith.extui %and3A_166 : i1 to i32
      %cond3A_168 = arith.constant 0 : i32
      %cond3A_169 = arith.cmpi ne, %convert_element_type3A_167, %cond3A_168 : i32
      scf.if %cond3A_169 {
        %sub3A_241 = arith.constant 1 : i32
        %sub3A_242 = arith.subi %add3A_145, %sub3A_241 : i32
        %dma_wait3A_243 = arith.constant 0 : i32
        %dma_wait3A_244 = tpu.memref_slice %arg7[%sub3A_242, %dma_wait3A_243] : memref<125x80xi32, #tpu.memory_space<vmem>> -> memref<1x80xi32, #tpu.memory_space<vmem>>
        %dma_wait3A_245 = tpu.memref_squeeze %dma_wait3A_244 : memref<1x80xi32, #tpu.memory_space<vmem>> -> memref<80xi32, #tpu.memory_space<vmem>>
        %dma_wait3A_246 = arith.constant 0 : i32
        %dma_wait3A_247 = arith.constant 0 : i32
        %dma_wait3A_248 = tpu.memref_slice %arg14[%dma_wait3A_246, %dma_wait3A_247] : memref<10240x64xf32, #tpu.memory_space<vmem_shared>> -> memref<10240x64xf32, #tpu.memory_space<vmem_shared>>
        tpu.wait_indirect_dma semaphore(%arg21 : memref<!tpu.dma_semaphore, #tpu.memory_space<semaphore_mem>>) src(%arg9 : memref<80x64xf32, #tpu.memory_space<vmem>>) dst(%dma_wait3A_248 : memref<10240x64xf32, #tpu.memory_space<vmem_shared>>)
      } else {
      }
      %lt3A_170 = arith.constant 125 : i32
      %lt3A_171 = arith.cmpi slt, %sub3A_161, %lt3A_170 : i32
      %convert_element_type3A_172 = arith.extui %lt3A_171 : i1 to i32
      %cond3A_173 = arith.constant 0 : i32
      %cond3A_174 = arith.cmpi ne, %convert_element_type3A_172, %cond3A_173 : i32
      scf.if %cond3A_174 {
        %dma_start3A_241 = arith.constant 0 : i32
        %dma_start3A_242 = tpu.memref_slice %arg6[%sub3A_161, %dma_start3A_241] : memref<125x80xi32, #tpu.memory_space<vmem>> -> memref<1x80xi32, #tpu.memory_space<vmem>>
        %dma_start3A_243 = tpu.memref_squeeze %dma_start3A_242 : memref<1x80xi32, #tpu.memory_space<vmem>> -> memref<80xi32, #tpu.memory_space<vmem>>
        %dma_start3A_244 = arith.constant 0 : i32
        %dma_start3A_245 = arith.constant 0 : i32
        %dma_start3A_246 = tpu.memref_slice %arg2[%dma_start3A_244, %dma_start3A_245] : memref<10000x64xf32, #tpu.memory_space<hbm>> -> memref<10000x64xf32, #tpu.memory_space<hbm>>
        tpu.enqueue_indirect_dma source(%dma_start3A_246 : memref<10000x64xf32, #tpu.memory_space<hbm>>) target(%arg9 : memref<80x64xf32, #tpu.memory_space<vmem>>) offsets(%dma_start3A_243 : memref<80xi32, #tpu.memory_space<vmem>>) semaphore(%arg16 : memref<!tpu.dma_semaphore, #tpu.memory_space<semaphore_mem>>)
      } else {
      }
      %mul3A_175 = arith.constant 5 : i32
      %mul3A_176 = arith.muli %scan3A_81, %mul3A_175 : i32
      %add3A_177 = arith.constant 3 : i32
      %add3A_178 = arith.addi %mul3A_176, %add3A_177 : i32
      %dma_wait3A_179 = arith.constant 0 : i32
      %dma_wait3A_180 = tpu.memref_slice %arg6[%add3A_178, %dma_wait3A_179] : memref<125x80xi32, #tpu.memory_space<vmem>> -> memref<1x80xi32, #tpu.memory_space<vmem>>
      %dma_wait3A_181 = tpu.memref_squeeze %dma_wait3A_180 : memref<1x80xi32, #tpu.memory_space<vmem>> -> memref<80xi32, #tpu.memory_space<vmem>>
      %dma_wait3A_182 = arith.constant 0 : i32
      %dma_wait3A_183 = arith.constant 0 : i32
      %dma_wait3A_184 = tpu.memref_slice %arg2[%dma_wait3A_182, %dma_wait3A_183] : memref<10000x64xf32, #tpu.memory_space<hbm>> -> memref<10000x64xf32, #tpu.memory_space<hbm>>
      tpu.wait_indirect_dma semaphore(%arg18 : memref<!tpu.dma_semaphore, #tpu.memory_space<semaphore_mem>>) src(%dma_wait3A_184 : memref<10000x64xf32, #tpu.memory_space<hbm>>) dst(%arg11 : memref<80x64xf32, #tpu.memory_space<vmem>>)
      %dma_start3A_185 = arith.constant 0 : i32
      %dma_start3A_186 = tpu.memref_slice %arg7[%add3A_178, %dma_start3A_185] : memref<125x80xi32, #tpu.memory_space<vmem>> -> memref<1x80xi32, #tpu.memory_space<vmem>>
      %dma_start3A_187 = tpu.memref_squeeze %dma_start3A_186 : memref<1x80xi32, #tpu.memory_space<vmem>> -> memref<80xi32, #tpu.memory_space<vmem>>
      %dma_start3A_188 = arith.constant 0 : i32
      %dma_start3A_189 = arith.constant 0 : i32
      %dma_start3A_190 = tpu.memref_slice %arg14[%dma_start3A_188, %dma_start3A_189] : memref<10240x64xf32, #tpu.memory_space<vmem_shared>> -> memref<10240x64xf32, #tpu.memory_space<vmem_shared>>
      tpu.enqueue_indirect_dma source(%arg11 : memref<80x64xf32, #tpu.memory_space<vmem>>) target(%dma_start3A_190 : memref<10240x64xf32, #tpu.memory_space<vmem_shared>>) offsets(%dma_start3A_187 : memref<80xi32, #tpu.memory_space<vmem>>) semaphore(%arg23 : memref<!tpu.dma_semaphore, #tpu.memory_space<semaphore_mem>>) {add = true}
      %add3A_191 = arith.constant 5 : i32
      %add3A_192 = arith.addi %add3A_178, %add3A_191 : i32
      %sub3A_193 = arith.constant 1 : i32
      %sub3A_194 = arith.subi %add3A_192, %sub3A_193 : i32
      %lt3A_195 = arith.constant 125 : i32
      %lt3A_196 = arith.cmpi slt, %sub3A_194, %lt3A_195 : i32
      %gt3A_197 = arith.constant 0 : i32
      %gt3A_198 = arith.cmpi sgt, %add3A_178, %gt3A_197 : i32
      %and3A_199 = arith.andi %lt3A_196, %gt3A_198 : i1
      %convert_element_type3A_200 = arith.extui %and3A_199 : i1 to i32
      %cond3A_201 = arith.constant 0 : i32
      %cond3A_202 = arith.cmpi ne, %convert_element_type3A_200, %cond3A_201 : i32
      scf.if %cond3A_202 {
        %sub3A_241 = arith.constant 1 : i32
        %sub3A_242 = arith.subi %add3A_178, %sub3A_241 : i32
        %dma_wait3A_243 = arith.constant 0 : i32
        %dma_wait3A_244 = tpu.memref_slice %arg7[%sub3A_242, %dma_wait3A_243] : memref<125x80xi32, #tpu.memory_space<vmem>> -> memref<1x80xi32, #tpu.memory_space<vmem>>
        %dma_wait3A_245 = tpu.memref_squeeze %dma_wait3A_244 : memref<1x80xi32, #tpu.memory_space<vmem>> -> memref<80xi32, #tpu.memory_space<vmem>>
        %dma_wait3A_246 = arith.constant 0 : i32
        %dma_wait3A_247 = arith.constant 0 : i32
        %dma_wait3A_248 = tpu.memref_slice %arg14[%dma_wait3A_246, %dma_wait3A_247] : memref<10240x64xf32, #tpu.memory_space<vmem_shared>> -> memref<10240x64xf32, #tpu.memory_space<vmem_shared>>
        tpu.wait_indirect_dma semaphore(%arg22 : memref<!tpu.dma_semaphore, #tpu.memory_space<semaphore_mem>>) src(%arg10 : memref<80x64xf32, #tpu.memory_space<vmem>>) dst(%dma_wait3A_248 : memref<10240x64xf32, #tpu.memory_space<vmem_shared>>)
      } else {
      }
      %lt3A_203 = arith.constant 125 : i32
      %lt3A_204 = arith.cmpi slt, %sub3A_194, %lt3A_203 : i32
      %convert_element_type3A_205 = arith.extui %lt3A_204 : i1 to i32
      %cond3A_206 = arith.constant 0 : i32
      %cond3A_207 = arith.cmpi ne, %convert_element_type3A_205, %cond3A_206 : i32
      scf.if %cond3A_207 {
        %dma_start3A_241 = arith.constant 0 : i32
        %dma_start3A_242 = tpu.memref_slice %arg6[%sub3A_194, %dma_start3A_241] : memref<125x80xi32, #tpu.memory_space<vmem>> -> memref<1x80xi32, #tpu.memory_space<vmem>>
        %dma_start3A_243 = tpu.memref_squeeze %dma_start3A_242 : memref<1x80xi32, #tpu.memory_space<vmem>> -> memref<80xi32, #tpu.memory_space<vmem>>
        %dma_start3A_244 = arith.constant 0 : i32
        %dma_start3A_245 = arith.constant 0 : i32
        %dma_start3A_246 = tpu.memref_slice %arg2[%dma_start3A_244, %dma_start3A_245] : memref<10000x64xf32, #tpu.memory_space<hbm>> -> memref<10000x64xf32, #tpu.memory_space<hbm>>
        tpu.enqueue_indirect_dma source(%dma_start3A_246 : memref<10000x64xf32, #tpu.memory_space<hbm>>) target(%arg10 : memref<80x64xf32, #tpu.memory_space<vmem>>) offsets(%dma_start3A_243 : memref<80xi32, #tpu.memory_space<vmem>>) semaphore(%arg17 : memref<!tpu.dma_semaphore, #tpu.memory_space<semaphore_mem>>)
      } else {
      }
      %mul3A_208 = arith.constant 5 : i32
      %mul3A_209 = arith.muli %scan3A_81, %mul3A_208 : i32
      %add3A_210 = arith.constant 4 : i32
      %add3A_211 = arith.addi %mul3A_209, %add3A_210 : i32
      %dma_wait3A_212 = arith.constant 0 : i32
      %dma_wait3A_213 = tpu.memref_slice %arg6[%add3A_211, %dma_wait3A_212] : memref<125x80xi32, #tpu.memory_space<vmem>> -> memref<1x80xi32, #tpu.memory_space<vmem>>
      %dma_wait3A_214 = tpu.memref_squeeze %dma_wait3A_213 : memref<1x80xi32, #tpu.memory_space<vmem>> -> memref<80xi32, #tpu.memory_space<vmem>>
      %dma_wait3A_215 = arith.constant 0 : i32
      %dma_wait3A_216 = arith.constant 0 : i32
      %dma_wait3A_217 = tpu.memref_slice %arg2[%dma_wait3A_215, %dma_wait3A_216] : memref<10000x64xf32, #tpu.memory_space<hbm>> -> memref<10000x64xf32, #tpu.memory_space<hbm>>
      tpu.wait_indirect_dma semaphore(%arg19 : memref<!tpu.dma_semaphore, #tpu.memory_space<semaphore_mem>>) src(%dma_wait3A_217 : memref<10000x64xf32, #tpu.memory_space<hbm>>) dst(%arg12 : memref<80x64xf32, #tpu.memory_space<vmem>>)
      %dma_start3A_218 = arith.constant 0 : i32
      %dma_start3A_219 = tpu.memref_slice %arg7[%add3A_211, %dma_start3A_218] : memref<125x80xi32, #tpu.memory_space<vmem>> -> memref<1x80xi32, #tpu.memory_space<vmem>>
      %dma_start3A_220 = tpu.memref_squeeze %dma_start3A_219 : memref<1x80xi32, #tpu.memory_space<vmem>> -> memref<80xi32, #tpu.memory_space<vmem>>
      %dma_start3A_221 = arith.constant 0 : i32
      %dma_start3A_222 = arith.constant 0 : i32
      %dma_start3A_223 = tpu.memref_slice %arg14[%dma_start3A_221, %dma_start3A_222] : memref<10240x64xf32, #tpu.memory_space<vmem_shared>> -> memref<10240x64xf32, #tpu.memory_space<vmem_shared>>
      tpu.enqueue_indirect_dma source(%arg12 : memref<80x64xf32, #tpu.memory_space<vmem>>) target(%dma_start3A_223 : memref<10240x64xf32, #tpu.memory_space<vmem_shared>>) offsets(%dma_start3A_220 : memref<80xi32, #tpu.memory_space<vmem>>) semaphore(%arg24 : memref<!tpu.dma_semaphore, #tpu.memory_space<semaphore_mem>>) {add = true}
      %add3A_224 = arith.constant 5 : i32
      %add3A_225 = arith.addi %add3A_211, %add3A_224 : i32
      %sub3A_226 = arith.constant 1 : i32
      %sub3A_227 = arith.subi %add3A_225, %sub3A_226 : i32
      %lt3A_228 = arith.constant 125 : i32
      %lt3A_229 = arith.cmpi slt, %sub3A_227, %lt3A_228 : i32
      %gt3A_230 = arith.constant 0 : i32
      %gt3A_231 = arith.cmpi sgt, %add3A_211, %gt3A_230 : i32
      %and3A_232 = arith.andi %lt3A_229, %gt3A_231 : i1
      %convert_element_type3A_233 = arith.extui %and3A_232 : i1 to i32
      %cond3A_234 = arith.constant 0 : i32
      %cond3A_235 = arith.cmpi ne, %convert_element_type3A_233, %cond3A_234 : i32
      scf.if %cond3A_235 {
        %sub3A_241 = arith.constant 1 : i32
        %sub3A_242 = arith.subi %add3A_211, %sub3A_241 : i32
        %dma_wait3A_243 = arith.constant 0 : i32
        %dma_wait3A_244 = tpu.memref_slice %arg7[%sub3A_242, %dma_wait3A_243] : memref<125x80xi32, #tpu.memory_space<vmem>> -> memref<1x80xi32, #tpu.memory_space<vmem>>
        %dma_wait3A_245 = tpu.memref_squeeze %dma_wait3A_244 : memref<1x80xi32, #tpu.memory_space<vmem>> -> memref<80xi32, #tpu.memory_space<vmem>>
        %dma_wait3A_246 = arith.constant 0 : i32
        %dma_wait3A_247 = arith.constant 0 : i32
        %dma_wait3A_248 = tpu.memref_slice %arg14[%dma_wait3A_246, %dma_wait3A_247] : memref<10240x64xf32, #tpu.memory_space<vmem_shared>> -> memref<10240x64xf32, #tpu.memory_space<vmem_shared>>
        tpu.wait_indirect_dma semaphore(%arg23 : memref<!tpu.dma_semaphore, #tpu.memory_space<semaphore_mem>>) src(%arg11 : memref<80x64xf32, #tpu.memory_space<vmem>>) dst(%dma_wait3A_248 : memref<10240x64xf32, #tpu.memory_space<vmem_shared>>)
      } else {
      }
      %lt3A_236 = arith.constant 125 : i32
      %lt3A_237 = arith.cmpi slt, %sub3A_227, %lt3A_236 : i32
      %convert_element_type3A_238 = arith.extui %lt3A_237 : i1 to i32
      %cond3A_239 = arith.constant 0 : i32
      %cond3A_240 = arith.cmpi ne, %convert_element_type3A_238, %cond3A_239 : i32
      scf.if %cond3A_240 {
        %dma_start3A_241 = arith.constant 0 : i32
        %dma_start3A_242 = tpu.memref_slice %arg6[%sub3A_227, %dma_start3A_241] : memref<125x80xi32, #tpu.memory_space<vmem>> -> memref<1x80xi32, #tpu.memory_space<vmem>>
        %dma_start3A_243 = tpu.memref_squeeze %dma_start3A_242 : memref<1x80xi32, #tpu.memory_space<vmem>> -> memref<80xi32, #tpu.memory_space<vmem>>
        %dma_start3A_244 = arith.constant 0 : i32
        %dma_start3A_245 = arith.constant 0 : i32
        %dma_start3A_246 = tpu.memref_slice %arg2[%dma_start3A_244, %dma_start3A_245] : memref<10000x64xf32, #tpu.memory_space<hbm>> -> memref<10000x64xf32, #tpu.memory_space<hbm>>
        tpu.enqueue_indirect_dma source(%dma_start3A_246 : memref<10000x64xf32, #tpu.memory_space<hbm>>) target(%arg11 : memref<80x64xf32, #tpu.memory_space<vmem>>) offsets(%dma_start3A_243 : memref<80xi32, #tpu.memory_space<vmem>>) semaphore(%arg18 : memref<!tpu.dma_semaphore, #tpu.memory_space<semaphore_mem>>)
      } else {
      }
    }
    %scan3A_41 = arith.constant 25 : i32
    %dma_wait3A = arith.constant 0 : i32
    %dma_wait3A_42 = arith.constant 0 : i32
    %dma_wait3A_43 = tpu.memref_slice %arg7[%dma_wait3A, %dma_wait3A_42] : memref<125x80xi32, #tpu.memory_space<vmem>> -> memref<1x80xi32, #tpu.memory_space<vmem>>
    %dma_wait3A_44 = tpu.memref_squeeze %dma_wait3A_43 : memref<1x80xi32, #tpu.memory_space<vmem>> -> memref<80xi32, #tpu.memory_space<vmem>>
    %dma_wait3A_45 = arith.constant 0 : i32
    %dma_wait3A_46 = arith.constant 0 : i32
    %dma_wait3A_47 = tpu.memref_slice %arg14[%dma_wait3A_45, %dma_wait3A_46] : memref<10240x64xf32, #tpu.memory_space<vmem_shared>> -> memref<10240x64xf32, #tpu.memory_space<vmem_shared>>
    tpu.wait_indirect_dma semaphore(%arg20 : memref<!tpu.dma_semaphore, #tpu.memory_space<semaphore_mem>>) src(%arg8 : memref<80x64xf32, #tpu.memory_space<vmem>>) dst(%dma_wait3A_47 : memref<10240x64xf32, #tpu.memory_space<vmem_shared>>)
    %dma_wait3A_48 = arith.constant 0 : i32
    %dma_wait3A_49 = arith.constant 0 : i32
    %dma_wait3A_50 = tpu.memref_slice %arg7[%dma_wait3A_48, %dma_wait3A_49] : memref<125x80xi32, #tpu.memory_space<vmem>> -> memref<1x80xi32, #tpu.memory_space<vmem>>
    %dma_wait3A_51 = tpu.memref_squeeze %dma_wait3A_50 : memref<1x80xi32, #tpu.memory_space<vmem>> -> memref<80xi32, #tpu.memory_space<vmem>>
    %dma_wait3A_52 = arith.constant 0 : i32
    %dma_wait3A_53 = arith.constant 0 : i32
    %dma_wait3A_54 = tpu.memref_slice %arg14[%dma_wait3A_52, %dma_wait3A_53] : memref<10240x64xf32, #tpu.memory_space<vmem_shared>> -> memref<10240x64xf32, #tpu.memory_space<vmem_shared>>
    tpu.wait_indirect_dma semaphore(%arg21 : memref<!tpu.dma_semaphore, #tpu.memory_space<semaphore_mem>>) src(%arg9 : memref<80x64xf32, #tpu.memory_space<vmem>>) dst(%dma_wait3A_54 : memref<10240x64xf32, #tpu.memory_space<vmem_shared>>)
    %dma_wait3A_55 = arith.constant 0 : i32
    %dma_wait3A_56 = arith.constant 0 : i32
    %dma_wait3A_57 = tpu.memref_slice %arg7[%dma_wait3A_55, %dma_wait3A_56] : memref<125x80xi32, #tpu.memory_space<vmem>> -> memref<1x80xi32, #tpu.memory_space<vmem>>
    %dma_wait3A_58 = tpu.memref_squeeze %dma_wait3A_57 : memref<1x80xi32, #tpu.memory_space<vmem>> -> memref<80xi32, #tpu.memory_space<vmem>>
    %dma_wait3A_59 = arith.constant 0 : i32
    %dma_wait3A_60 = arith.constant 0 : i32
    %dma_wait3A_61 = tpu.memref_slice %arg14[%dma_wait3A_59, %dma_wait3A_60] : memref<10240x64xf32, #tpu.memory_space<vmem_shared>> -> memref<10240x64xf32, #tpu.memory_space<vmem_shared>>
    tpu.wait_indirect_dma semaphore(%arg22 : memref<!tpu.dma_semaphore, #tpu.memory_space<semaphore_mem>>) src(%arg10 : memref<80x64xf32, #tpu.memory_space<vmem>>) dst(%dma_wait3A_61 : memref<10240x64xf32, #tpu.memory_space<vmem_shared>>)
    %dma_wait3A_62 = arith.constant 0 : i32
    %dma_wait3A_63 = arith.constant 0 : i32
    %dma_wait3A_64 = tpu.memref_slice %arg7[%dma_wait3A_62, %dma_wait3A_63] : memref<125x80xi32, #tpu.memory_space<vmem>> -> memref<1x80xi32, #tpu.memory_space<vmem>>
    %dma_wait3A_65 = tpu.memref_squeeze %dma_wait3A_64 : memref<1x80xi32, #tpu.memory_space<vmem>> -> memref<80xi32, #tpu.memory_space<vmem>>
    %dma_wait3A_66 = arith.constant 0 : i32
    %dma_wait3A_67 = arith.constant 0 : i32
    %dma_wait3A_68 = tpu.memref_slice %arg14[%dma_wait3A_66, %dma_wait3A_67] : memref<10240x64xf32, #tpu.memory_space<vmem_shared>> -> memref<10240x64xf32, #tpu.memory_space<vmem_shared>>
    tpu.wait_indirect_dma semaphore(%arg23 : memref<!tpu.dma_semaphore, #tpu.memory_space<semaphore_mem>>) src(%arg11 : memref<80x64xf32, #tpu.memory_space<vmem>>) dst(%dma_wait3A_68 : memref<10240x64xf32, #tpu.memory_space<vmem_shared>>)
    %dma_wait3A_69 = arith.constant 0 : i32
    %dma_wait3A_70 = arith.constant 0 : i32
    %dma_wait3A_71 = tpu.memref_slice %arg7[%dma_wait3A_69, %dma_wait3A_70] : memref<125x80xi32, #tpu.memory_space<vmem>> -> memref<1x80xi32, #tpu.memory_space<vmem>>
    %dma_wait3A_72 = tpu.memref_squeeze %dma_wait3A_71 : memref<1x80xi32, #tpu.memory_space<vmem>> -> memref<80xi32, #tpu.memory_space<vmem>>
    %dma_wait3A_73 = arith.constant 0 : i32
    %dma_wait3A_74 = arith.constant 0 : i32
    %dma_wait3A_75 = tpu.memref_slice %arg14[%dma_wait3A_73, %dma_wait3A_74] : memref<10240x64xf32, #tpu.memory_space<vmem_shared>> -> memref<10240x64xf32, #tpu.memory_space<vmem_shared>>
    tpu.wait_indirect_dma semaphore(%arg24 : memref<!tpu.dma_semaphore, #tpu.memory_space<semaphore_mem>>) src(%arg12 : memref<80x64xf32, #tpu.memory_space<vmem>>) dst(%dma_wait3A_75 : memref<10240x64xf32, #tpu.memory_space<vmem_shared>>)
    %barrier3A_76 = arith.constant 0 : index
    tpu.barrier barrier_id(%barrier3A_76)
    %mul3A_77 = arith.constant 640 : i32
    %mul3A_78 = arith.muli %arg1, %mul3A_77 : i32
    %mul3A_79 = arith.constant 640 : i32
    %mul3A_80 = arith.muli %arg1, %mul3A_79 : i32
    %run_scoped3A = arith.constant 0 : i32
    "tpu.region"() ({
      %run_scoped3A_81 = tpu.sem_alloc : memref<!tpu.dma_semaphore, #tpu.memory_space<semaphore_mem>>
      %dma_start3A_82 = arith.constant 0 : i32
      %dma_start3A_83 = tpu.memref_slice %arg5[%arg0, %run_scoped3A, %mul3A_80, %dma_start3A_82] : memref<2x1x10240x64xf32, #tpu.memory_space<hbm>> -> memref<1x1x640x64xf32, #tpu.memory_space<hbm>>
      %dma_start3A_84 = tpu.memref_squeeze %dma_start3A_83 : memref<1x1x640x64xf32, #tpu.memory_space<hbm>> -> memref<640x64xf32, #tpu.memory_space<hbm>>
      %dma_start3A_85 = arith.constant 0 : i32
      %dma_start3A_86 = tpu.memref_slice %arg14[%mul3A_78, %dma_start3A_85] : memref<10240x64xf32, #tpu.memory_space<vmem_shared>> -> memref<640x64xf32, #tpu.memory_space<vmem_shared>>
      tpu.enqueue_dma source(%dma_start3A_86 : memref<640x64xf32, #tpu.memory_space<vmem_shared>>) target(%dma_start3A_84 : memref<640x64xf32, #tpu.memory_space<hbm>>) target_semaphore(%run_scoped3A_81 : memref<!tpu.dma_semaphore, #tpu.memory_space<semaphore_mem>>)
      %dma_wait3A_87 = arith.constant 0 : i32
      %dma_wait3A_88 = tpu.memref_slice %arg5[%arg0, %run_scoped3A, %mul3A_80, %dma_wait3A_87] : memref<2x1x10240x64xf32, #tpu.memory_space<hbm>> -> memref<1x1x640x64xf32, #tpu.memory_space<hbm>>
      %dma_wait3A_89 = tpu.memref_squeeze %dma_wait3A_88 : memref<1x1x640x64xf32, #tpu.memory_space<hbm>> -> memref<640x64xf32, #tpu.memory_space<hbm>>
      %dma_wait3A_90 = arith.constant 0 : i32
      %dma_wait3A_91 = tpu.memref_slice %arg14[%mul3A_78, %dma_wait3A_90] : memref<10240x64xf32, #tpu.memory_space<vmem_shared>> -> memref<640x64xf32, #tpu.memory_space<vmem_shared>>
      tpu.wait_dma2 semaphore(%run_scoped3A_81 : memref<!tpu.dma_semaphore, #tpu.memory_space<semaphore_mem>>) src(%dma_wait3A_91 : memref<640x64xf32, #tpu.memory_space<vmem_shared>>) dst(%dma_wait3A_89 : memref<640x64xf32, #tpu.memory_space<hbm>>)
      tpu.yield
    }) : () -> ()
    return
  }
}

#map = affine_map<(d0, d1) -> (0, 0, 0)>
module attributes {stable_mosaic.version = 14 : i64} {
  func.func @_deg_body(%arg0: i32, %arg1: i32, %arg2: memref<32x125x80xi32, #tpu.memory_space<hbm>>, %arg3: memref<2x10240x16xf32, #tpu.memory_space<hbm>>, %arg4: memref<125x80xi32, #tpu.memory_space<vmem>>, %arg5: memref<80x16xf32, #tpu.memory_space<vmem>>, %arg6: memref<80x16xf32, #tpu.memory_space<vmem>>, %arg7: memref<10240x16xf32, #tpu.memory_space<vmem_shared>>, %arg8: memref<!tpu.dma_semaphore, #tpu.memory_space<semaphore_mem>>) attributes {dimension_semantics = [#tpu.dimension_semantics<core_parallel>, #tpu.dimension_semantics<subcore_parallel>], iteration_bounds = array<i64: 2, 16>, scalar_prefetch = 0 : i64, scratch_operands = 5 : i64, tpu.core_type = #tpu.core_type<sc_vector_subcore>, window_params = [{transform_indices = #map}, {transform_indices = #map}]} {
    %mul3A = arith.constant 16 : i32
    %mul3A_0 = arith.muli %arg0, %mul3A : i32
    %add3A = arith.addi %mul3A_0, %arg1 : i32
    %scan3A = arith.constant 0 : i32
    %scan3A_1 = arith.constant 80 : i32
    %scan3A_2 = arith.addi %scan3A, %scan3A_1 : i32
    %scan3A_3 = arith.constant 1 : i32
    scf.for %scan3A_25 = %scan3A to %scan3A_2 step %scan3A_3  : i32 {
      %broadcast_in_dim3A = arith.constant 1.000000e+00 : f32
      %broadcast_in_dim3A_26 = vector.broadcast %broadcast_in_dim3A : f32 to vector<16xf32>
      %swap3A = arith.index_cast %scan3A_25 : i32 to index
      %swap3A_27 = arith.constant 0 : index
      %swap3A_28 = tpu.vector_load %arg5[%swap3A, %swap3A_27] {strides = array<i32>} : memref<80x16xf32, #tpu.memory_space<vmem>>, vector<1x16xf32>,
      %swap3A_29 = vector.shape_cast %swap3A_28 : vector<1x16xf32> to vector<16xf32>
      %swap3A_30 = vector.shape_cast %broadcast_in_dim3A_26 : vector<16xf32> to vector<1x16xf32>
      tpu.vector_store %arg5[%swap3A, %swap3A_27], %swap3A_30 {strides = array<i32>} : memref<80x16xf32, #tpu.memory_space<vmem>>, vector<1x16xf32>,
      %broadcast_in_dim3A_31 = arith.constant 0.000000e+00 : f32
      %broadcast_in_dim3A_32 = vector.broadcast %broadcast_in_dim3A_31 : f32 to vector<16xf32>
      %swap3A_33 = arith.index_cast %scan3A_25 : i32 to index
      %swap3A_34 = arith.constant 0 : index
      %swap3A_35 = tpu.vector_load %arg6[%swap3A_33, %swap3A_34] {strides = array<i32>} : memref<80x16xf32, #tpu.memory_space<vmem>>, vector<1x16xf32>,
      %swap3A_36 = vector.shape_cast %swap3A_35 : vector<1x16xf32> to vector<16xf32>
      %swap3A_37 = vector.shape_cast %broadcast_in_dim3A_32 : vector<16xf32> to vector<1x16xf32>
      tpu.vector_store %arg6[%swap3A_33, %swap3A_34], %swap3A_37 {strides = array<i32>} : memref<80x16xf32, #tpu.memory_space<vmem>>, vector<1x16xf32>,
    }
    %scan3A_4 = arith.constant 80 : i32
    %scan3A_5 = arith.constant 0 : i32
    %scan3A_6 = arith.constant 8 : i32
    %scan3A_7 = arith.addi %scan3A_5, %scan3A_6 : i32
    %scan3A_8 = arith.constant 1 : i32
    scf.for %scan3A_25 = %scan3A_5 to %scan3A_7 step %scan3A_8  : i32 {
      %mul3A_26 = arith.constant 640 : i32
      %mul3A_27 = arith.muli %arg1, %mul3A_26 : i32
      %mul3A_28 = arith.constant 80 : i32
      %mul3A_29 = arith.muli %scan3A_25, %mul3A_28 : i32
      %add3A_30 = arith.addi %mul3A_27, %mul3A_29 : i32
      "tpu.region"() ({
        %run_scoped3A = tpu.sem_alloc : memref<!tpu.dma_semaphore, #tpu.memory_space<semaphore_mem>>
        %dma_start3A = arith.constant 0 : i32
        %dma_start3A_31 = tpu.memref_slice %arg7[%add3A_30, %dma_start3A] : memref<10240x16xf32, #tpu.memory_space<vmem_shared>> -> memref<80x16xf32, #tpu.memory_space<vmem_shared>>
        %dma_start3A_32 = arith.constant 0 : i32
        %dma_start3A_33 = tpu.memref_slice %arg7[%add3A_30, %dma_start3A_32] : memref<10240x16xf32, #tpu.memory_space<vmem_shared>> -> memref<80x16xf32, #tpu.memory_space<vmem_shared>>
        tpu.enqueue_dma source(%arg6 : memref<80x16xf32, #tpu.memory_space<vmem>>) target(%dma_start3A_33 : memref<80x16xf32, #tpu.memory_space<vmem_shared>>) target_semaphore(%run_scoped3A : memref<!tpu.dma_semaphore, #tpu.memory_space<semaphore_mem>>)
        %dma_wait3A = arith.constant 0 : i32
        %dma_wait3A_34 = tpu.memref_slice %arg7[%add3A_30, %dma_wait3A] : memref<10240x16xf32, #tpu.memory_space<vmem_shared>> -> memref<80x16xf32, #tpu.memory_space<vmem_shared>>
        %dma_wait3A_35 = arith.constant 0 : i32
        %dma_wait3A_36 = tpu.memref_slice %arg7[%add3A_30, %dma_wait3A_35] : memref<10240x16xf32, #tpu.memory_space<vmem_shared>> -> memref<80x16xf32, #tpu.memory_space<vmem_shared>>
        tpu.wait_dma2 semaphore(%run_scoped3A : memref<!tpu.dma_semaphore, #tpu.memory_space<semaphore_mem>>) src(%arg6 : memref<80x16xf32, #tpu.memory_space<vmem>>) dst(%dma_wait3A_36 : memref<80x16xf32, #tpu.memory_space<vmem_shared>>)
        tpu.yield
      }) : () -> ()
    }
    %scan3A_9 = arith.constant 8 : i32
    %barrier3A = arith.constant 0 : index
    tpu.barrier barrier_id(%barrier3A)
    "tpu.region"() ({
      %run_scoped3A = tpu.sem_alloc : memref<!tpu.dma_semaphore, #tpu.memory_space<semaphore_mem>>
      %dma_start3A = arith.constant 0 : i32
      %dma_start3A_25 = arith.constant 0 : i32
      %dma_start3A_26 = tpu.memref_slice %arg2[%add3A, %dma_start3A, %dma_start3A_25] : memref<32x125x80xi32, #tpu.memory_space<hbm>> -> memref<1x125x80xi32, #tpu.memory_space<hbm>>
      %dma_start3A_27 = tpu.memref_squeeze %dma_start3A_26 : memref<1x125x80xi32, #tpu.memory_space<hbm>> -> memref<125x80xi32, #tpu.memory_space<hbm>>
      %dma_start3A_28 = arith.constant 0 : i32
      %dma_start3A_29 = arith.constant 0 : i32
      %dma_start3A_30 = tpu.memref_slice %arg2[%add3A, %dma_start3A_28, %dma_start3A_29] : memref<32x125x80xi32, #tpu.memory_space<hbm>> -> memref<1x125x80xi32, #tpu.memory_space<hbm>>
      %dma_start3A_31 = tpu.memref_squeeze %dma_start3A_30 : memref<1x125x80xi32, #tpu.memory_space<hbm>> -> memref<125x80xi32, #tpu.memory_space<hbm>>
      tpu.enqueue_dma source(%dma_start3A_31 : memref<125x80xi32, #tpu.memory_space<hbm>>) target(%arg4 : memref<125x80xi32, #tpu.memory_space<vmem>>) target_semaphore(%run_scoped3A : memref<!tpu.dma_semaphore, #tpu.memory_space<semaphore_mem>>)
      %dma_wait3A = arith.constant 0 : i32
      %dma_wait3A_32 = arith.constant 0 : i32
      %dma_wait3A_33 = tpu.memref_slice %arg2[%add3A, %dma_wait3A, %dma_wait3A_32] : memref<32x125x80xi32, #tpu.memory_space<hbm>> -> memref<1x125x80xi32, #tpu.memory_space<hbm>>
      %dma_wait3A_34 = tpu.memref_squeeze %dma_wait3A_33 : memref<1x125x80xi32, #tpu.memory_space<hbm>> -> memref<125x80xi32, #tpu.memory_space<hbm>>
      %dma_wait3A_35 = arith.constant 0 : i32
      %dma_wait3A_36 = arith.constant 0 : i32
      %dma_wait3A_37 = tpu.memref_slice %arg2[%add3A, %dma_wait3A_35, %dma_wait3A_36] : memref<32x125x80xi32, #tpu.memory_space<hbm>> -> memref<1x125x80xi32, #tpu.memory_space<hbm>>
      %dma_wait3A_38 = tpu.memref_squeeze %dma_wait3A_37 : memref<1x125x80xi32, #tpu.memory_space<hbm>> -> memref<125x80xi32, #tpu.memory_space<hbm>>
      tpu.wait_dma2 semaphore(%run_scoped3A : memref<!tpu.dma_semaphore, #tpu.memory_space<semaphore_mem>>) src(%dma_wait3A_38 : memref<125x80xi32, #tpu.memory_space<hbm>>) dst(%arg4 : memref<125x80xi32, #tpu.memory_space<vmem>>)
      tpu.yield
    }) : () -> ()
    %scan3A_10 = arith.constant 0 : i32
    %scan3A_11 = arith.constant 125 : i32
    %scan3A_12 = arith.addi %scan3A_10, %scan3A_11 : i32
    %scan3A_13 = arith.constant 1 : i32
    scf.for %scan3A_25 = %scan3A_10 to %scan3A_12 step %scan3A_13  : i32 {
      %dma_start3A = arith.constant 0 : i32
      %dma_start3A_26 = tpu.memref_slice %arg4[%scan3A_25, %dma_start3A] : memref<125x80xi32, #tpu.memory_space<vmem>> -> memref<1x80xi32, #tpu.memory_space<vmem>>
      %dma_start3A_27 = tpu.memref_squeeze %dma_start3A_26 : memref<1x80xi32, #tpu.memory_space<vmem>> -> memref<80xi32, #tpu.memory_space<vmem>>
      %dma_start3A_28 = arith.constant 0 : i32
      %dma_start3A_29 = arith.constant 0 : i32
      %dma_start3A_30 = tpu.memref_slice %arg7[%dma_start3A_28, %dma_start3A_29] : memref<10240x16xf32, #tpu.memory_space<vmem_shared>> -> memref<10240x16xf32, #tpu.memory_space<vmem_shared>>
      tpu.enqueue_indirect_dma source(%arg5 : memref<80x16xf32, #tpu.memory_space<vmem>>) target(%dma_start3A_30 : memref<10240x16xf32, #tpu.memory_space<vmem_shared>>) offsets(%dma_start3A_27 : memref<80xi32, #tpu.memory_space<vmem>>) semaphore(%arg8 : memref<!tpu.dma_semaphore, #tpu.memory_space<semaphore_mem>>) {add = true}
    }
    %scan3A_14 = arith.constant 125 : i32
    %scan3A_15 = arith.constant 0 : i32
    %scan3A_16 = arith.constant 125 : i32
    %scan3A_17 = arith.addi %scan3A_15, %scan3A_16 : i32
    %scan3A_18 = arith.constant 1 : i32
    scf.for %scan3A_25 = %scan3A_15 to %scan3A_17 step %scan3A_18  : i32 {
      %dma_wait3A = arith.constant 0 : i32
      %dma_wait3A_26 = tpu.memref_slice %arg4[%scan3A_25, %dma_wait3A] : memref<125x80xi32, #tpu.memory_space<vmem>> -> memref<1x80xi32, #tpu.memory_space<vmem>>
      %dma_wait3A_27 = tpu.memref_squeeze %dma_wait3A_26 : memref<1x80xi32, #tpu.memory_space<vmem>> -> memref<80xi32, #tpu.memory_space<vmem>>
      %dma_wait3A_28 = arith.constant 0 : i32
      %dma_wait3A_29 = arith.constant 0 : i32
      %dma_wait3A_30 = tpu.memref_slice %arg7[%dma_wait3A_28, %dma_wait3A_29] : memref<10240x16xf32, #tpu.memory_space<vmem_shared>> -> memref<10240x16xf32, #tpu.memory_space<vmem_shared>>
      tpu.wait_indirect_dma semaphore(%arg8 : memref<!tpu.dma_semaphore, #tpu.memory_space<semaphore_mem>>) src(%arg5 : memref<80x16xf32, #tpu.memory_space<vmem>>) dst(%dma_wait3A_30 : memref<10240x16xf32, #tpu.memory_space<vmem_shared>>)
    }
    %scan3A_19 = arith.constant 125 : i32
    %barrier3A_20 = arith.constant 0 : index
    tpu.barrier barrier_id(%barrier3A_20)
    %mul3A_21 = arith.constant 640 : i32
    %mul3A_22 = arith.muli %arg1, %mul3A_21 : i32
    %mul3A_23 = arith.constant 640 : i32
    %mul3A_24 = arith.muli %arg1, %mul3A_23 : i32
    "tpu.region"() ({
      %run_scoped3A = tpu.sem_alloc : memref<!tpu.dma_semaphore, #tpu.memory_space<semaphore_mem>>
      %dma_start3A = arith.constant 0 : i32
      %dma_start3A_25 = tpu.memref_slice %arg3[%arg0, %mul3A_24, %dma_start3A] : memref<2x10240x16xf32, #tpu.memory_space<hbm>> -> memref<1x640x16xf32, #tpu.memory_space<hbm>>
      %dma_start3A_26 = tpu.memref_squeeze %dma_start3A_25 : memref<1x640x16xf32, #tpu.memory_space<hbm>> -> memref<640x16xf32, #tpu.memory_space<hbm>>
      %dma_start3A_27 = arith.constant 0 : i32
      %dma_start3A_28 = tpu.memref_slice %arg7[%mul3A_22, %dma_start3A_27] : memref<10240x16xf32, #tpu.memory_space<vmem_shared>> -> memref<640x16xf32, #tpu.memory_space<vmem_shared>>
      tpu.enqueue_dma source(%dma_start3A_28 : memref<640x16xf32, #tpu.memory_space<vmem_shared>>) target(%dma_start3A_26 : memref<640x16xf32, #tpu.memory_space<hbm>>) target_semaphore(%run_scoped3A : memref<!tpu.dma_semaphore, #tpu.memory_space<semaphore_mem>>)
      %dma_wait3A = arith.constant 0 : i32
      %dma_wait3A_29 = tpu.memref_slice %arg3[%arg0, %mul3A_24, %dma_wait3A] : memref<2x10240x16xf32, #tpu.memory_space<hbm>> -> memref<1x640x16xf32, #tpu.memory_space<hbm>>
      %dma_wait3A_30 = tpu.memref_squeeze %dma_wait3A_29 : memref<1x640x16xf32, #tpu.memory_space<hbm>> -> memref<640x16xf32, #tpu.memory_space<hbm>>
      %dma_wait3A_31 = arith.constant 0 : i32
      %dma_wait3A_32 = tpu.memref_slice %arg7[%mul3A_22, %dma_wait3A_31] : memref<10240x16xf32, #tpu.memory_space<vmem_shared>> -> memref<640x16xf32, #tpu.memory_space<vmem_shared>>
      tpu.wait_dma2 semaphore(%run_scoped3A : memref<!tpu.dma_semaphore, #tpu.memory_space<semaphore_mem>>) src(%dma_wait3A_32 : memref<640x16xf32, #tpu.memory_space<vmem_shared>>) dst(%dma_wait3A_30 : memref<640x16xf32, #tpu.memory_space<hbm>>)
      tpu.yield
    }) : () -> ()
    return
  }
}

#map = affine_map<(d0, d1) -> (0, 0)>
#map1 = affine_map<(d0, d1) -> (0, 0, 0)>
#map2 = affine_map<(d0, d1) -> (0, 0, 0, 0)>
module attributes {stable_mosaic.version = 14 : i64} {
  func.func @_agg_body(%arg0: i32, %arg1: i32, %arg2: memref<10000x64xf32, #tpu.memory_space<hbm>>, %arg3: memref<10000x64xf32, #tpu.memory_space<hbm>>, %arg4: memref<32x125x80xi32, #tpu.memory_space<hbm>>, %arg5: memref<32x125x80xi32, #tpu.memory_space<hbm>>, %arg6: memref<2x2x10240x64xf32, #tpu.memory_space<hbm>>, %arg7: memref<125x80xi32, #tpu.memory_space<vmem>>, %arg8: memref<125x80xi32, #tpu.memory_space<vmem>>, %arg9: memref<80x64xf32, #tpu.memory_space<vmem>>, %arg10: memref<80x64xf32, #tpu.memory_space<vmem>>, %arg11: memref<80x64xf32, #tpu.memory_space<vmem>>, %arg12: memref<80x64xf32, #tpu.memory_space<vmem>>, %arg13: memref<80x64xf32, #tpu.memory_space<vmem>>, %arg14: memref<80x64xf32, #tpu.memory_space<vmem>>, %arg15: memref<10240x64xf32, #tpu.memory_space<vmem_shared>>, %arg16: memref<!tpu.dma_semaphore, #tpu.memory_space<semaphore_mem>>, %arg17: memref<!tpu.dma_semaphore, #tpu.memory_space<semaphore_mem>>, %arg18: memref<!tpu.dma_semaphore, #tpu.memory_space<semaphore_mem>>, %arg19: memref<!tpu.dma_semaphore, #tpu.memory_space<semaphore_mem>>, %arg20: memref<!tpu.dma_semaphore, #tpu.memory_space<semaphore_mem>>, %arg21: memref<!tpu.dma_semaphore, #tpu.memory_space<semaphore_mem>>, %arg22: memref<!tpu.dma_semaphore, #tpu.memory_space<semaphore_mem>>, %arg23: memref<!tpu.dma_semaphore, #tpu.memory_space<semaphore_mem>>, %arg24: memref<!tpu.dma_semaphore, #tpu.memory_space<semaphore_mem>>, %arg25: memref<!tpu.dma_semaphore, #tpu.memory_space<semaphore_mem>>) attributes {dimension_semantics = [#tpu.dimension_semantics<core_parallel>, #tpu.dimension_semantics<subcore_parallel>], iteration_bounds = array<i64: 2, 16>, scalar_prefetch = 0 : i64, scratch_operands = 19 : i64, tpu.core_type = #tpu.core_type<sc_vector_subcore>, window_params = [{transform_indices = #map}, {transform_indices = #map}, {transform_indices = #map1}, {transform_indices = #map1}, {transform_indices = #map2}]} {
    %mul3A = arith.constant 16 : i32
    %mul3A_0 = arith.muli %arg0, %mul3A : i32
    %add3A = arith.addi %mul3A_0, %arg1 : i32
    %scan3A = arith.constant 0 : i32
    %scan3A_1 = arith.constant 80 : i32
    %scan3A_2 = arith.addi %scan3A, %scan3A_1 : i32
    %scan3A_3 = arith.constant 1 : i32
    scf.for %scan3A_161 = %scan3A to %scan3A_2 step %scan3A_3  : i32 {
      %scan3A_162 = arith.constant 0 : i32
      %scan3A_163 = arith.constant 4 : i32
      %scan3A_164 = arith.addi %scan3A_162, %scan3A_163 : i32
      %scan3A_165 = arith.constant 1 : i32
      scf.for %scan3A_167 = %scan3A_162 to %scan3A_164 step %scan3A_165  : i32 {
        %broadcast_in_dim3A = arith.constant 0.000000e+00 : f32
        %broadcast_in_dim3A_168 = vector.broadcast %broadcast_in_dim3A : f32 to vector<16xf32>
        %mul3A_169 = arith.constant 16 : i32
        %mul3A_170 = arith.muli %scan3A_167, %mul3A_169 : i32
        %swap3A = arith.index_cast %scan3A_161 : i32 to index
        %swap3A_171 = arith.index_cast %mul3A_170 : i32 to index
        %swap3A_172 = tpu.vector_load %arg14[%swap3A, %swap3A_171] {strides = array<i32>} : memref<80x64xf32, #tpu.memory_space<vmem>>, vector<1x16xf32>,
        %swap3A_173 = vector.shape_cast %swap3A_172 : vector<1x16xf32> to vector<16xf32>
        %swap3A_174 = vector.shape_cast %broadcast_in_dim3A_168 : vector<16xf32> to vector<1x16xf32>
        tpu.vector_store %arg14[%swap3A, %swap3A_171], %swap3A_174 {strides = array<i32>} : memref<80x64xf32, #tpu.memory_space<vmem>>, vector<1x16xf32>,
      }
      %scan3A_166 = arith.constant 4 : i32
    }
    %scan3A_4 = arith.constant 80 : i32
    "tpu.region"() ({
      %run_scoped3A_161 = tpu.sem_alloc : memref<!tpu.dma_semaphore, #tpu.memory_space<semaphore_mem>>
      %dma_start3A_162 = arith.constant 0 : i32
      %dma_start3A_163 = arith.constant 0 : i32
      %dma_start3A_164 = tpu.memref_slice %arg4[%add3A, %dma_start3A_162, %dma_start3A_163] : memref<32x125x80xi32, #tpu.memory_space<hbm>> -> memref<1x125x80xi32, #tpu.memory_space<hbm>>
      %dma_start3A_165 = tpu.memref_squeeze %dma_start3A_164 : memref<1x125x80xi32, #tpu.memory_space<hbm>> -> memref<125x80xi32, #tpu.memory_space<hbm>>
      %dma_start3A_166 = arith.constant 0 : i32
      %dma_start3A_167 = arith.constant 0 : i32
      %dma_start3A_168 = tpu.memref_slice %arg4[%add3A, %dma_start3A_166, %dma_start3A_167] : memref<32x125x80xi32, #tpu.memory_space<hbm>> -> memref<1x125x80xi32, #tpu.memory_space<hbm>>
      %dma_start3A_169 = tpu.memref_squeeze %dma_start3A_168 : memref<1x125x80xi32, #tpu.memory_space<hbm>> -> memref<125x80xi32, #tpu.memory_space<hbm>>
      tpu.enqueue_dma source(%dma_start3A_169 : memref<125x80xi32, #tpu.memory_space<hbm>>) target(%arg7 : memref<125x80xi32, #tpu.memory_space<vmem>>) target_semaphore(%run_scoped3A_161 : memref<!tpu.dma_semaphore, #tpu.memory_space<semaphore_mem>>)
      %dma_wait3A_170 = arith.constant 0 : i32
      %dma_wait3A_171 = arith.constant 0 : i32
      %dma_wait3A_172 = tpu.memref_slice %arg4[%add3A, %dma_wait3A_170, %dma_wait3A_171] : memref<32x125x80xi32, #tpu.memory_space<hbm>> -> memref<1x125x80xi32, #tpu.memory_space<hbm>>
      %dma_wait3A_173 = tpu.memref_squeeze %dma_wait3A_172 : memref<1x125x80xi32, #tpu.memory_space<hbm>> -> memref<125x80xi32, #tpu.memory_space<hbm>>
      %dma_wait3A_174 = arith.constant 0 : i32
      %dma_wait3A_175 = arith.constant 0 : i32
      %dma_wait3A_176 = tpu.memref_slice %arg4[%add3A, %dma_wait3A_174, %dma_wait3A_175] : memref<32x125x80xi32, #tpu.memory_space<hbm>> -> memref<1x125x80xi32, #tpu.memory_space<hbm>>
      %dma_wait3A_177 = tpu.memref_squeeze %dma_wait3A_176 : memref<1x125x80xi32, #tpu.memory_space<hbm>> -> memref<125x80xi32, #tpu.memory_space<hbm>>
      tpu.wait_dma2 semaphore(%run_scoped3A_161 : memref<!tpu.dma_semaphore, #tpu.memory_space<semaphore_mem>>) src(%dma_wait3A_177 : memref<125x80xi32, #tpu.memory_space<hbm>>) dst(%arg7 : memref<125x80xi32, #tpu.memory_space<vmem>>)
      tpu.yield
    }) : () -> ()
    "tpu.region"() ({
      %run_scoped3A_161 = tpu.sem_alloc : memref<!tpu.dma_semaphore, #tpu.memory_space<semaphore_mem>>
      %dma_start3A_162 = arith.constant 0 : i32
      %dma_start3A_163 = arith.constant 0 : i32
      %dma_start3A_164 = tpu.memref_slice %arg5[%add3A, %dma_start3A_162, %dma_start3A_163] : memref<32x125x80xi32, #tpu.memory_space<hbm>> -> memref<1x125x80xi32, #tpu.memory_space<hbm>>
      %dma_start3A_165 = tpu.memref_squeeze %dma_start3A_164 : memref<1x125x80xi32, #tpu.memory_space<hbm>> -> memref<125x80xi32, #tpu.memory_space<hbm>>
      %dma_start3A_166 = arith.constant 0 : i32
      %dma_start3A_167 = arith.constant 0 : i32
      %dma_start3A_168 = tpu.memref_slice %arg5[%add3A, %dma_start3A_166, %dma_start3A_167] : memref<32x125x80xi32, #tpu.memory_space<hbm>> -> memref<1x125x80xi32, #tpu.memory_space<hbm>>
      %dma_start3A_169 = tpu.memref_squeeze %dma_start3A_168 : memref<1x125x80xi32, #tpu.memory_space<hbm>> -> memref<125x80xi32, #tpu.memory_space<hbm>>
      tpu.enqueue_dma source(%dma_start3A_169 : memref<125x80xi32, #tpu.memory_space<hbm>>) target(%arg8 : memref<125x80xi32, #tpu.memory_space<vmem>>) target_semaphore(%run_scoped3A_161 : memref<!tpu.dma_semaphore, #tpu.memory_space<semaphore_mem>>)
      %dma_wait3A_170 = arith.constant 0 : i32
      %dma_wait3A_171 = arith.constant 0 : i32
      %dma_wait3A_172 = tpu.memref_slice %arg5[%add3A, %dma_wait3A_170, %dma_wait3A_171] : memref<32x125x80xi32, #tpu.memory_space<hbm>> -> memref<1x125x80xi32, #tpu.memory_space<hbm>>
      %dma_wait3A_173 = tpu.memref_squeeze %dma_wait3A_172 : memref<1x125x80xi32, #tpu.memory_space<hbm>> -> memref<125x80xi32, #tpu.memory_space<hbm>>
      %dma_wait3A_174 = arith.constant 0 : i32
      %dma_wait3A_175 = arith.constant 0 : i32
      %dma_wait3A_176 = tpu.memref_slice %arg5[%add3A, %dma_wait3A_174, %dma_wait3A_175] : memref<32x125x80xi32, #tpu.memory_space<hbm>> -> memref<1x125x80xi32, #tpu.memory_space<hbm>>
      %dma_wait3A_177 = tpu.memref_squeeze %dma_wait3A_176 : memref<1x125x80xi32, #tpu.memory_space<hbm>> -> memref<125x80xi32, #tpu.memory_space<hbm>>
      tpu.wait_dma2 semaphore(%run_scoped3A_161 : memref<!tpu.dma_semaphore, #tpu.memory_space<semaphore_mem>>) src(%dma_wait3A_177 : memref<125x80xi32, #tpu.memory_space<hbm>>) dst(%arg8 : memref<125x80xi32, #tpu.memory_space<vmem>>)
      tpu.yield
    }) : () -> ()
    %scan3A_5 = arith.constant 0 : i32
    %scan3A_6 = arith.constant 8 : i32
    %scan3A_7 = arith.addi %scan3A_5, %scan3A_6 : i32
    %scan3A_8 = arith.constant 1 : i32
    scf.for %scan3A_161 = %scan3A_5 to %scan3A_7 step %scan3A_8  : i32 {
      %mul3A_162 = arith.constant 640 : i32
      %mul3A_163 = arith.muli %arg1, %mul3A_162 : i32
      %mul3A_164 = arith.constant 80 : i32
      %mul3A_165 = arith.muli %scan3A_161, %mul3A_164 : i32
      %add3A_166 = arith.addi %mul3A_163, %mul3A_165 : i32
      "tpu.region"() ({
        %run_scoped3A_167 = tpu.sem_alloc : memref<!tpu.dma_semaphore, #tpu.memory_space<semaphore_mem>>
        %dma_start3A_168 = arith.constant 0 : i32
        %dma_start3A_169 = tpu.memref_slice %arg15[%add3A_166, %dma_start3A_168] : memref<10240x64xf32, #tpu.memory_space<vmem_shared>> -> memref<80x64xf32, #tpu.memory_space<vmem_shared>>
        %dma_start3A_170 = arith.constant 0 : i32
        %dma_start3A_171 = tpu.memref_slice %arg15[%add3A_166, %dma_start3A_170] : memref<10240x64xf32, #tpu.memory_space<vmem_shared>> -> memref<80x64xf32, #tpu.memory_space<vmem_shared>>
        tpu.enqueue_dma source(%arg14 : memref<80x64xf32, #tpu.memory_space<vmem>>) target(%dma_start3A_171 : memref<80x64xf32, #tpu.memory_space<vmem_shared>>) target_semaphore(%run_scoped3A_167 : memref<!tpu.dma_semaphore, #tpu.memory_space<semaphore_mem>>)
        %dma_wait3A_172 = arith.constant 0 : i32
        %dma_wait3A_173 = tpu.memref_slice %arg15[%add3A_166, %dma_wait3A_172] : memref<10240x64xf32, #tpu.memory_space<vmem_shared>> -> memref<80x64xf32, #tpu.memory_space<vmem_shared>>
        %dma_wait3A_174 = arith.constant 0 : i32
        %dma_wait3A_175 = tpu.memref_slice %arg15[%add3A_166, %dma_wait3A_174] : memref<10240x64xf32, #tpu.memory_space<vmem_shared>> -> memref<80x64xf32, #tpu.memory_space<vmem_shared>>
        tpu.wait_dma2 semaphore(%run_scoped3A_167 : memref<!tpu.dma_semaphore, #tpu.memory_space<semaphore_mem>>) src(%arg14 : memref<80x64xf32, #tpu.memory_space<vmem>>) dst(%dma_wait3A_175 : memref<80x64xf32, #tpu.memory_space<vmem_shared>>)
        tpu.yield
      }) : () -> ()
    }
    %scan3A_9 = arith.constant 8 : i32
    %barrier3A = arith.constant 0 : index
    tpu.barrier barrier_id(%barrier3A)
    %dma_start3A = arith.constant 0 : i32
    %dma_start3A_10 = arith.constant 0 : i32
    %dma_start3A_11 = tpu.memref_slice %arg7[%dma_start3A, %dma_start3A_10] : memref<125x80xi32, #tpu.memory_space<vmem>> -> memref<1x80xi32, #tpu.memory_space<vmem>>
    %dma_start3A_12 = tpu.memref_squeeze %dma_start3A_11 : memref<1x80xi32, #tpu.memory_space<vmem>> -> memref<80xi32, #tpu.memory_space<vmem>>
    %dma_start3A_13 = arith.constant 0 : i32
    %dma_start3A_14 = arith.constant 0 : i32
    %dma_start3A_15 = tpu.memref_slice %arg2[%dma_start3A_13, %dma_start3A_14] : memref<10000x64xf32, #tpu.memory_space<hbm>> -> memref<10000x64xf32, #tpu.memory_space<hbm>>
    tpu.enqueue_indirect_dma source(%dma_start3A_15 : memref<10000x64xf32, #tpu.memory_space<hbm>>) target(%arg9 : memref<80x64xf32, #tpu.memory_space<vmem>>) offsets(%dma_start3A_12 : memref<80xi32, #tpu.memory_space<vmem>>) semaphore(%arg16 : memref<!tpu.dma_semaphore, #tpu.memory_space<semaphore_mem>>)
    %dma_start3A_16 = arith.constant 1 : i32
    %dma_start3A_17 = arith.constant 0 : i32
    %dma_start3A_18 = tpu.memref_slice %arg7[%dma_start3A_16, %dma_start3A_17] : memref<125x80xi32, #tpu.memory_space<vmem>> -> memref<1x80xi32, #tpu.memory_space<vmem>>
    %dma_start3A_19 = tpu.memref_squeeze %dma_start3A_18 : memref<1x80xi32, #tpu.memory_space<vmem>> -> memref<80xi32, #tpu.memory_space<vmem>>
    %dma_start3A_20 = arith.constant 0 : i32
    %dma_start3A_21 = arith.constant 0 : i32
    %dma_start3A_22 = tpu.memref_slice %arg2[%dma_start3A_20, %dma_start3A_21] : memref<10000x64xf32, #tpu.memory_space<hbm>> -> memref<10000x64xf32, #tpu.memory_space<hbm>>
    tpu.enqueue_indirect_dma source(%dma_start3A_22 : memref<10000x64xf32, #tpu.memory_space<hbm>>) target(%arg10 : memref<80x64xf32, #tpu.memory_space<vmem>>) offsets(%dma_start3A_19 : memref<80xi32, #tpu.memory_space<vmem>>) semaphore(%arg17 : memref<!tpu.dma_semaphore, #tpu.memory_space<semaphore_mem>>)
    %dma_start3A_23 = arith.constant 2 : i32
    %dma_start3A_24 = arith.constant 0 : i32
    %dma_start3A_25 = tpu.memref_slice %arg7[%dma_start3A_23, %dma_start3A_24] : memref<125x80xi32, #tpu.memory_space<vmem>> -> memref<1x80xi32, #tpu.memory_space<vmem>>
    %dma_start3A_26 = tpu.memref_squeeze %dma_start3A_25 : memref<1x80xi32, #tpu.memory_space<vmem>> -> memref<80xi32, #tpu.memory_space<vmem>>
    %dma_start3A_27 = arith.constant 0 : i32
    %dma_start3A_28 = arith.constant 0 : i32
    %dma_start3A_29 = tpu.memref_slice %arg2[%dma_start3A_27, %dma_start3A_28] : memref<10000x64xf32, #tpu.memory_space<hbm>> -> memref<10000x64xf32, #tpu.memory_space<hbm>>
    tpu.enqueue_indirect_dma source(%dma_start3A_29 : memref<10000x64xf32, #tpu.memory_space<hbm>>) target(%arg11 : memref<80x64xf32, #tpu.memory_space<vmem>>) offsets(%dma_start3A_26 : memref<80xi32, #tpu.memory_space<vmem>>) semaphore(%arg18 : memref<!tpu.dma_semaphore, #tpu.memory_space<semaphore_mem>>)
    %dma_start3A_30 = arith.constant 3 : i32
    %dma_start3A_31 = arith.constant 0 : i32
    %dma_start3A_32 = tpu.memref_slice %arg7[%dma_start3A_30, %dma_start3A_31] : memref<125x80xi32, #tpu.memory_space<vmem>> -> memref<1x80xi32, #tpu.memory_space<vmem>>
    %dma_start3A_33 = tpu.memref_squeeze %dma_start3A_32 : memref<1x80xi32, #tpu.memory_space<vmem>> -> memref<80xi32, #tpu.memory_space<vmem>>
    %dma_start3A_34 = arith.constant 0 : i32
    %dma_start3A_35 = arith.constant 0 : i32
    %dma_start3A_36 = tpu.memref_slice %arg2[%dma_start3A_34, %dma_start3A_35] : memref<10000x64xf32, #tpu.memory_space<hbm>> -> memref<10000x64xf32, #tpu.memory_space<hbm>>
    tpu.enqueue_indirect_dma source(%dma_start3A_36 : memref<10000x64xf32, #tpu.memory_space<hbm>>) target(%arg12 : memref<80x64xf32, #tpu.memory_space<vmem>>) offsets(%dma_start3A_33 : memref<80xi32, #tpu.memory_space<vmem>>) semaphore(%arg19 : memref<!tpu.dma_semaphore, #tpu.memory_space<semaphore_mem>>)
    %scan3A_37 = arith.constant 0 : i32
    %scan3A_38 = arith.constant 25 : i32
    %scan3A_39 = arith.addi %scan3A_37, %scan3A_38 : i32
    %scan3A_40 = arith.constant 1 : i32
    scf.for %scan3A_161 = %scan3A_37 to %scan3A_39 step %scan3A_40  : i32 {
      %mul3A_162 = arith.constant 5 : i32
      %mul3A_163 = arith.muli %scan3A_161, %mul3A_162 : i32
      %add3A_164 = arith.constant 0 : i32
      %add3A_165 = arith.addi %mul3A_163, %add3A_164 : i32
      %dma_wait3A_166 = arith.constant 0 : i32
      %dma_wait3A_167 = tpu.memref_slice %arg7[%add3A_165, %dma_wait3A_166] : memref<125x80xi32, #tpu.memory_space<vmem>> -> memref<1x80xi32, #tpu.memory_space<vmem>>
      %dma_wait3A_168 = tpu.memref_squeeze %dma_wait3A_167 : memref<1x80xi32, #tpu.memory_space<vmem>> -> memref<80xi32, #tpu.memory_space<vmem>>
      %dma_wait3A_169 = arith.constant 0 : i32
      %dma_wait3A_170 = arith.constant 0 : i32
      %dma_wait3A_171 = tpu.memref_slice %arg2[%dma_wait3A_169, %dma_wait3A_170] : memref<10000x64xf32, #tpu.memory_space<hbm>> -> memref<10000x64xf32, #tpu.memory_space<hbm>>
      tpu.wait_indirect_dma semaphore(%arg16 : memref<!tpu.dma_semaphore, #tpu.memory_space<semaphore_mem>>) src(%dma_wait3A_171 : memref<10000x64xf32, #tpu.memory_space<hbm>>) dst(%arg9 : memref<80x64xf32, #tpu.memory_space<vmem>>)
      %dma_start3A_172 = arith.constant 0 : i32
      %dma_start3A_173 = tpu.memref_slice %arg8[%add3A_165, %dma_start3A_172] : memref<125x80xi32, #tpu.memory_space<vmem>> -> memref<1x80xi32, #tpu.memory_space<vmem>>
      %dma_start3A_174 = tpu.memref_squeeze %dma_start3A_173 : memref<1x80xi32, #tpu.memory_space<vmem>> -> memref<80xi32, #tpu.memory_space<vmem>>
      %dma_start3A_175 = arith.constant 0 : i32
      %dma_start3A_176 = arith.constant 0 : i32
      %dma_start3A_177 = tpu.memref_slice %arg15[%dma_start3A_175, %dma_start3A_176] : memref<10240x64xf32, #tpu.memory_space<vmem_shared>> -> memref<10240x64xf32, #tpu.memory_space<vmem_shared>>
      tpu.enqueue_indirect_dma source(%arg9 : memref<80x64xf32, #tpu.memory_space<vmem>>) target(%dma_start3A_177 : memref<10240x64xf32, #tpu.memory_space<vmem_shared>>) offsets(%dma_start3A_174 : memref<80xi32, #tpu.memory_space<vmem>>) semaphore(%arg21 : memref<!tpu.dma_semaphore, #tpu.memory_space<semaphore_mem>>) {add = true}
      %add3A_178 = arith.constant 5 : i32
      %add3A_179 = arith.addi %add3A_165, %add3A_178 : i32
      %sub3A = arith.constant 1 : i32
      %sub3A_180 = arith.subi %add3A_179, %sub3A : i32
      %lt3A = arith.constant 125 : i32
      %lt3A_181 = arith.cmpi slt, %sub3A_180, %lt3A : i32
      %gt3A = arith.constant 0 : i32
      %gt3A_182 = arith.cmpi sgt, %add3A_165, %gt3A : i32
      %and3A = arith.andi %lt3A_181, %gt3A_182 : i1
      %convert_element_type3A = arith.extui %and3A : i1 to i32
      %cond3A = arith.constant 0 : i32
      %cond3A_183 = arith.cmpi ne, %convert_element_type3A, %cond3A : i32
      scf.if %cond3A_183 {
        %sub3A_321 = arith.constant 1 : i32
        %sub3A_322 = arith.subi %add3A_165, %sub3A_321 : i32
        %dma_wait3A_323 = arith.constant 0 : i32
        %dma_wait3A_324 = tpu.memref_slice %arg8[%sub3A_322, %dma_wait3A_323] : memref<125x80xi32, #tpu.memory_space<vmem>> -> memref<1x80xi32, #tpu.memory_space<vmem>>
        %dma_wait3A_325 = tpu.memref_squeeze %dma_wait3A_324 : memref<1x80xi32, #tpu.memory_space<vmem>> -> memref<80xi32, #tpu.memory_space<vmem>>
        %dma_wait3A_326 = arith.constant 0 : i32
        %dma_wait3A_327 = arith.constant 0 : i32
        %dma_wait3A_328 = tpu.memref_slice %arg15[%dma_wait3A_326, %dma_wait3A_327] : memref<10240x64xf32, #tpu.memory_space<vmem_shared>> -> memref<10240x64xf32, #tpu.memory_space<vmem_shared>>
        tpu.wait_indirect_dma semaphore(%arg25 : memref<!tpu.dma_semaphore, #tpu.memory_space<semaphore_mem>>) src(%arg13 : memref<80x64xf32, #tpu.memory_space<vmem>>) dst(%dma_wait3A_328 : memref<10240x64xf32, #tpu.memory_space<vmem_shared>>)
      } else {
      }
      %lt3A_184 = arith.constant 125 : i32
      %lt3A_185 = arith.cmpi slt, %sub3A_180, %lt3A_184 : i32
      %convert_element_type3A_186 = arith.extui %lt3A_185 : i1 to i32
      %cond3A_187 = arith.constant 0 : i32
      %cond3A_188 = arith.cmpi ne, %convert_element_type3A_186, %cond3A_187 : i32
      scf.if %cond3A_188 {
        %dma_start3A_321 = arith.constant 0 : i32
        %dma_start3A_322 = tpu.memref_slice %arg7[%sub3A_180, %dma_start3A_321] : memref<125x80xi32, #tpu.memory_space<vmem>> -> memref<1x80xi32, #tpu.memory_space<vmem>>
        %dma_start3A_323 = tpu.memref_squeeze %dma_start3A_322 : memref<1x80xi32, #tpu.memory_space<vmem>> -> memref<80xi32, #tpu.memory_space<vmem>>
        %dma_start3A_324 = arith.constant 0 : i32
        %dma_start3A_325 = arith.constant 0 : i32
        %dma_start3A_326 = tpu.memref_slice %arg2[%dma_start3A_324, %dma_start3A_325] : memref<10000x64xf32, #tpu.memory_space<hbm>> -> memref<10000x64xf32, #tpu.memory_space<hbm>>
        tpu.enqueue_indirect_dma source(%dma_start3A_326 : memref<10000x64xf32, #tpu.memory_space<hbm>>) target(%arg13 : memref<80x64xf32, #tpu.memory_space<vmem>>) offsets(%dma_start3A_323 : memref<80xi32, #tpu.memory_space<vmem>>) semaphore(%arg20 : memref<!tpu.dma_semaphore, #tpu.memory_space<semaphore_mem>>)
      } else {
      }
      %mul3A_189 = arith.constant 5 : i32
      %mul3A_190 = arith.muli %scan3A_161, %mul3A_189 : i32
      %add3A_191 = arith.constant 1 : i32
      %add3A_192 = arith.addi %mul3A_190, %add3A_191 : i32
      %dma_wait3A_193 = arith.constant 0 : i32
      %dma_wait3A_194 = tpu.memref_slice %arg7[%add3A_192, %dma_wait3A_193] : memref<125x80xi32, #tpu.memory_space<vmem>> -> memref<1x80xi32, #tpu.memory_space<vmem>>
      %dma_wait3A_195 = tpu.memref_squeeze %dma_wait3A_194 : memref<1x80xi32, #tpu.memory_space<vmem>> -> memref<80xi32, #tpu.memory_space<vmem>>
      %dma_wait3A_196 = arith.constant 0 : i32
      %dma_wait3A_197 = arith.constant 0 : i32
      %dma_wait3A_198 = tpu.memref_slice %arg2[%dma_wait3A_196, %dma_wait3A_197] : memref<10000x64xf32, #tpu.memory_space<hbm>> -> memref<10000x64xf32, #tpu.memory_space<hbm>>
      tpu.wait_indirect_dma semaphore(%arg17 : memref<!tpu.dma_semaphore, #tpu.memory_space<semaphore_mem>>) src(%dma_wait3A_198 : memref<10000x64xf32, #tpu.memory_space<hbm>>) dst(%arg10 : memref<80x64xf32, #tpu.memory_space<vmem>>)
      %dma_start3A_199 = arith.constant 0 : i32
      %dma_start3A_200 = tpu.memref_slice %arg8[%add3A_192, %dma_start3A_199] : memref<125x80xi32, #tpu.memory_space<vmem>> -> memref<1x80xi32, #tpu.memory_space<vmem>>
      %dma_start3A_201 = tpu.memref_squeeze %dma_start3A_200 : memref<1x80xi32, #tpu.memory_space<vmem>> -> memref<80xi32, #tpu.memory_space<vmem>>
      %dma_start3A_202 = arith.constant 0 : i32
      %dma_start3A_203 = arith.constant 0 : i32
      %dma_start3A_204 = tpu.memref_slice %arg15[%dma_start3A_202, %dma_start3A_203] : memref<10240x64xf32, #tpu.memory_space<vmem_shared>> -> memref<10240x64xf32, #tpu.memory_space<vmem_shared>>
      tpu.enqueue_indirect_dma source(%arg10 : memref<80x64xf32, #tpu.memory_space<vmem>>) target(%dma_start3A_204 : memref<10240x64xf32, #tpu.memory_space<vmem_shared>>) offsets(%dma_start3A_201 : memref<80xi32, #tpu.memory_space<vmem>>) semaphore(%arg22 : memref<!tpu.dma_semaphore, #tpu.memory_space<semaphore_mem>>) {add = true}
      %add3A_205 = arith.constant 5 : i32
      %add3A_206 = arith.addi %add3A_192, %add3A_205 : i32
      %sub3A_207 = arith.constant 1 : i32
      %sub3A_208 = arith.subi %add3A_206, %sub3A_207 : i32
      %lt3A_209 = arith.constant 125 : i32
      %lt3A_210 = arith.cmpi slt, %sub3A_208, %lt3A_209 : i32
      %gt3A_211 = arith.constant 0 : i32
      %gt3A_212 = arith.cmpi sgt, %add3A_192, %gt3A_211 : i32
      %and3A_213 = arith.andi %lt3A_210, %gt3A_212 : i1
      %convert_element_type3A_214 = arith.extui %and3A_213 : i1 to i32
      %cond3A_215 = arith.constant 0 : i32
      %cond3A_216 = arith.cmpi ne, %convert_element_type3A_214, %cond3A_215 : i32
      scf.if %cond3A_216 {
        %sub3A_321 = arith.constant 1 : i32
        %sub3A_322 = arith.subi %add3A_192, %sub3A_321 : i32
        %dma_wait3A_323 = arith.constant 0 : i32
        %dma_wait3A_324 = tpu.memref_slice %arg8[%sub3A_322, %dma_wait3A_323] : memref<125x80xi32, #tpu.memory_space<vmem>> -> memref<1x80xi32, #tpu.memory_space<vmem>>
        %dma_wait3A_325 = tpu.memref_squeeze %dma_wait3A_324 : memref<1x80xi32, #tpu.memory_space<vmem>> -> memref<80xi32, #tpu.memory_space<vmem>>
        %dma_wait3A_326 = arith.constant 0 : i32
        %dma_wait3A_327 = arith.constant 0 : i32
        %dma_wait3A_328 = tpu.memref_slice %arg15[%dma_wait3A_326, %dma_wait3A_327] : memref<10240x64xf32, #tpu.memory_space<vmem_shared>> -> memref<10240x64xf32, #tpu.memory_space<vmem_shared>>
        tpu.wait_indirect_dma semaphore(%arg21 : memref<!tpu.dma_semaphore, #tpu.memory_space<semaphore_mem>>) src(%arg9 : memref<80x64xf32, #tpu.memory_space<vmem>>) dst(%dma_wait3A_328 : memref<10240x64xf32, #tpu.memory_space<vmem_shared>>)
      } else {
      }
      %lt3A_217 = arith.constant 125 : i32
      %lt3A_218 = arith.cmpi slt, %sub3A_208, %lt3A_217 : i32
      %convert_element_type3A_219 = arith.extui %lt3A_218 : i1 to i32
      %cond3A_220 = arith.constant 0 : i32
      %cond3A_221 = arith.cmpi ne, %convert_element_type3A_219, %cond3A_220 : i32
      scf.if %cond3A_221 {
        %dma_start3A_321 = arith.constant 0 : i32
        %dma_start3A_322 = tpu.memref_slice %arg7[%sub3A_208, %dma_start3A_321] : memref<125x80xi32, #tpu.memory_space<vmem>> -> memref<1x80xi32, #tpu.memory_space<vmem>>
        %dma_start3A_323 = tpu.memref_squeeze %dma_start3A_322 : memref<1x80xi32, #tpu.memory_space<vmem>> -> memref<80xi32, #tpu.memory_space<vmem>>
        %dma_start3A_324 = arith.constant 0 : i32
        %dma_start3A_325 = arith.constant 0 : i32
        %dma_start3A_326 = tpu.memref_slice %arg2[%dma_start3A_324, %dma_start3A_325] : memref<10000x64xf32, #tpu.memory_space<hbm>> -> memref<10000x64xf32, #tpu.memory_space<hbm>>
        tpu.enqueue_indirect_dma source(%dma_start3A_326 : memref<10000x64xf32, #tpu.memory_space<hbm>>) target(%arg9 : memref<80x64xf32, #tpu.memory_space<vmem>>) offsets(%dma_start3A_323 : memref<80xi32, #tpu.memory_space<vmem>>) semaphore(%arg16 : memref<!tpu.dma_semaphore, #tpu.memory_space<semaphore_mem>>)
      } else {
      }
      %mul3A_222 = arith.constant 5 : i32
      %mul3A_223 = arith.muli %scan3A_161, %mul3A_222 : i32
      %add3A_224 = arith.constant 2 : i32
      %add3A_225 = arith.addi %mul3A_223, %add3A_224 : i32
      %dma_wait3A_226 = arith.constant 0 : i32
      %dma_wait3A_227 = tpu.memref_slice %arg7[%add3A_225, %dma_wait3A_226] : memref<125x80xi32, #tpu.memory_space<vmem>> -> memref<1x80xi32, #tpu.memory_space<vmem>>
      %dma_wait3A_228 = tpu.memref_squeeze %dma_wait3A_227 : memref<1x80xi32, #tpu.memory_space<vmem>> -> memref<80xi32, #tpu.memory_space<vmem>>
      %dma_wait3A_229 = arith.constant 0 : i32
      %dma_wait3A_230 = arith.constant 0 : i32
      %dma_wait3A_231 = tpu.memref_slice %arg2[%dma_wait3A_229, %dma_wait3A_230] : memref<10000x64xf32, #tpu.memory_space<hbm>> -> memref<10000x64xf32, #tpu.memory_space<hbm>>
      tpu.wait_indirect_dma semaphore(%arg18 : memref<!tpu.dma_semaphore, #tpu.memory_space<semaphore_mem>>) src(%dma_wait3A_231 : memref<10000x64xf32, #tpu.memory_space<hbm>>) dst(%arg11 : memref<80x64xf32, #tpu.memory_space<vmem>>)
      %dma_start3A_232 = arith.constant 0 : i32
      %dma_start3A_233 = tpu.memref_slice %arg8[%add3A_225, %dma_start3A_232] : memref<125x80xi32, #tpu.memory_space<vmem>> -> memref<1x80xi32, #tpu.memory_space<vmem>>
      %dma_start3A_234 = tpu.memref_squeeze %dma_start3A_233 : memref<1x80xi32, #tpu.memory_space<vmem>> -> memref<80xi32, #tpu.memory_space<vmem>>
      %dma_start3A_235 = arith.constant 0 : i32
      %dma_start3A_236 = arith.constant 0 : i32
      %dma_start3A_237 = tpu.memref_slice %arg15[%dma_start3A_235, %dma_start3A_236] : memref<10240x64xf32, #tpu.memory_space<vmem_shared>> -> memref<10240x64xf32, #tpu.memory_space<vmem_shared>>
      tpu.enqueue_indirect_dma source(%arg11 : memref<80x64xf32, #tpu.memory_space<vmem>>) target(%dma_start3A_237 : memref<10240x64xf32, #tpu.memory_space<vmem_shared>>) offsets(%dma_start3A_234 : memref<80xi32, #tpu.memory_space<vmem>>) semaphore(%arg23 : memref<!tpu.dma_semaphore, #tpu.memory_space<semaphore_mem>>) {add = true}
      %add3A_238 = arith.constant 5 : i32
      %add3A_239 = arith.addi %add3A_225, %add3A_238 : i32
      %sub3A_240 = arith.constant 1 : i32
      %sub3A_241 = arith.subi %add3A_239, %sub3A_240 : i32
      %lt3A_242 = arith.constant 125 : i32
      %lt3A_243 = arith.cmpi slt, %sub3A_241, %lt3A_242 : i32
      %gt3A_244 = arith.constant 0 : i32
      %gt3A_245 = arith.cmpi sgt, %add3A_225, %gt3A_244 : i32
      %and3A_246 = arith.andi %lt3A_243, %gt3A_245 : i1
      %convert_element_type3A_247 = arith.extui %and3A_246 : i1 to i32
      %cond3A_248 = arith.constant 0 : i32
      %cond3A_249 = arith.cmpi ne, %convert_element_type3A_247, %cond3A_248 : i32
      scf.if %cond3A_249 {
        %sub3A_321 = arith.constant 1 : i32
        %sub3A_322 = arith.subi %add3A_225, %sub3A_321 : i32
        %dma_wait3A_323 = arith.constant 0 : i32
        %dma_wait3A_324 = tpu.memref_slice %arg8[%sub3A_322, %dma_wait3A_323] : memref<125x80xi32, #tpu.memory_space<vmem>> -> memref<1x80xi32, #tpu.memory_space<vmem>>
        %dma_wait3A_325 = tpu.memref_squeeze %dma_wait3A_324 : memref<1x80xi32, #tpu.memory_space<vmem>> -> memref<80xi32, #tpu.memory_space<vmem>>
        %dma_wait3A_326 = arith.constant 0 : i32
        %dma_wait3A_327 = arith.constant 0 : i32
        %dma_wait3A_328 = tpu.memref_slice %arg15[%dma_wait3A_326, %dma_wait3A_327] : memref<10240x64xf32, #tpu.memory_space<vmem_shared>> -> memref<10240x64xf32, #tpu.memory_space<vmem_shared>>
        tpu.wait_indirect_dma semaphore(%arg22 : memref<!tpu.dma_semaphore, #tpu.memory_space<semaphore_mem>>) src(%arg10 : memref<80x64xf32, #tpu.memory_space<vmem>>) dst(%dma_wait3A_328 : memref<10240x64xf32, #tpu.memory_space<vmem_shared>>)
      } else {
      }
      %lt3A_250 = arith.constant 125 : i32
      %lt3A_251 = arith.cmpi slt, %sub3A_241, %lt3A_250 : i32
      %convert_element_type3A_252 = arith.extui %lt3A_251 : i1 to i32
      %cond3A_253 = arith.constant 0 : i32
      %cond3A_254 = arith.cmpi ne, %convert_element_type3A_252, %cond3A_253 : i32
      scf.if %cond3A_254 {
        %dma_start3A_321 = arith.constant 0 : i32
        %dma_start3A_322 = tpu.memref_slice %arg7[%sub3A_241, %dma_start3A_321] : memref<125x80xi32, #tpu.memory_space<vmem>> -> memref<1x80xi32, #tpu.memory_space<vmem>>
        %dma_start3A_323 = tpu.memref_squeeze %dma_start3A_322 : memref<1x80xi32, #tpu.memory_space<vmem>> -> memref<80xi32, #tpu.memory_space<vmem>>
        %dma_start3A_324 = arith.constant 0 : i32
        %dma_start3A_325 = arith.constant 0 : i32
        %dma_start3A_326 = tpu.memref_slice %arg2[%dma_start3A_324, %dma_start3A_325] : memref<10000x64xf32, #tpu.memory_space<hbm>> -> memref<10000x64xf32, #tpu.memory_space<hbm>>
        tpu.enqueue_indirect_dma source(%dma_start3A_326 : memref<10000x64xf32, #tpu.memory_space<hbm>>) target(%arg10 : memref<80x64xf32, #tpu.memory_space<vmem>>) offsets(%dma_start3A_323 : memref<80xi32, #tpu.memory_space<vmem>>) semaphore(%arg17 : memref<!tpu.dma_semaphore, #tpu.memory_space<semaphore_mem>>)
      } else {
      }
      %mul3A_255 = arith.constant 5 : i32
      %mul3A_256 = arith.muli %scan3A_161, %mul3A_255 : i32
      %add3A_257 = arith.constant 3 : i32
      %add3A_258 = arith.addi %mul3A_256, %add3A_257 : i32
      %dma_wait3A_259 = arith.constant 0 : i32
      %dma_wait3A_260 = tpu.memref_slice %arg7[%add3A_258, %dma_wait3A_259] : memref<125x80xi32, #tpu.memory_space<vmem>> -> memref<1x80xi32, #tpu.memory_space<vmem>>
      %dma_wait3A_261 = tpu.memref_squeeze %dma_wait3A_260 : memref<1x80xi32, #tpu.memory_space<vmem>> -> memref<80xi32, #tpu.memory_space<vmem>>
      %dma_wait3A_262 = arith.constant 0 : i32
      %dma_wait3A_263 = arith.constant 0 : i32
      %dma_wait3A_264 = tpu.memref_slice %arg2[%dma_wait3A_262, %dma_wait3A_263] : memref<10000x64xf32, #tpu.memory_space<hbm>> -> memref<10000x64xf32, #tpu.memory_space<hbm>>
      tpu.wait_indirect_dma semaphore(%arg19 : memref<!tpu.dma_semaphore, #tpu.memory_space<semaphore_mem>>) src(%dma_wait3A_264 : memref<10000x64xf32, #tpu.memory_space<hbm>>) dst(%arg12 : memref<80x64xf32, #tpu.memory_space<vmem>>)
      %dma_start3A_265 = arith.constant 0 : i32
      %dma_start3A_266 = tpu.memref_slice %arg8[%add3A_258, %dma_start3A_265] : memref<125x80xi32, #tpu.memory_space<vmem>> -> memref<1x80xi32, #tpu.memory_space<vmem>>
      %dma_start3A_267 = tpu.memref_squeeze %dma_start3A_266 : memref<1x80xi32, #tpu.memory_space<vmem>> -> memref<80xi32, #tpu.memory_space<vmem>>
      %dma_start3A_268 = arith.constant 0 : i32
      %dma_start3A_269 = arith.constant 0 : i32
      %dma_start3A_270 = tpu.memref_slice %arg15[%dma_start3A_268, %dma_start3A_269] : memref<10240x64xf32, #tpu.memory_space<vmem_shared>> -> memref<10240x64xf32, #tpu.memory_space<vmem_shared>>
      tpu.enqueue_indirect_dma source(%arg12 : memref<80x64xf32, #tpu.memory_space<vmem>>) target(%dma_start3A_270 : memref<10240x64xf32, #tpu.memory_space<vmem_shared>>) offsets(%dma_start3A_267 : memref<80xi32, #tpu.memory_space<vmem>>) semaphore(%arg24 : memref<!tpu.dma_semaphore, #tpu.memory_space<semaphore_mem>>) {add = true}
      %add3A_271 = arith.constant 5 : i32
      %add3A_272 = arith.addi %add3A_258, %add3A_271 : i32
      %sub3A_273 = arith.constant 1 : i32
      %sub3A_274 = arith.subi %add3A_272, %sub3A_273 : i32
      %lt3A_275 = arith.constant 125 : i32
      %lt3A_276 = arith.cmpi slt, %sub3A_274, %lt3A_275 : i32
      %gt3A_277 = arith.constant 0 : i32
      %gt3A_278 = arith.cmpi sgt, %add3A_258, %gt3A_277 : i32
      %and3A_279 = arith.andi %lt3A_276, %gt3A_278 : i1
      %convert_element_type3A_280 = arith.extui %and3A_279 : i1 to i32
      %cond3A_281 = arith.constant 0 : i32
      %cond3A_282 = arith.cmpi ne, %convert_element_type3A_280, %cond3A_281 : i32
      scf.if %cond3A_282 {
        %sub3A_321 = arith.constant 1 : i32
        %sub3A_322 = arith.subi %add3A_258, %sub3A_321 : i32
        %dma_wait3A_323 = arith.constant 0 : i32
        %dma_wait3A_324 = tpu.memref_slice %arg8[%sub3A_322, %dma_wait3A_323] : memref<125x80xi32, #tpu.memory_space<vmem>> -> memref<1x80xi32, #tpu.memory_space<vmem>>
        %dma_wait3A_325 = tpu.memref_squeeze %dma_wait3A_324 : memref<1x80xi32, #tpu.memory_space<vmem>> -> memref<80xi32, #tpu.memory_space<vmem>>
        %dma_wait3A_326 = arith.constant 0 : i32
        %dma_wait3A_327 = arith.constant 0 : i32
        %dma_wait3A_328 = tpu.memref_slice %arg15[%dma_wait3A_326, %dma_wait3A_327] : memref<10240x64xf32, #tpu.memory_space<vmem_shared>> -> memref<10240x64xf32, #tpu.memory_space<vmem_shared>>
        tpu.wait_indirect_dma semaphore(%arg23 : memref<!tpu.dma_semaphore, #tpu.memory_space<semaphore_mem>>) src(%arg11 : memref<80x64xf32, #tpu.memory_space<vmem>>) dst(%dma_wait3A_328 : memref<10240x64xf32, #tpu.memory_space<vmem_shared>>)
      } else {
      }
      %lt3A_283 = arith.constant 125 : i32
      %lt3A_284 = arith.cmpi slt, %sub3A_274, %lt3A_283 : i32
      %convert_element_type3A_285 = arith.extui %lt3A_284 : i1 to i32
      %cond3A_286 = arith.constant 0 : i32
      %cond3A_287 = arith.cmpi ne, %convert_element_type3A_285, %cond3A_286 : i32
      scf.if %cond3A_287 {
        %dma_start3A_321 = arith.constant 0 : i32
        %dma_start3A_322 = tpu.memref_slice %arg7[%sub3A_274, %dma_start3A_321] : memref<125x80xi32, #tpu.memory_space<vmem>> -> memref<1x80xi32, #tpu.memory_space<vmem>>
        %dma_start3A_323 = tpu.memref_squeeze %dma_start3A_322 : memref<1x80xi32, #tpu.memory_space<vmem>> -> memref<80xi32, #tpu.memory_space<vmem>>
        %dma_start3A_324 = arith.constant 0 : i32
        %dma_start3A_325 = arith.constant 0 : i32
        %dma_start3A_326 = tpu.memref_slice %arg2[%dma_start3A_324, %dma_start3A_325] : memref<10000x64xf32, #tpu.memory_space<hbm>> -> memref<10000x64xf32, #tpu.memory_space<hbm>>
        tpu.enqueue_indirect_dma source(%dma_start3A_326 : memref<10000x64xf32, #tpu.memory_space<hbm>>) target(%arg11 : memref<80x64xf32, #tpu.memory_space<vmem>>) offsets(%dma_start3A_323 : memref<80xi32, #tpu.memory_space<vmem>>) semaphore(%arg18 : memref<!tpu.dma_semaphore, #tpu.memory_space<semaphore_mem>>)
      } else {
      }
      %mul3A_288 = arith.constant 5 : i32
      %mul3A_289 = arith.muli %scan3A_161, %mul3A_288 : i32
      %add3A_290 = arith.constant 4 : i32
      %add3A_291 = arith.addi %mul3A_289, %add3A_290 : i32
      %dma_wait3A_292 = arith.constant 0 : i32
      %dma_wait3A_293 = tpu.memref_slice %arg7[%add3A_291, %dma_wait3A_292] : memref<125x80xi32, #tpu.memory_space<vmem>> -> memref<1x80xi32, #tpu.memory_space<vmem>>
      %dma_wait3A_294 = tpu.memref_squeeze %dma_wait3A_293 : memref<1x80xi32, #tpu.memory_space<vmem>> -> memref<80xi32, #tpu.memory_space<vmem>>
      %dma_wait3A_295 = arith.constant 0 : i32
      %dma_wait3A_296 = arith.constant 0 : i32
      %dma_wait3A_297 = tpu.memref_slice %arg2[%dma_wait3A_295, %dma_wait3A_296] : memref<10000x64xf32, #tpu.memory_space<hbm>> -> memref<10000x64xf32, #tpu.memory_space<hbm>>
      tpu.wait_indirect_dma semaphore(%arg20 : memref<!tpu.dma_semaphore, #tpu.memory_space<semaphore_mem>>) src(%dma_wait3A_297 : memref<10000x64xf32, #tpu.memory_space<hbm>>) dst(%arg13 : memref<80x64xf32, #tpu.memory_space<vmem>>)
      %dma_start3A_298 = arith.constant 0 : i32
      %dma_start3A_299 = tpu.memref_slice %arg8[%add3A_291, %dma_start3A_298] : memref<125x80xi32, #tpu.memory_space<vmem>> -> memref<1x80xi32, #tpu.memory_space<vmem>>
      %dma_start3A_300 = tpu.memref_squeeze %dma_start3A_299 : memref<1x80xi32, #tpu.memory_space<vmem>> -> memref<80xi32, #tpu.memory_space<vmem>>
      %dma_start3A_301 = arith.constant 0 : i32
      %dma_start3A_302 = arith.constant 0 : i32
      %dma_start3A_303 = tpu.memref_slice %arg15[%dma_start3A_301, %dma_start3A_302] : memref<10240x64xf32, #tpu.memory_space<vmem_shared>> -> memref<10240x64xf32, #tpu.memory_space<vmem_shared>>
      tpu.enqueue_indirect_dma source(%arg13 : memref<80x64xf32, #tpu.memory_space<vmem>>) target(%dma_start3A_303 : memref<10240x64xf32, #tpu.memory_space<vmem_shared>>) offsets(%dma_start3A_300 : memref<80xi32, #tpu.memory_space<vmem>>) semaphore(%arg25 : memref<!tpu.dma_semaphore, #tpu.memory_space<semaphore_mem>>) {add = true}
      %add3A_304 = arith.constant 5 : i32
      %add3A_305 = arith.addi %add3A_291, %add3A_304 : i32
      %sub3A_306 = arith.constant 1 : i32
      %sub3A_307 = arith.subi %add3A_305, %sub3A_306 : i32
      %lt3A_308 = arith.constant 125 : i32
      %lt3A_309 = arith.cmpi slt, %sub3A_307, %lt3A_308 : i32
      %gt3A_310 = arith.constant 0 : i32
      %gt3A_311 = arith.cmpi sgt, %add3A_291, %gt3A_310 : i32
      %and3A_312 = arith.andi %lt3A_309, %gt3A_311 : i1
      %convert_element_type3A_313 = arith.extui %and3A_312 : i1 to i32
      %cond3A_314 = arith.constant 0 : i32
      %cond3A_315 = arith.cmpi ne, %convert_element_type3A_313, %cond3A_314 : i32
      scf.if %cond3A_315 {
        %sub3A_321 = arith.constant 1 : i32
        %sub3A_322 = arith.subi %add3A_291, %sub3A_321 : i32
        %dma_wait3A_323 = arith.constant 0 : i32
        %dma_wait3A_324 = tpu.memref_slice %arg8[%sub3A_322, %dma_wait3A_323] : memref<125x80xi32, #tpu.memory_space<vmem>> -> memref<1x80xi32, #tpu.memory_space<vmem>>
        %dma_wait3A_325 = tpu.memref_squeeze %dma_wait3A_324 : memref<1x80xi32, #tpu.memory_space<vmem>> -> memref<80xi32, #tpu.memory_space<vmem>>
        %dma_wait3A_326 = arith.constant 0 : i32
        %dma_wait3A_327 = arith.constant 0 : i32
        %dma_wait3A_328 = tpu.memref_slice %arg15[%dma_wait3A_326, %dma_wait3A_327] : memref<10240x64xf32, #tpu.memory_space<vmem_shared>> -> memref<10240x64xf32, #tpu.memory_space<vmem_shared>>
        tpu.wait_indirect_dma semaphore(%arg24 : memref<!tpu.dma_semaphore, #tpu.memory_space<semaphore_mem>>) src(%arg12 : memref<80x64xf32, #tpu.memory_space<vmem>>) dst(%dma_wait3A_328 : memref<10240x64xf32, #tpu.memory_space<vmem_shared>>)
      } else {
      }
      %lt3A_316 = arith.constant 125 : i32
      %lt3A_317 = arith.cmpi slt, %sub3A_307, %lt3A_316 : i32
      %convert_element_type3A_318 = arith.extui %lt3A_317 : i1 to i32
      %cond3A_319 = arith.constant 0 : i32
      %cond3A_320 = arith.cmpi ne, %convert_element_type3A_318, %cond3A_319 : i32
      scf.if %cond3A_320 {
        %dma_start3A_321 = arith.constant 0 : i32
        %dma_start3A_322 = tpu.memref_slice %arg7[%sub3A_307, %dma_start3A_321] : memref<125x80xi32, #tpu.memory_space<vmem>> -> memref<1x80xi32, #tpu.memory_space<vmem>>
        %dma_start3A_323 = tpu.memref_squeeze %dma_start3A_322 : memref<1x80xi32, #tpu.memory_space<vmem>> -> memref<80xi32, #tpu.memory_space<vmem>>
        %dma_start3A_324 = arith.constant 0 : i32
        %dma_start3A_325 = arith.constant 0 : i32
        %dma_start3A_326 = tpu.memref_slice %arg2[%dma_start3A_324, %dma_start3A_325] : memref<10000x64xf32, #tpu.memory_space<hbm>> -> memref<10000x64xf32, #tpu.memory_space<hbm>>
        tpu.enqueue_indirect_dma source(%dma_start3A_326 : memref<10000x64xf32, #tpu.memory_space<hbm>>) target(%arg12 : memref<80x64xf32, #tpu.memory_space<vmem>>) offsets(%dma_start3A_323 : memref<80xi32, #tpu.memory_space<vmem>>) semaphore(%arg19 : memref<!tpu.dma_semaphore, #tpu.memory_space<semaphore_mem>>)
      } else {
      }
    }
    %scan3A_41 = arith.constant 25 : i32
    %dma_wait3A = arith.constant 0 : i32
    %dma_wait3A_42 = arith.constant 0 : i32
    %dma_wait3A_43 = tpu.memref_slice %arg8[%dma_wait3A, %dma_wait3A_42] : memref<125x80xi32, #tpu.memory_space<vmem>> -> memref<1x80xi32, #tpu.memory_space<vmem>>
    %dma_wait3A_44 = tpu.memref_squeeze %dma_wait3A_43 : memref<1x80xi32, #tpu.memory_space<vmem>> -> memref<80xi32, #tpu.memory_space<vmem>>
    %dma_wait3A_45 = arith.constant 0 : i32
    %dma_wait3A_46 = arith.constant 0 : i32
    %dma_wait3A_47 = tpu.memref_slice %arg15[%dma_wait3A_45, %dma_wait3A_46] : memref<10240x64xf32, #tpu.memory_space<vmem_shared>> -> memref<10240x64xf32, #tpu.memory_space<vmem_shared>>
    tpu.wait_indirect_dma semaphore(%arg21 : memref<!tpu.dma_semaphore, #tpu.memory_space<semaphore_mem>>) src(%arg9 : memref<80x64xf32, #tpu.memory_space<vmem>>) dst(%dma_wait3A_47 : memref<10240x64xf32, #tpu.memory_space<vmem_shared>>)
    %dma_wait3A_48 = arith.constant 0 : i32
    %dma_wait3A_49 = arith.constant 0 : i32
    %dma_wait3A_50 = tpu.memref_slice %arg8[%dma_wait3A_48, %dma_wait3A_49] : memref<125x80xi32, #tpu.memory_space<vmem>> -> memref<1x80xi32, #tpu.memory_space<vmem>>
    %dma_wait3A_51 = tpu.memref_squeeze %dma_wait3A_50 : memref<1x80xi32, #tpu.memory_space<vmem>> -> memref<80xi32, #tpu.memory_space<vmem>>
    %dma_wait3A_52 = arith.constant 0 : i32
    %dma_wait3A_53 = arith.constant 0 : i32
    %dma_wait3A_54 = tpu.memref_slice %arg15[%dma_wait3A_52, %dma_wait3A_53] : memref<10240x64xf32, #tpu.memory_space<vmem_shared>> -> memref<10240x64xf32, #tpu.memory_space<vmem_shared>>
    tpu.wait_indirect_dma semaphore(%arg22 : memref<!tpu.dma_semaphore, #tpu.memory_space<semaphore_mem>>) src(%arg10 : memref<80x64xf32, #tpu.memory_space<vmem>>) dst(%dma_wait3A_54 : memref<10240x64xf32, #tpu.memory_space<vmem_shared>>)
    %dma_wait3A_55 = arith.constant 0 : i32
    %dma_wait3A_56 = arith.constant 0 : i32
    %dma_wait3A_57 = tpu.memref_slice %arg8[%dma_wait3A_55, %dma_wait3A_56] : memref<125x80xi32, #tpu.memory_space<vmem>> -> memref<1x80xi32, #tpu.memory_space<vmem>>
    %dma_wait3A_58 = tpu.memref_squeeze %dma_wait3A_57 : memref<1x80xi32, #tpu.memory_space<vmem>> -> memref<80xi32, #tpu.memory_space<vmem>>
    %dma_wait3A_59 = arith.constant 0 : i32
    %dma_wait3A_60 = arith.constant 0 : i32
    %dma_wait3A_61 = tpu.memref_slice %arg15[%dma_wait3A_59, %dma_wait3A_60] : memref<10240x64xf32, #tpu.memory_space<vmem_shared>> -> memref<10240x64xf32, #tpu.memory_space<vmem_shared>>
    tpu.wait_indirect_dma semaphore(%arg23 : memref<!tpu.dma_semaphore, #tpu.memory_space<semaphore_mem>>) src(%arg11 : memref<80x64xf32, #tpu.memory_space<vmem>>) dst(%dma_wait3A_61 : memref<10240x64xf32, #tpu.memory_space<vmem_shared>>)
    %dma_wait3A_62 = arith.constant 0 : i32
    %dma_wait3A_63 = arith.constant 0 : i32
    %dma_wait3A_64 = tpu.memref_slice %arg8[%dma_wait3A_62, %dma_wait3A_63] : memref<125x80xi32, #tpu.memory_space<vmem>> -> memref<1x80xi32, #tpu.memory_space<vmem>>
    %dma_wait3A_65 = tpu.memref_squeeze %dma_wait3A_64 : memref<1x80xi32, #tpu.memory_space<vmem>> -> memref<80xi32, #tpu.memory_space<vmem>>
    %dma_wait3A_66 = arith.constant 0 : i32
    %dma_wait3A_67 = arith.constant 0 : i32
    %dma_wait3A_68 = tpu.memref_slice %arg15[%dma_wait3A_66, %dma_wait3A_67] : memref<10240x64xf32, #tpu.memory_space<vmem_shared>> -> memref<10240x64xf32, #tpu.memory_space<vmem_shared>>
    tpu.wait_indirect_dma semaphore(%arg24 : memref<!tpu.dma_semaphore, #tpu.memory_space<semaphore_mem>>) src(%arg12 : memref<80x64xf32, #tpu.memory_space<vmem>>) dst(%dma_wait3A_68 : memref<10240x64xf32, #tpu.memory_space<vmem_shared>>)
    %dma_wait3A_69 = arith.constant 0 : i32
    %dma_wait3A_70 = arith.constant 0 : i32
    %dma_wait3A_71 = tpu.memref_slice %arg8[%dma_wait3A_69, %dma_wait3A_70] : memref<125x80xi32, #tpu.memory_space<vmem>> -> memref<1x80xi32, #tpu.memory_space<vmem>>
    %dma_wait3A_72 = tpu.memref_squeeze %dma_wait3A_71 : memref<1x80xi32, #tpu.memory_space<vmem>> -> memref<80xi32, #tpu.memory_space<vmem>>
    %dma_wait3A_73 = arith.constant 0 : i32
    %dma_wait3A_74 = arith.constant 0 : i32
    %dma_wait3A_75 = tpu.memref_slice %arg15[%dma_wait3A_73, %dma_wait3A_74] : memref<10240x64xf32, #tpu.memory_space<vmem_shared>> -> memref<10240x64xf32, #tpu.memory_space<vmem_shared>>
    tpu.wait_indirect_dma semaphore(%arg25 : memref<!tpu.dma_semaphore, #tpu.memory_space<semaphore_mem>>) src(%arg13 : memref<80x64xf32, #tpu.memory_space<vmem>>) dst(%dma_wait3A_75 : memref<10240x64xf32, #tpu.memory_space<vmem_shared>>)
    %barrier3A_76 = arith.constant 0 : index
    tpu.barrier barrier_id(%barrier3A_76)
    %mul3A_77 = arith.constant 640 : i32
    %mul3A_78 = arith.muli %arg1, %mul3A_77 : i32
    %mul3A_79 = arith.constant 640 : i32
    %mul3A_80 = arith.muli %arg1, %mul3A_79 : i32
    %run_scoped3A = arith.constant 0 : i32
    "tpu.region"() ({
      %run_scoped3A_161 = tpu.sem_alloc : memref<!tpu.dma_semaphore, #tpu.memory_space<semaphore_mem>>
      %dma_start3A_162 = arith.constant 0 : i32
      %dma_start3A_163 = tpu.memref_slice %arg6[%arg0, %run_scoped3A, %mul3A_80, %dma_start3A_162] : memref<2x2x10240x64xf32, #tpu.memory_space<hbm>> -> memref<1x1x640x64xf32, #tpu.memory_space<hbm>>
      %dma_start3A_164 = tpu.memref_squeeze %dma_start3A_163 : memref<1x1x640x64xf32, #tpu.memory_space<hbm>> -> memref<640x64xf32, #tpu.memory_space<hbm>>
      %dma_start3A_165 = arith.constant 0 : i32
      %dma_start3A_166 = tpu.memref_slice %arg15[%mul3A_78, %dma_start3A_165] : memref<10240x64xf32, #tpu.memory_space<vmem_shared>> -> memref<640x64xf32, #tpu.memory_space<vmem_shared>>
      tpu.enqueue_dma source(%dma_start3A_166 : memref<640x64xf32, #tpu.memory_space<vmem_shared>>) target(%dma_start3A_164 : memref<640x64xf32, #tpu.memory_space<hbm>>) target_semaphore(%run_scoped3A_161 : memref<!tpu.dma_semaphore, #tpu.memory_space<semaphore_mem>>)
      %dma_wait3A_167 = arith.constant 0 : i32
      %dma_wait3A_168 = tpu.memref_slice %arg6[%arg0, %run_scoped3A, %mul3A_80, %dma_wait3A_167] : memref<2x2x10240x64xf32, #tpu.memory_space<hbm>> -> memref<1x1x640x64xf32, #tpu.memory_space<hbm>>
      %dma_wait3A_169 = tpu.memref_squeeze %dma_wait3A_168 : memref<1x1x640x64xf32, #tpu.memory_space<hbm>> -> memref<640x64xf32, #tpu.memory_space<hbm>>
      %dma_wait3A_170 = arith.constant 0 : i32
      %dma_wait3A_171 = tpu.memref_slice %arg15[%mul3A_78, %dma_wait3A_170] : memref<10240x64xf32, #tpu.memory_space<vmem_shared>> -> memref<640x64xf32, #tpu.memory_space<vmem_shared>>
      tpu.wait_dma2 semaphore(%run_scoped3A_161 : memref<!tpu.dma_semaphore, #tpu.memory_space<semaphore_mem>>) src(%dma_wait3A_171 : memref<640x64xf32, #tpu.memory_space<vmem_shared>>) dst(%dma_wait3A_169 : memref<640x64xf32, #tpu.memory_space<hbm>>)
      tpu.yield
    }) : () -> ()
    %scan3A_81 = arith.constant 0 : i32
    %scan3A_82 = arith.constant 8 : i32
    %scan3A_83 = arith.addi %scan3A_81, %scan3A_82 : i32
    %scan3A_84 = arith.constant 1 : i32
    scf.for %scan3A_161 = %scan3A_81 to %scan3A_83 step %scan3A_84  : i32 {
      %mul3A_162 = arith.constant 640 : i32
      %mul3A_163 = arith.muli %arg1, %mul3A_162 : i32
      %mul3A_164 = arith.constant 80 : i32
      %mul3A_165 = arith.muli %scan3A_161, %mul3A_164 : i32
      %add3A_166 = arith.addi %mul3A_163, %mul3A_165 : i32
      "tpu.region"() ({
        %run_scoped3A_167 = tpu.sem_alloc : memref<!tpu.dma_semaphore, #tpu.memory_space<semaphore_mem>>
        %dma_start3A_168 = arith.constant 0 : i32
        %dma_start3A_169 = tpu.memref_slice %arg15[%add3A_166, %dma_start3A_168] : memref<10240x64xf32, #tpu.memory_space<vmem_shared>> -> memref<80x64xf32, #tpu.memory_space<vmem_shared>>
        %dma_start3A_170 = arith.constant 0 : i32
        %dma_start3A_171 = tpu.memref_slice %arg15[%add3A_166, %dma_start3A_170] : memref<10240x64xf32, #tpu.memory_space<vmem_shared>> -> memref<80x64xf32, #tpu.memory_space<vmem_shared>>
        tpu.enqueue_dma source(%arg14 : memref<80x64xf32, #tpu.memory_space<vmem>>) target(%dma_start3A_171 : memref<80x64xf32, #tpu.memory_space<vmem_shared>>) target_semaphore(%run_scoped3A_167 : memref<!tpu.dma_semaphore, #tpu.memory_space<semaphore_mem>>)
        %dma_wait3A_172 = arith.constant 0 : i32
        %dma_wait3A_173 = tpu.memref_slice %arg15[%add3A_166, %dma_wait3A_172] : memref<10240x64xf32, #tpu.memory_space<vmem_shared>> -> memref<80x64xf32, #tpu.memory_space<vmem_shared>>
        %dma_wait3A_174 = arith.constant 0 : i32
        %dma_wait3A_175 = tpu.memref_slice %arg15[%add3A_166, %dma_wait3A_174] : memref<10240x64xf32, #tpu.memory_space<vmem_shared>> -> memref<80x64xf32, #tpu.memory_space<vmem_shared>>
        tpu.wait_dma2 semaphore(%run_scoped3A_167 : memref<!tpu.dma_semaphore, #tpu.memory_space<semaphore_mem>>) src(%arg14 : memref<80x64xf32, #tpu.memory_space<vmem>>) dst(%dma_wait3A_175 : memref<80x64xf32, #tpu.memory_space<vmem_shared>>)
        tpu.yield
      }) : () -> ()
    }
    %scan3A_85 = arith.constant 8 : i32
    %barrier3A_86 = arith.constant 0 : index
    tpu.barrier barrier_id(%barrier3A_86)
    %dma_start3A_87 = arith.constant 0 : i32
    %dma_start3A_88 = arith.constant 0 : i32
    %dma_start3A_89 = tpu.memref_slice %arg7[%dma_start3A_87, %dma_start3A_88] : memref<125x80xi32, #tpu.memory_space<vmem>> -> memref<1x80xi32, #tpu.memory_space<vmem>>
    %dma_start3A_90 = tpu.memref_squeeze %dma_start3A_89 : memref<1x80xi32, #tpu.memory_space<vmem>> -> memref<80xi32, #tpu.memory_space<vmem>>
    %dma_start3A_91 = arith.constant 0 : i32
    %dma_start3A_92 = arith.constant 0 : i32
    %dma_start3A_93 = tpu.memref_slice %arg3[%dma_start3A_91, %dma_start3A_92] : memref<10000x64xf32, #tpu.memory_space<hbm>> -> memref<10000x64xf32, #tpu.memory_space<hbm>>
    tpu.enqueue_indirect_dma source(%dma_start3A_93 : memref<10000x64xf32, #tpu.memory_space<hbm>>) target(%arg9 : memref<80x64xf32, #tpu.memory_space<vmem>>) offsets(%dma_start3A_90 : memref<80xi32, #tpu.memory_space<vmem>>) semaphore(%arg16 : memref<!tpu.dma_semaphore, #tpu.memory_space<semaphore_mem>>)
    %dma_start3A_94 = arith.constant 1 : i32
    %dma_start3A_95 = arith.constant 0 : i32
    %dma_start3A_96 = tpu.memref_slice %arg7[%dma_start3A_94, %dma_start3A_95] : memref<125x80xi32, #tpu.memory_space<vmem>> -> memref<1x80xi32, #tpu.memory_space<vmem>>
    %dma_start3A_97 = tpu.memref_squeeze %dma_start3A_96 : memref<1x80xi32, #tpu.memory_space<vmem>> -> memref<80xi32, #tpu.memory_space<vmem>>
    %dma_start3A_98 = arith.constant 0 : i32
    %dma_start3A_99 = arith.constant 0 : i32
    %dma_start3A_100 = tpu.memref_slice %arg3[%dma_start3A_98, %dma_start3A_99] : memref<10000x64xf32, #tpu.memory_space<hbm>> -> memref<10000x64xf32, #tpu.memory_space<hbm>>
    tpu.enqueue_indirect_dma source(%dma_start3A_100 : memref<10000x64xf32, #tpu.memory_space<hbm>>) target(%arg10 : memref<80x64xf32, #tpu.memory_space<vmem>>) offsets(%dma_start3A_97 : memref<80xi32, #tpu.memory_space<vmem>>) semaphore(%arg17 : memref<!tpu.dma_semaphore, #tpu.memory_space<semaphore_mem>>)
    %dma_start3A_101 = arith.constant 2 : i32
    %dma_start3A_102 = arith.constant 0 : i32
    %dma_start3A_103 = tpu.memref_slice %arg7[%dma_start3A_101, %dma_start3A_102] : memref<125x80xi32, #tpu.memory_space<vmem>> -> memref<1x80xi32, #tpu.memory_space<vmem>>
    %dma_start3A_104 = tpu.memref_squeeze %dma_start3A_103 : memref<1x80xi32, #tpu.memory_space<vmem>> -> memref<80xi32, #tpu.memory_space<vmem>>
    %dma_start3A_105 = arith.constant 0 : i32
    %dma_start3A_106 = arith.constant 0 : i32
    %dma_start3A_107 = tpu.memref_slice %arg3[%dma_start3A_105, %dma_start3A_106] : memref<10000x64xf32, #tpu.memory_space<hbm>> -> memref<10000x64xf32, #tpu.memory_space<hbm>>
    tpu.enqueue_indirect_dma source(%dma_start3A_107 : memref<10000x64xf32, #tpu.memory_space<hbm>>) target(%arg11 : memref<80x64xf32, #tpu.memory_space<vmem>>) offsets(%dma_start3A_104 : memref<80xi32, #tpu.memory_space<vmem>>) semaphore(%arg18 : memref<!tpu.dma_semaphore, #tpu.memory_space<semaphore_mem>>)
    %dma_start3A_108 = arith.constant 3 : i32
    %dma_start3A_109 = arith.constant 0 : i32
    %dma_start3A_110 = tpu.memref_slice %arg7[%dma_start3A_108, %dma_start3A_109] : memref<125x80xi32, #tpu.memory_space<vmem>> -> memref<1x80xi32, #tpu.memory_space<vmem>>
    %dma_start3A_111 = tpu.memref_squeeze %dma_start3A_110 : memref<1x80xi32, #tpu.memory_space<vmem>> -> memref<80xi32, #tpu.memory_space<vmem>>
    %dma_start3A_112 = arith.constant 0 : i32
    %dma_start3A_113 = arith.constant 0 : i32
    %dma_start3A_114 = tpu.memref_slice %arg3[%dma_start3A_112, %dma_start3A_113] : memref<10000x64xf32, #tpu.memory_space<hbm>> -> memref<10000x64xf32, #tpu.memory_space<hbm>>
    tpu.enqueue_indirect_dma source(%dma_start3A_114 : memref<10000x64xf32, #tpu.memory_space<hbm>>) target(%arg12 : memref<80x64xf32, #tpu.memory_space<vmem>>) offsets(%dma_start3A_111 : memref<80xi32, #tpu.memory_space<vmem>>) semaphore(%arg19 : memref<!tpu.dma_semaphore, #tpu.memory_space<semaphore_mem>>)
    %scan3A_115 = arith.constant 0 : i32
    %scan3A_116 = arith.constant 25 : i32
    %scan3A_117 = arith.addi %scan3A_115, %scan3A_116 : i32
    %scan3A_118 = arith.constant 1 : i32
    scf.for %scan3A_161 = %scan3A_115 to %scan3A_117 step %scan3A_118  : i32 {
      %mul3A_162 = arith.constant 5 : i32
      %mul3A_163 = arith.muli %scan3A_161, %mul3A_162 : i32
      %add3A_164 = arith.constant 0 : i32
      %add3A_165 = arith.addi %mul3A_163, %add3A_164 : i32
      %dma_wait3A_166 = arith.constant 0 : i32
      %dma_wait3A_167 = tpu.memref_slice %arg7[%add3A_165, %dma_wait3A_166] : memref<125x80xi32, #tpu.memory_space<vmem>> -> memref<1x80xi32, #tpu.memory_space<vmem>>
      %dma_wait3A_168 = tpu.memref_squeeze %dma_wait3A_167 : memref<1x80xi32, #tpu.memory_space<vmem>> -> memref<80xi32, #tpu.memory_space<vmem>>
      %dma_wait3A_169 = arith.constant 0 : i32
      %dma_wait3A_170 = arith.constant 0 : i32
      %dma_wait3A_171 = tpu.memref_slice %arg3[%dma_wait3A_169, %dma_wait3A_170] : memref<10000x64xf32, #tpu.memory_space<hbm>> -> memref<10000x64xf32, #tpu.memory_space<hbm>>
      tpu.wait_indirect_dma semaphore(%arg16 : memref<!tpu.dma_semaphore, #tpu.memory_space<semaphore_mem>>) src(%dma_wait3A_171 : memref<10000x64xf32, #tpu.memory_space<hbm>>) dst(%arg9 : memref<80x64xf32, #tpu.memory_space<vmem>>)
      %dma_start3A_172 = arith.constant 0 : i32
      %dma_start3A_173 = tpu.memref_slice %arg8[%add3A_165, %dma_start3A_172] : memref<125x80xi32, #tpu.memory_space<vmem>> -> memref<1x80xi32, #tpu.memory_space<vmem>>
      %dma_start3A_174 = tpu.memref_squeeze %dma_start3A_173 : memref<1x80xi32, #tpu.memory_space<vmem>> -> memref<80xi32, #tpu.memory_space<vmem>>
      %dma_start3A_175 = arith.constant 0 : i32
      %dma_start3A_176 = arith.constant 0 : i32
      %dma_start3A_177 = tpu.memref_slice %arg15[%dma_start3A_175, %dma_start3A_176] : memref<10240x64xf32, #tpu.memory_space<vmem_shared>> -> memref<10240x64xf32, #tpu.memory_space<vmem_shared>>
      tpu.enqueue_indirect_dma source(%arg9 : memref<80x64xf32, #tpu.memory_space<vmem>>) target(%dma_start3A_177 : memref<10240x64xf32, #tpu.memory_space<vmem_shared>>) offsets(%dma_start3A_174 : memref<80xi32, #tpu.memory_space<vmem>>) semaphore(%arg21 : memref<!tpu.dma_semaphore, #tpu.memory_space<semaphore_mem>>) {add = true}
      %add3A_178 = arith.constant 5 : i32
      %add3A_179 = arith.addi %add3A_165, %add3A_178 : i32
      %sub3A = arith.constant 1 : i32
      %sub3A_180 = arith.subi %add3A_179, %sub3A : i32
      %lt3A = arith.constant 125 : i32
      %lt3A_181 = arith.cmpi slt, %sub3A_180, %lt3A : i32
      %gt3A = arith.constant 0 : i32
      %gt3A_182 = arith.cmpi sgt, %add3A_165, %gt3A : i32
      %and3A = arith.andi %lt3A_181, %gt3A_182 : i1
      %convert_element_type3A = arith.extui %and3A : i1 to i32
      %cond3A = arith.constant 0 : i32
      %cond3A_183 = arith.cmpi ne, %convert_element_type3A, %cond3A : i32
      scf.if %cond3A_183 {
        %sub3A_321 = arith.constant 1 : i32
        %sub3A_322 = arith.subi %add3A_165, %sub3A_321 : i32
        %dma_wait3A_323 = arith.constant 0 : i32
        %dma_wait3A_324 = tpu.memref_slice %arg8[%sub3A_322, %dma_wait3A_323] : memref<125x80xi32, #tpu.memory_space<vmem>> -> memref<1x80xi32, #tpu.memory_space<vmem>>
        %dma_wait3A_325 = tpu.memref_squeeze %dma_wait3A_324 : memref<1x80xi32, #tpu.memory_space<vmem>> -> memref<80xi32, #tpu.memory_space<vmem>>
        %dma_wait3A_326 = arith.constant 0 : i32
        %dma_wait3A_327 = arith.constant 0 : i32
        %dma_wait3A_328 = tpu.memref_slice %arg15[%dma_wait3A_326, %dma_wait3A_327] : memref<10240x64xf32, #tpu.memory_space<vmem_shared>> -> memref<10240x64xf32, #tpu.memory_space<vmem_shared>>
        tpu.wait_indirect_dma semaphore(%arg25 : memref<!tpu.dma_semaphore, #tpu.memory_space<semaphore_mem>>) src(%arg13 : memref<80x64xf32, #tpu.memory_space<vmem>>) dst(%dma_wait3A_328 : memref<10240x64xf32, #tpu.memory_space<vmem_shared>>)
      } else {
      }
      %lt3A_184 = arith.constant 125 : i32
      %lt3A_185 = arith.cmpi slt, %sub3A_180, %lt3A_184 : i32
      %convert_element_type3A_186 = arith.extui %lt3A_185 : i1 to i32
      %cond3A_187 = arith.constant 0 : i32
      %cond3A_188 = arith.cmpi ne, %convert_element_type3A_186, %cond3A_187 : i32
      scf.if %cond3A_188 {
        %dma_start3A_321 = arith.constant 0 : i32
        %dma_start3A_322 = tpu.memref_slice %arg7[%sub3A_180, %dma_start3A_321] : memref<125x80xi32, #tpu.memory_space<vmem>> -> memref<1x80xi32, #tpu.memory_space<vmem>>
        %dma_start3A_323 = tpu.memref_squeeze %dma_start3A_322 : memref<1x80xi32, #tpu.memory_space<vmem>> -> memref<80xi32, #tpu.memory_space<vmem>>
        %dma_start3A_324 = arith.constant 0 : i32
        %dma_start3A_325 = arith.constant 0 : i32
        %dma_start3A_326 = tpu.memref_slice %arg3[%dma_start3A_324, %dma_start3A_325] : memref<10000x64xf32, #tpu.memory_space<hbm>> -> memref<10000x64xf32, #tpu.memory_space<hbm>>
        tpu.enqueue_indirect_dma source(%dma_start3A_326 : memref<10000x64xf32, #tpu.memory_space<hbm>>) target(%arg13 : memref<80x64xf32, #tpu.memory_space<vmem>>) offsets(%dma_start3A_323 : memref<80xi32, #tpu.memory_space<vmem>>) semaphore(%arg20 : memref<!tpu.dma_semaphore, #tpu.memory_space<semaphore_mem>>)
      } else {
      }
      %mul3A_189 = arith.constant 5 : i32
      %mul3A_190 = arith.muli %scan3A_161, %mul3A_189 : i32
      %add3A_191 = arith.constant 1 : i32
      %add3A_192 = arith.addi %mul3A_190, %add3A_191 : i32
      %dma_wait3A_193 = arith.constant 0 : i32
      %dma_wait3A_194 = tpu.memref_slice %arg7[%add3A_192, %dma_wait3A_193] : memref<125x80xi32, #tpu.memory_space<vmem>> -> memref<1x80xi32, #tpu.memory_space<vmem>>
      %dma_wait3A_195 = tpu.memref_squeeze %dma_wait3A_194 : memref<1x80xi32, #tpu.memory_space<vmem>> -> memref<80xi32, #tpu.memory_space<vmem>>
      %dma_wait3A_196 = arith.constant 0 : i32
      %dma_wait3A_197 = arith.constant 0 : i32
      %dma_wait3A_198 = tpu.memref_slice %arg3[%dma_wait3A_196, %dma_wait3A_197] : memref<10000x64xf32, #tpu.memory_space<hbm>> -> memref<10000x64xf32, #tpu.memory_space<hbm>>
      tpu.wait_indirect_dma semaphore(%arg17 : memref<!tpu.dma_semaphore, #tpu.memory_space<semaphore_mem>>) src(%dma_wait3A_198 : memref<10000x64xf32, #tpu.memory_space<hbm>>) dst(%arg10 : memref<80x64xf32, #tpu.memory_space<vmem>>)
      %dma_start3A_199 = arith.constant 0 : i32
      %dma_start3A_200 = tpu.memref_slice %arg8[%add3A_192, %dma_start3A_199] : memref<125x80xi32, #tpu.memory_space<vmem>> -> memref<1x80xi32, #tpu.memory_space<vmem>>
      %dma_start3A_201 = tpu.memref_squeeze %dma_start3A_200 : memref<1x80xi32, #tpu.memory_space<vmem>> -> memref<80xi32, #tpu.memory_space<vmem>>
      %dma_start3A_202 = arith.constant 0 : i32
      %dma_start3A_203 = arith.constant 0 : i32
      %dma_start3A_204 = tpu.memref_slice %arg15[%dma_start3A_202, %dma_start3A_203] : memref<10240x64xf32, #tpu.memory_space<vmem_shared>> -> memref<10240x64xf32, #tpu.memory_space<vmem_shared>>
      tpu.enqueue_indirect_dma source(%arg10 : memref<80x64xf32, #tpu.memory_space<vmem>>) target(%dma_start3A_204 : memref<10240x64xf32, #tpu.memory_space<vmem_shared>>) offsets(%dma_start3A_201 : memref<80xi32, #tpu.memory_space<vmem>>) semaphore(%arg22 : memref<!tpu.dma_semaphore, #tpu.memory_space<semaphore_mem>>) {add = true}
      %add3A_205 = arith.constant 5 : i32
      %add3A_206 = arith.addi %add3A_192, %add3A_205 : i32
      %sub3A_207 = arith.constant 1 : i32
      %sub3A_208 = arith.subi %add3A_206, %sub3A_207 : i32
      %lt3A_209 = arith.constant 125 : i32
      %lt3A_210 = arith.cmpi slt, %sub3A_208, %lt3A_209 : i32
      %gt3A_211 = arith.constant 0 : i32
      %gt3A_212 = arith.cmpi sgt, %add3A_192, %gt3A_211 : i32
      %and3A_213 = arith.andi %lt3A_210, %gt3A_212 : i1
      %convert_element_type3A_214 = arith.extui %and3A_213 : i1 to i32
      %cond3A_215 = arith.constant 0 : i32
      %cond3A_216 = arith.cmpi ne, %convert_element_type3A_214, %cond3A_215 : i32
      scf.if %cond3A_216 {
        %sub3A_321 = arith.constant 1 : i32
        %sub3A_322 = arith.subi %add3A_192, %sub3A_321 : i32
        %dma_wait3A_323 = arith.constant 0 : i32
        %dma_wait3A_324 = tpu.memref_slice %arg8[%sub3A_322, %dma_wait3A_323] : memref<125x80xi32, #tpu.memory_space<vmem>> -> memref<1x80xi32, #tpu.memory_space<vmem>>
        %dma_wait3A_325 = tpu.memref_squeeze %dma_wait3A_324 : memref<1x80xi32, #tpu.memory_space<vmem>> -> memref<80xi32, #tpu.memory_space<vmem>>
        %dma_wait3A_326 = arith.constant 0 : i32
        %dma_wait3A_327 = arith.constant 0 : i32
        %dma_wait3A_328 = tpu.memref_slice %arg15[%dma_wait3A_326, %dma_wait3A_327] : memref<10240x64xf32, #tpu.memory_space<vmem_shared>> -> memref<10240x64xf32, #tpu.memory_space<vmem_shared>>
        tpu.wait_indirect_dma semaphore(%arg21 : memref<!tpu.dma_semaphore, #tpu.memory_space<semaphore_mem>>) src(%arg9 : memref<80x64xf32, #tpu.memory_space<vmem>>) dst(%dma_wait3A_328 : memref<10240x64xf32, #tpu.memory_space<vmem_shared>>)
      } else {
      }
      %lt3A_217 = arith.constant 125 : i32
      %lt3A_218 = arith.cmpi slt, %sub3A_208, %lt3A_217 : i32
      %convert_element_type3A_219 = arith.extui %lt3A_218 : i1 to i32
      %cond3A_220 = arith.constant 0 : i32
      %cond3A_221 = arith.cmpi ne, %convert_element_type3A_219, %cond3A_220 : i32
      scf.if %cond3A_221 {
        %dma_start3A_321 = arith.constant 0 : i32
        %dma_start3A_322 = tpu.memref_slice %arg7[%sub3A_208, %dma_start3A_321] : memref<125x80xi32, #tpu.memory_space<vmem>> -> memref<1x80xi32, #tpu.memory_space<vmem>>
        %dma_start3A_323 = tpu.memref_squeeze %dma_start3A_322 : memref<1x80xi32, #tpu.memory_space<vmem>> -> memref<80xi32, #tpu.memory_space<vmem>>
        %dma_start3A_324 = arith.constant 0 : i32
        %dma_start3A_325 = arith.constant 0 : i32
        %dma_start3A_326 = tpu.memref_slice %arg3[%dma_start3A_324, %dma_start3A_325] : memref<10000x64xf32, #tpu.memory_space<hbm>> -> memref<10000x64xf32, #tpu.memory_space<hbm>>
        tpu.enqueue_indirect_dma source(%dma_start3A_326 : memref<10000x64xf32, #tpu.memory_space<hbm>>) target(%arg9 : memref<80x64xf32, #tpu.memory_space<vmem>>) offsets(%dma_start3A_323 : memref<80xi32, #tpu.memory_space<vmem>>) semaphore(%arg16 : memref<!tpu.dma_semaphore, #tpu.memory_space<semaphore_mem>>)
      } else {
      }
      %mul3A_222 = arith.constant 5 : i32
      %mul3A_223 = arith.muli %scan3A_161, %mul3A_222 : i32
      %add3A_224 = arith.constant 2 : i32
      %add3A_225 = arith.addi %mul3A_223, %add3A_224 : i32
      %dma_wait3A_226 = arith.constant 0 : i32
      %dma_wait3A_227 = tpu.memref_slice %arg7[%add3A_225, %dma_wait3A_226] : memref<125x80xi32, #tpu.memory_space<vmem>> -> memref<1x80xi32, #tpu.memory_space<vmem>>
      %dma_wait3A_228 = tpu.memref_squeeze %dma_wait3A_227 : memref<1x80xi32, #tpu.memory_space<vmem>> -> memref<80xi32, #tpu.memory_space<vmem>>
      %dma_wait3A_229 = arith.constant 0 : i32
      %dma_wait3A_230 = arith.constant 0 : i32
      %dma_wait3A_231 = tpu.memref_slice %arg3[%dma_wait3A_229, %dma_wait3A_230] : memref<10000x64xf32, #tpu.memory_space<hbm>> -> memref<10000x64xf32, #tpu.memory_space<hbm>>
      tpu.wait_indirect_dma semaphore(%arg18 : memref<!tpu.dma_semaphore, #tpu.memory_space<semaphore_mem>>) src(%dma_wait3A_231 : memref<10000x64xf32, #tpu.memory_space<hbm>>) dst(%arg11 : memref<80x64xf32, #tpu.memory_space<vmem>>)
      %dma_start3A_232 = arith.constant 0 : i32
      %dma_start3A_233 = tpu.memref_slice %arg8[%add3A_225, %dma_start3A_232] : memref<125x80xi32, #tpu.memory_space<vmem>> -> memref<1x80xi32, #tpu.memory_space<vmem>>
      %dma_start3A_234 = tpu.memref_squeeze %dma_start3A_233 : memref<1x80xi32, #tpu.memory_space<vmem>> -> memref<80xi32, #tpu.memory_space<vmem>>
      %dma_start3A_235 = arith.constant 0 : i32
      %dma_start3A_236 = arith.constant 0 : i32
      %dma_start3A_237 = tpu.memref_slice %arg15[%dma_start3A_235, %dma_start3A_236] : memref<10240x64xf32, #tpu.memory_space<vmem_shared>> -> memref<10240x64xf32, #tpu.memory_space<vmem_shared>>
      tpu.enqueue_indirect_dma source(%arg11 : memref<80x64xf32, #tpu.memory_space<vmem>>) target(%dma_start3A_237 : memref<10240x64xf32, #tpu.memory_space<vmem_shared>>) offsets(%dma_start3A_234 : memref<80xi32, #tpu.memory_space<vmem>>) semaphore(%arg23 : memref<!tpu.dma_semaphore, #tpu.memory_space<semaphore_mem>>) {add = true}
      %add3A_238 = arith.constant 5 : i32
      %add3A_239 = arith.addi %add3A_225, %add3A_238 : i32
      %sub3A_240 = arith.constant 1 : i32
      %sub3A_241 = arith.subi %add3A_239, %sub3A_240 : i32
      %lt3A_242 = arith.constant 125 : i32
      %lt3A_243 = arith.cmpi slt, %sub3A_241, %lt3A_242 : i32
      %gt3A_244 = arith.constant 0 : i32
      %gt3A_245 = arith.cmpi sgt, %add3A_225, %gt3A_244 : i32
      %and3A_246 = arith.andi %lt3A_243, %gt3A_245 : i1
      %convert_element_type3A_247 = arith.extui %and3A_246 : i1 to i32
      %cond3A_248 = arith.constant 0 : i32
      %cond3A_249 = arith.cmpi ne, %convert_element_type3A_247, %cond3A_248 : i32
      scf.if %cond3A_249 {
        %sub3A_321 = arith.constant 1 : i32
        %sub3A_322 = arith.subi %add3A_225, %sub3A_321 : i32
        %dma_wait3A_323 = arith.constant 0 : i32
        %dma_wait3A_324 = tpu.memref_slice %arg8[%sub3A_322, %dma_wait3A_323] : memref<125x80xi32, #tpu.memory_space<vmem>> -> memref<1x80xi32, #tpu.memory_space<vmem>>
        %dma_wait3A_325 = tpu.memref_squeeze %dma_wait3A_324 : memref<1x80xi32, #tpu.memory_space<vmem>> -> memref<80xi32, #tpu.memory_space<vmem>>
        %dma_wait3A_326 = arith.constant 0 : i32
        %dma_wait3A_327 = arith.constant 0 : i32
        %dma_wait3A_328 = tpu.memref_slice %arg15[%dma_wait3A_326, %dma_wait3A_327] : memref<10240x64xf32, #tpu.memory_space<vmem_shared>> -> memref<10240x64xf32, #tpu.memory_space<vmem_shared>>
        tpu.wait_indirect_dma semaphore(%arg22 : memref<!tpu.dma_semaphore, #tpu.memory_space<semaphore_mem>>) src(%arg10 : memref<80x64xf32, #tpu.memory_space<vmem>>) dst(%dma_wait3A_328 : memref<10240x64xf32, #tpu.memory_space<vmem_shared>>)
      } else {
      }
      %lt3A_250 = arith.constant 125 : i32
      %lt3A_251 = arith.cmpi slt, %sub3A_241, %lt3A_250 : i32
      %convert_element_type3A_252 = arith.extui %lt3A_251 : i1 to i32
      %cond3A_253 = arith.constant 0 : i32
      %cond3A_254 = arith.cmpi ne, %convert_element_type3A_252, %cond3A_253 : i32
      scf.if %cond3A_254 {
        %dma_start3A_321 = arith.constant 0 : i32
        %dma_start3A_322 = tpu.memref_slice %arg7[%sub3A_241, %dma_start3A_321] : memref<125x80xi32, #tpu.memory_space<vmem>> -> memref<1x80xi32, #tpu.memory_space<vmem>>
        %dma_start3A_323 = tpu.memref_squeeze %dma_start3A_322 : memref<1x80xi32, #tpu.memory_space<vmem>> -> memref<80xi32, #tpu.memory_space<vmem>>
        %dma_start3A_324 = arith.constant 0 : i32
        %dma_start3A_325 = arith.constant 0 : i32
        %dma_start3A_326 = tpu.memref_slice %arg3[%dma_start3A_324, %dma_start3A_325] : memref<10000x64xf32, #tpu.memory_space<hbm>> -> memref<10000x64xf32, #tpu.memory_space<hbm>>
        tpu.enqueue_indirect_dma source(%dma_start3A_326 : memref<10000x64xf32, #tpu.memory_space<hbm>>) target(%arg10 : memref<80x64xf32, #tpu.memory_space<vmem>>) offsets(%dma_start3A_323 : memref<80xi32, #tpu.memory_space<vmem>>) semaphore(%arg17 : memref<!tpu.dma_semaphore, #tpu.memory_space<semaphore_mem>>)
      } else {
      }
      %mul3A_255 = arith.constant 5 : i32
      %mul3A_256 = arith.muli %scan3A_161, %mul3A_255 : i32
      %add3A_257 = arith.constant 3 : i32
      %add3A_258 = arith.addi %mul3A_256, %add3A_257 : i32
      %dma_wait3A_259 = arith.constant 0 : i32
      %dma_wait3A_260 = tpu.memref_slice %arg7[%add3A_258, %dma_wait3A_259] : memref<125x80xi32, #tpu.memory_space<vmem>> -> memref<1x80xi32, #tpu.memory_space<vmem>>
      %dma_wait3A_261 = tpu.memref_squeeze %dma_wait3A_260 : memref<1x80xi32, #tpu.memory_space<vmem>> -> memref<80xi32, #tpu.memory_space<vmem>>
      %dma_wait3A_262 = arith.constant 0 : i32
      %dma_wait3A_263 = arith.constant 0 : i32
      %dma_wait3A_264 = tpu.memref_slice %arg3[%dma_wait3A_262, %dma_wait3A_263] : memref<10000x64xf32, #tpu.memory_space<hbm>> -> memref<10000x64xf32, #tpu.memory_space<hbm>>
      tpu.wait_indirect_dma semaphore(%arg19 : memref<!tpu.dma_semaphore, #tpu.memory_space<semaphore_mem>>) src(%dma_wait3A_264 : memref<10000x64xf32, #tpu.memory_space<hbm>>) dst(%arg12 : memref<80x64xf32, #tpu.memory_space<vmem>>)
      %dma_start3A_265 = arith.constant 0 : i32
      %dma_start3A_266 = tpu.memref_slice %arg8[%add3A_258, %dma_start3A_265] : memref<125x80xi32, #tpu.memory_space<vmem>> -> memref<1x80xi32, #tpu.memory_space<vmem>>
      %dma_start3A_267 = tpu.memref_squeeze %dma_start3A_266 : memref<1x80xi32, #tpu.memory_space<vmem>> -> memref<80xi32, #tpu.memory_space<vmem>>
      %dma_start3A_268 = arith.constant 0 : i32
      %dma_start3A_269 = arith.constant 0 : i32
      %dma_start3A_270 = tpu.memref_slice %arg15[%dma_start3A_268, %dma_start3A_269] : memref<10240x64xf32, #tpu.memory_space<vmem_shared>> -> memref<10240x64xf32, #tpu.memory_space<vmem_shared>>
      tpu.enqueue_indirect_dma source(%arg12 : memref<80x64xf32, #tpu.memory_space<vmem>>) target(%dma_start3A_270 : memref<10240x64xf32, #tpu.memory_space<vmem_shared>>) offsets(%dma_start3A_267 : memref<80xi32, #tpu.memory_space<vmem>>) semaphore(%arg24 : memref<!tpu.dma_semaphore, #tpu.memory_space<semaphore_mem>>) {add = true}
      %add3A_271 = arith.constant 5 : i32
      %add3A_272 = arith.addi %add3A_258, %add3A_271 : i32
      %sub3A_273 = arith.constant 1 : i32
      %sub3A_274 = arith.subi %add3A_272, %sub3A_273 : i32
      %lt3A_275 = arith.constant 125 : i32
      %lt3A_276 = arith.cmpi slt, %sub3A_274, %lt3A_275 : i32
      %gt3A_277 = arith.constant 0 : i32
      %gt3A_278 = arith.cmpi sgt, %add3A_258, %gt3A_277 : i32
      %and3A_279 = arith.andi %lt3A_276, %gt3A_278 : i1
      %convert_element_type3A_280 = arith.extui %and3A_279 : i1 to i32
      %cond3A_281 = arith.constant 0 : i32
      %cond3A_282 = arith.cmpi ne, %convert_element_type3A_280, %cond3A_281 : i32
      scf.if %cond3A_282 {
        %sub3A_321 = arith.constant 1 : i32
        %sub3A_322 = arith.subi %add3A_258, %sub3A_321 : i32
        %dma_wait3A_323 = arith.constant 0 : i32
        %dma_wait3A_324 = tpu.memref_slice %arg8[%sub3A_322, %dma_wait3A_323] : memref<125x80xi32, #tpu.memory_space<vmem>> -> memref<1x80xi32, #tpu.memory_space<vmem>>
        %dma_wait3A_325 = tpu.memref_squeeze %dma_wait3A_324 : memref<1x80xi32, #tpu.memory_space<vmem>> -> memref<80xi32, #tpu.memory_space<vmem>>
        %dma_wait3A_326 = arith.constant 0 : i32
        %dma_wait3A_327 = arith.constant 0 : i32
        %dma_wait3A_328 = tpu.memref_slice %arg15[%dma_wait3A_326, %dma_wait3A_327] : memref<10240x64xf32, #tpu.memory_space<vmem_shared>> -> memref<10240x64xf32, #tpu.memory_space<vmem_shared>>
        tpu.wait_indirect_dma semaphore(%arg23 : memref<!tpu.dma_semaphore, #tpu.memory_space<semaphore_mem>>) src(%arg11 : memref<80x64xf32, #tpu.memory_space<vmem>>) dst(%dma_wait3A_328 : memref<10240x64xf32, #tpu.memory_space<vmem_shared>>)
      } else {
      }
      %lt3A_283 = arith.constant 125 : i32
      %lt3A_284 = arith.cmpi slt, %sub3A_274, %lt3A_283 : i32
      %convert_element_type3A_285 = arith.extui %lt3A_284 : i1 to i32
      %cond3A_286 = arith.constant 0 : i32
      %cond3A_287 = arith.cmpi ne, %convert_element_type3A_285, %cond3A_286 : i32
      scf.if %cond3A_287 {
        %dma_start3A_321 = arith.constant 0 : i32
        %dma_start3A_322 = tpu.memref_slice %arg7[%sub3A_274, %dma_start3A_321] : memref<125x80xi32, #tpu.memory_space<vmem>> -> memref<1x80xi32, #tpu.memory_space<vmem>>
        %dma_start3A_323 = tpu.memref_squeeze %dma_start3A_322 : memref<1x80xi32, #tpu.memory_space<vmem>> -> memref<80xi32, #tpu.memory_space<vmem>>
        %dma_start3A_324 = arith.constant 0 : i32
        %dma_start3A_325 = arith.constant 0 : i32
        %dma_start3A_326 = tpu.memref_slice %arg3[%dma_start3A_324, %dma_start3A_325] : memref<10000x64xf32, #tpu.memory_space<hbm>> -> memref<10000x64xf32, #tpu.memory_space<hbm>>
        tpu.enqueue_indirect_dma source(%dma_start3A_326 : memref<10000x64xf32, #tpu.memory_space<hbm>>) target(%arg11 : memref<80x64xf32, #tpu.memory_space<vmem>>) offsets(%dma_start3A_323 : memref<80xi32, #tpu.memory_space<vmem>>) semaphore(%arg18 : memref<!tpu.dma_semaphore, #tpu.memory_space<semaphore_mem>>)
      } else {
      }
      %mul3A_288 = arith.constant 5 : i32
      %mul3A_289 = arith.muli %scan3A_161, %mul3A_288 : i32
      %add3A_290 = arith.constant 4 : i32
      %add3A_291 = arith.addi %mul3A_289, %add3A_290 : i32
      %dma_wait3A_292 = arith.constant 0 : i32
      %dma_wait3A_293 = tpu.memref_slice %arg7[%add3A_291, %dma_wait3A_292] : memref<125x80xi32, #tpu.memory_space<vmem>> -> memref<1x80xi32, #tpu.memory_space<vmem>>
      %dma_wait3A_294 = tpu.memref_squeeze %dma_wait3A_293 : memref<1x80xi32, #tpu.memory_space<vmem>> -> memref<80xi32, #tpu.memory_space<vmem>>
      %dma_wait3A_295 = arith.constant 0 : i32
      %dma_wait3A_296 = arith.constant 0 : i32
      %dma_wait3A_297 = tpu.memref_slice %arg3[%dma_wait3A_295, %dma_wait3A_296] : memref<10000x64xf32, #tpu.memory_space<hbm>> -> memref<10000x64xf32, #tpu.memory_space<hbm>>
      tpu.wait_indirect_dma semaphore(%arg20 : memref<!tpu.dma_semaphore, #tpu.memory_space<semaphore_mem>>) src(%dma_wait3A_297 : memref<10000x64xf32, #tpu.memory_space<hbm>>) dst(%arg13 : memref<80x64xf32, #tpu.memory_space<vmem>>)
      %dma_start3A_298 = arith.constant 0 : i32
      %dma_start3A_299 = tpu.memref_slice %arg8[%add3A_291, %dma_start3A_298] : memref<125x80xi32, #tpu.memory_space<vmem>> -> memref<1x80xi32, #tpu.memory_space<vmem>>
      %dma_start3A_300 = tpu.memref_squeeze %dma_start3A_299 : memref<1x80xi32, #tpu.memory_space<vmem>> -> memref<80xi32, #tpu.memory_space<vmem>>
      %dma_start3A_301 = arith.constant 0 : i32
      %dma_start3A_302 = arith.constant 0 : i32
      %dma_start3A_303 = tpu.memref_slice %arg15[%dma_start3A_301, %dma_start3A_302] : memref<10240x64xf32, #tpu.memory_space<vmem_shared>> -> memref<10240x64xf32, #tpu.memory_space<vmem_shared>>
      tpu.enqueue_indirect_dma source(%arg13 : memref<80x64xf32, #tpu.memory_space<vmem>>) target(%dma_start3A_303 : memref<10240x64xf32, #tpu.memory_space<vmem_shared>>) offsets(%dma_start3A_300 : memref<80xi32, #tpu.memory_space<vmem>>) semaphore(%arg25 : memref<!tpu.dma_semaphore, #tpu.memory_space<semaphore_mem>>) {add = true}
      %add3A_304 = arith.constant 5 : i32
      %add3A_305 = arith.addi %add3A_291, %add3A_304 : i32
      %sub3A_306 = arith.constant 1 : i32
      %sub3A_307 = arith.subi %add3A_305, %sub3A_306 : i32
      %lt3A_308 = arith.constant 125 : i32
      %lt3A_309 = arith.cmpi slt, %sub3A_307, %lt3A_308 : i32
      %gt3A_310 = arith.constant 0 : i32
      %gt3A_311 = arith.cmpi sgt, %add3A_291, %gt3A_310 : i32
      %and3A_312 = arith.andi %lt3A_309, %gt3A_311 : i1
      %convert_element_type3A_313 = arith.extui %and3A_312 : i1 to i32
      %cond3A_314 = arith.constant 0 : i32
      %cond3A_315 = arith.cmpi ne, %convert_element_type3A_313, %cond3A_314 : i32
      scf.if %cond3A_315 {
        %sub3A_321 = arith.constant 1 : i32
        %sub3A_322 = arith.subi %add3A_291, %sub3A_321 : i32
        %dma_wait3A_323 = arith.constant 0 : i32
        %dma_wait3A_324 = tpu.memref_slice %arg8[%sub3A_322, %dma_wait3A_323] : memref<125x80xi32, #tpu.memory_space<vmem>> -> memref<1x80xi32, #tpu.memory_space<vmem>>
        %dma_wait3A_325 = tpu.memref_squeeze %dma_wait3A_324 : memref<1x80xi32, #tpu.memory_space<vmem>> -> memref<80xi32, #tpu.memory_space<vmem>>
        %dma_wait3A_326 = arith.constant 0 : i32
        %dma_wait3A_327 = arith.constant 0 : i32
        %dma_wait3A_328 = tpu.memref_slice %arg15[%dma_wait3A_326, %dma_wait3A_327] : memref<10240x64xf32, #tpu.memory_space<vmem_shared>> -> memref<10240x64xf32, #tpu.memory_space<vmem_shared>>
        tpu.wait_indirect_dma semaphore(%arg24 : memref<!tpu.dma_semaphore, #tpu.memory_space<semaphore_mem>>) src(%arg12 : memref<80x64xf32, #tpu.memory_space<vmem>>) dst(%dma_wait3A_328 : memref<10240x64xf32, #tpu.memory_space<vmem_shared>>)
      } else {
      }
      %lt3A_316 = arith.constant 125 : i32
      %lt3A_317 = arith.cmpi slt, %sub3A_307, %lt3A_316 : i32
      %convert_element_type3A_318 = arith.extui %lt3A_317 : i1 to i32
      %cond3A_319 = arith.constant 0 : i32
      %cond3A_320 = arith.cmpi ne, %convert_element_type3A_318, %cond3A_319 : i32
      scf.if %cond3A_320 {
        %dma_start3A_321 = arith.constant 0 : i32
        %dma_start3A_322 = tpu.memref_slice %arg7[%sub3A_307, %dma_start3A_321] : memref<125x80xi32, #tpu.memory_space<vmem>> -> memref<1x80xi32, #tpu.memory_space<vmem>>
        %dma_start3A_323 = tpu.memref_squeeze %dma_start3A_322 : memref<1x80xi32, #tpu.memory_space<vmem>> -> memref<80xi32, #tpu.memory_space<vmem>>
        %dma_start3A_324 = arith.constant 0 : i32
        %dma_start3A_325 = arith.constant 0 : i32
        %dma_start3A_326 = tpu.memref_slice %arg3[%dma_start3A_324, %dma_start3A_325] : memref<10000x64xf32, #tpu.memory_space<hbm>> -> memref<10000x64xf32, #tpu.memory_space<hbm>>
        tpu.enqueue_indirect_dma source(%dma_start3A_326 : memref<10000x64xf32, #tpu.memory_space<hbm>>) target(%arg12 : memref<80x64xf32, #tpu.memory_space<vmem>>) offsets(%dma_start3A_323 : memref<80xi32, #tpu.memory_space<vmem>>) semaphore(%arg19 : memref<!tpu.dma_semaphore, #tpu.memory_space<semaphore_mem>>)
      } else {
      }
    }
    %scan3A_119 = arith.constant 25 : i32
    %dma_wait3A_120 = arith.constant 0 : i32
    %dma_wait3A_121 = arith.constant 0 : i32
    %dma_wait3A_122 = tpu.memref_slice %arg8[%dma_wait3A_120, %dma_wait3A_121] : memref<125x80xi32, #tpu.memory_space<vmem>> -> memref<1x80xi32, #tpu.memory_space<vmem>>
    %dma_wait3A_123 = tpu.memref_squeeze %dma_wait3A_122 : memref<1x80xi32, #tpu.memory_space<vmem>> -> memref<80xi32, #tpu.memory_space<vmem>>
    %dma_wait3A_124 = arith.constant 0 : i32
    %dma_wait3A_125 = arith.constant 0 : i32
    %dma_wait3A_126 = tpu.memref_slice %arg15[%dma_wait3A_124, %dma_wait3A_125] : memref<10240x64xf32, #tpu.memory_space<vmem_shared>> -> memref<10240x64xf32, #tpu.memory_space<vmem_shared>>
    tpu.wait_indirect_dma semaphore(%arg21 : memref<!tpu.dma_semaphore, #tpu.memory_space<semaphore_mem>>) src(%arg9 : memref<80x64xf32, #tpu.memory_space<vmem>>) dst(%dma_wait3A_126 : memref<10240x64xf32, #tpu.memory_space<vmem_shared>>)
    %dma_wait3A_127 = arith.constant 0 : i32
    %dma_wait3A_128 = arith.constant 0 : i32
    %dma_wait3A_129 = tpu.memref_slice %arg8[%dma_wait3A_127, %dma_wait3A_128] : memref<125x80xi32, #tpu.memory_space<vmem>> -> memref<1x80xi32, #tpu.memory_space<vmem>>
    %dma_wait3A_130 = tpu.memref_squeeze %dma_wait3A_129 : memref<1x80xi32, #tpu.memory_space<vmem>> -> memref<80xi32, #tpu.memory_space<vmem>>
    %dma_wait3A_131 = arith.constant 0 : i32
    %dma_wait3A_132 = arith.constant 0 : i32
    %dma_wait3A_133 = tpu.memref_slice %arg15[%dma_wait3A_131, %dma_wait3A_132] : memref<10240x64xf32, #tpu.memory_space<vmem_shared>> -> memref<10240x64xf32, #tpu.memory_space<vmem_shared>>
    tpu.wait_indirect_dma semaphore(%arg22 : memref<!tpu.dma_semaphore, #tpu.memory_space<semaphore_mem>>) src(%arg10 : memref<80x64xf32, #tpu.memory_space<vmem>>) dst(%dma_wait3A_133 : memref<10240x64xf32, #tpu.memory_space<vmem_shared>>)
    %dma_wait3A_134 = arith.constant 0 : i32
    %dma_wait3A_135 = arith.constant 0 : i32
    %dma_wait3A_136 = tpu.memref_slice %arg8[%dma_wait3A_134, %dma_wait3A_135] : memref<125x80xi32, #tpu.memory_space<vmem>> -> memref<1x80xi32, #tpu.memory_space<vmem>>
    %dma_wait3A_137 = tpu.memref_squeeze %dma_wait3A_136 : memref<1x80xi32, #tpu.memory_space<vmem>> -> memref<80xi32, #tpu.memory_space<vmem>>
    %dma_wait3A_138 = arith.constant 0 : i32
    %dma_wait3A_139 = arith.constant 0 : i32
    %dma_wait3A_140 = tpu.memref_slice %arg15[%dma_wait3A_138, %dma_wait3A_139] : memref<10240x64xf32, #tpu.memory_space<vmem_shared>> -> memref<10240x64xf32, #tpu.memory_space<vmem_shared>>
    tpu.wait_indirect_dma semaphore(%arg23 : memref<!tpu.dma_semaphore, #tpu.memory_space<semaphore_mem>>) src(%arg11 : memref<80x64xf32, #tpu.memory_space<vmem>>) dst(%dma_wait3A_140 : memref<10240x64xf32, #tpu.memory_space<vmem_shared>>)
    %dma_wait3A_141 = arith.constant 0 : i32
    %dma_wait3A_142 = arith.constant 0 : i32
    %dma_wait3A_143 = tpu.memref_slice %arg8[%dma_wait3A_141, %dma_wait3A_142] : memref<125x80xi32, #tpu.memory_space<vmem>> -> memref<1x80xi32, #tpu.memory_space<vmem>>
    %dma_wait3A_144 = tpu.memref_squeeze %dma_wait3A_143 : memref<1x80xi32, #tpu.memory_space<vmem>> -> memref<80xi32, #tpu.memory_space<vmem>>
    %dma_wait3A_145 = arith.constant 0 : i32
    %dma_wait3A_146 = arith.constant 0 : i32
    %dma_wait3A_147 = tpu.memref_slice %arg15[%dma_wait3A_145, %dma_wait3A_146] : memref<10240x64xf32, #tpu.memory_space<vmem_shared>> -> memref<10240x64xf32, #tpu.memory_space<vmem_shared>>
    tpu.wait_indirect_dma semaphore(%arg24 : memref<!tpu.dma_semaphore, #tpu.memory_space<semaphore_mem>>) src(%arg12 : memref<80x64xf32, #tpu.memory_space<vmem>>) dst(%dma_wait3A_147 : memref<10240x64xf32, #tpu.memory_space<vmem_shared>>)
    %dma_wait3A_148 = arith.constant 0 : i32
    %dma_wait3A_149 = arith.constant 0 : i32
    %dma_wait3A_150 = tpu.memref_slice %arg8[%dma_wait3A_148, %dma_wait3A_149] : memref<125x80xi32, #tpu.memory_space<vmem>> -> memref<1x80xi32, #tpu.memory_space<vmem>>
    %dma_wait3A_151 = tpu.memref_squeeze %dma_wait3A_150 : memref<1x80xi32, #tpu.memory_space<vmem>> -> memref<80xi32, #tpu.memory_space<vmem>>
    %dma_wait3A_152 = arith.constant 0 : i32
    %dma_wait3A_153 = arith.constant 0 : i32
    %dma_wait3A_154 = tpu.memref_slice %arg15[%dma_wait3A_152, %dma_wait3A_153] : memref<10240x64xf32, #tpu.memory_space<vmem_shared>> -> memref<10240x64xf32, #tpu.memory_space<vmem_shared>>
    tpu.wait_indirect_dma semaphore(%arg25 : memref<!tpu.dma_semaphore, #tpu.memory_space<semaphore_mem>>) src(%arg13 : memref<80x64xf32, #tpu.memory_space<vmem>>) dst(%dma_wait3A_154 : memref<10240x64xf32, #tpu.memory_space<vmem_shared>>)
    %barrier3A_155 = arith.constant 0 : index
    tpu.barrier barrier_id(%barrier3A_155)
    %mul3A_156 = arith.constant 640 : i32
    %mul3A_157 = arith.muli %arg1, %mul3A_156 : i32
    %mul3A_158 = arith.constant 640 : i32
    %mul3A_159 = arith.muli %arg1, %mul3A_158 : i32
    %run_scoped3A_160 = arith.constant 1 : i32
    "tpu.region"() ({
      %run_scoped3A_161 = tpu.sem_alloc : memref<!tpu.dma_semaphore, #tpu.memory_space<semaphore_mem>>
      %dma_start3A_162 = arith.constant 0 : i32
      %dma_start3A_163 = tpu.memref_slice %arg6[%arg0, %run_scoped3A_160, %mul3A_159, %dma_start3A_162] : memref<2x2x10240x64xf32, #tpu.memory_space<hbm>> -> memref<1x1x640x64xf32, #tpu.memory_space<hbm>>
      %dma_start3A_164 = tpu.memref_squeeze %dma_start3A_163 : memref<1x1x640x64xf32, #tpu.memory_space<hbm>> -> memref<640x64xf32, #tpu.memory_space<hbm>>
      %dma_start3A_165 = arith.constant 0 : i32
      %dma_start3A_166 = tpu.memref_slice %arg15[%mul3A_157, %dma_start3A_165] : memref<10240x64xf32, #tpu.memory_space<vmem_shared>> -> memref<640x64xf32, #tpu.memory_space<vmem_shared>>
      tpu.enqueue_dma source(%dma_start3A_166 : memref<640x64xf32, #tpu.memory_space<vmem_shared>>) target(%dma_start3A_164 : memref<640x64xf32, #tpu.memory_space<hbm>>) target_semaphore(%run_scoped3A_161 : memref<!tpu.dma_semaphore, #tpu.memory_space<semaphore_mem>>)
      %dma_wait3A_167 = arith.constant 0 : i32
      %dma_wait3A_168 = tpu.memref_slice %arg6[%arg0, %run_scoped3A_160, %mul3A_159, %dma_wait3A_167] : memref<2x2x10240x64xf32, #tpu.memory_space<hbm>> -> memref<1x1x640x64xf32, #tpu.memory_space<hbm>>
      %dma_wait3A_169 = tpu.memref_squeeze %dma_wait3A_168 : memref<1x1x640x64xf32, #tpu.memory_space<hbm>> -> memref<640x64xf32, #tpu.memory_space<hbm>>
      %dma_wait3A_170 = arith.constant 0 : i32
      %dma_wait3A_171 = tpu.memref_slice %arg15[%mul3A_157, %dma_wait3A_170] : memref<10240x64xf32, #tpu.memory_space<vmem_shared>> -> memref<640x64xf32, #tpu.memory_space<vmem_shared>>
      tpu.wait_dma2 semaphore(%run_scoped3A_161 : memref<!tpu.dma_semaphore, #tpu.memory_space<semaphore_mem>>) src(%dma_wait3A_171 : memref<640x64xf32, #tpu.memory_space<vmem_shared>>) dst(%dma_wait3A_169 : memref<640x64xf32, #tpu.memory_space<hbm>>)
      tpu.yield
    }) : () -> ()
    return
  }
}

module attributes {stable_mosaic.version = 14 : i64} {
  func.func @_mm1_body(%arg0: i32, %arg1: memref<1000x128xf32, #tpu.memory_space<vmem>>, %arg2: memref<128x128xf32, #tpu.memory_space<vmem>>, %arg3: memref<1x1000x16xf32, #tpu.memory_space<vmem>>, %arg4: memref<1x1000x16xf32, #tpu.memory_space<vmem>>, %arg5: memref<1000x64xf32, #tpu.memory_space<vmem>>, %arg6: memref<1000x64xf32, #tpu.memory_space<vmem>>, %arg7: memref<1000x1xf32, #tpu.memory_space<vmem>>) attributes {dimension_semantics = [#tpu.dimension_semantics<arbitrary>], iteration_bounds = array<i64: 10>, scalar_prefetch = 0 : i64, scratch_operands = 0 : i64, tpu.core_type = #tpu.core_type<tc>, window_params = [{transform_indices = @transform_0, window_bounds = array<i64: 1000, 128>}, {pipeline_mode = #tpu.pipeline_mode<synchronous>, transform_indices = @transform_1, window_bounds = array<i64: 128, 128>}, {transform_indices = @transform_2, window_bounds = array<i64: 1, 1000, 16>}, {transform_indices = @transform_3, window_bounds = array<i64: 1, 1000, 16>}, {transform_indices = @transform_4, window_bounds = array<i64: 1000, 64>}, {transform_indices = @transform_5, window_bounds = array<i64: 1000, 64>}, {transform_indices = @transform_6, window_bounds = array<i64: 1000, 1>}]} {
    %get3A = arith.constant 0 : index
    %get3A_0 = arith.constant 0 : index
    %get3A_1 = arith.constant 0 : index
    %get3A_2 = vector.load %arg3[%get3A, %get3A_0, %get3A_1] : memref<1x1000x16xf32, #tpu.memory_space<vmem>>, vector<1x1000x16xf32>
    %get3A_3 = vector.shape_cast %get3A_2 : vector<1x1000x16xf32> to vector<1000x16xf32>
    %slice3A = vector.extract_strided_slice %get3A_3 {offsets = [0, 0], sizes = [1000, 1], strides = [1, 1]} : vector<1000x16xf32> to vector<1000x1xf32>
    %add3A = arith.constant 1.000000e+00 : f32
    %add3A_4 = vector.broadcast %add3A : f32 to vector<1000x1xf32>
    %add3A_5 = arith.addf %add3A_4, %slice3A : vector<1000x1xf32>
    %get3A_6 = arith.constant 0 : index
    %get3A_7 = arith.constant 0 : index
    %get3A_8 = arith.constant 0 : index
    %get3A_9 = vector.load %arg4[%get3A_6, %get3A_7, %get3A_8] : memref<1x1000x16xf32, #tpu.memory_space<vmem>>, vector<1x1000x16xf32>
    %get3A_10 = vector.shape_cast %get3A_9 : vector<1x1000x16xf32> to vector<1000x16xf32>
    %slice3A_11 = vector.extract_strided_slice %get3A_10 {offsets = [0, 0], sizes = [1000, 1], strides = [1, 1]} : vector<1000x16xf32> to vector<1000x1xf32>
    %add3A_12 = arith.addf %add3A_5, %slice3A_11 : vector<1000x1xf32>
    %rsqrt3A = math.rsqrt %add3A_12 : vector<1000x1xf32>
    %get3A_13 = arith.constant 0 : index
    %get3A_14 = arith.constant 0 : index
    %get3A_15 = vector.load %arg1[%get3A_13, %get3A_14] : memref<1000x128xf32, #tpu.memory_space<vmem>>, vector<1000x128xf32>
    %get3A_16 = arith.constant 0 : index
    %get3A_17 = arith.constant 0 : index
    %get3A_18 = vector.load %arg2[%get3A_16, %get3A_17] : memref<128x128xf32, #tpu.memory_space<vmem>>, vector<128x128xf32>
    %dot_general3A = arith.constant dense<0.000000e+00> : vector<1000x128xf32>
    %dot_general3A_19 = tpu.matmul %get3A_15, %get3A_18, %dot_general3A {dimension_numbers = #tpu.dot_dimension_numbers<[1], [0], [0], [1], [0, 0, 1, 1], [], []>, transpose_lhs_hint = false} : vector<1000x128xf32>, vector<128x128xf32>, vector<1000x128xf32> -> vector<1000x128xf32>
    %mul3A = vector.broadcast %rsqrt3A : vector<1000x1xf32> to vector<1000x128xf32>
    %mul3A_20 = arith.mulf %dot_general3A_19, %mul3A : vector<1000x128xf32>
    %slice3A_21 = vector.extract_strided_slice %mul3A_20 {offsets = [0, 0], sizes = [1000, 64], strides = [1, 1]} : vector<1000x128xf32> to vector<1000x64xf32>
    %swap3A = arith.constant 0 : index
    %swap3A_22 = arith.constant 0 : index
    %swap3A_23 = vector.load %arg5[%swap3A, %swap3A_22] : memref<1000x64xf32, #tpu.memory_space<vmem>>, vector<1000x64xf32>
    tpu.vector_store %arg5[%swap3A, %swap3A_22], %slice3A_21 {strides = array<i32>} : memref<1000x64xf32, #tpu.memory_space<vmem>>, vector<1000x64xf32>,
    %slice3A_24 = vector.extract_strided_slice %mul3A_20 {offsets = [0, 64], sizes = [1000, 64], strides = [1, 1]} : vector<1000x128xf32> to vector<1000x64xf32>
    %swap3A_25 = arith.constant 0 : index
    %swap3A_26 = arith.constant 0 : index
    %swap3A_27 = vector.load %arg6[%swap3A_25, %swap3A_26] : memref<1000x64xf32, #tpu.memory_space<vmem>>, vector<1000x64xf32>
    tpu.vector_store %arg6[%swap3A_25, %swap3A_26], %slice3A_24 {strides = array<i32>} : memref<1000x64xf32, #tpu.memory_space<vmem>>, vector<1000x64xf32>,
    %swap3A_28 = arith.constant 0 : index
    %swap3A_29 = arith.constant 0 : index
    %swap3A_30 = vector.load %arg7[%swap3A_28, %swap3A_29] : memref<1000x1xf32, #tpu.memory_space<vmem>>, vector<1000x1xf32>
    tpu.vector_store %arg7[%swap3A_28, %swap3A_29], %rsqrt3A {strides = array<i32>} : memref<1000x1xf32, #tpu.memory_space<vmem>>, vector<1000x1xf32>,
    return
  }
  func.func @transform_0(%arg0: i32) -> (i32, i32) {
    %c0_i32 = arith.constant 0 : i32
    %c0_i32_0 = arith.constant 0 : i32
    return %arg0, %c0_i32 : i32, i32
  }
  func.func @transform_1(%arg0: i32) -> (i32, i32) {
    %c0_i32 = arith.constant 0 : i32
    %c0_i32_0 = arith.constant 0 : i32
    %c0_i32_1 = arith.constant 0 : i32
    return %c0_i32, %c0_i32_0 : i32, i32
  }
  func.func @transform_2(%arg0: i32) -> (i32, i32, i32) {
    %c0_i32 = arith.constant 0 : i32
    %c0_i32_0 = arith.constant 0 : i32
    %c0_i32_1 = arith.constant 0 : i32
    return %c0_i32, %arg0, %c0_i32_0 : i32, i32, i32
  }
  func.func @transform_3(%arg0: i32) -> (i32, i32, i32) {
    %c1_i32 = arith.constant 1 : i32
    %c0_i32 = arith.constant 0 : i32
    %c0_i32_0 = arith.constant 0 : i32
    return %c1_i32, %arg0, %c0_i32 : i32, i32, i32
  }
  func.func @transform_4(%arg0: i32) -> (i32, i32) {
    %c0_i32 = arith.constant 0 : i32
    %c0_i32_0 = arith.constant 0 : i32
    return %arg0, %c0_i32 : i32, i32
  }
  func.func @transform_5(%arg0: i32) -> (i32, i32) {
    %c0_i32 = arith.constant 0 : i32
    %c0_i32_0 = arith.constant 0 : i32
    return %arg0, %c0_i32 : i32, i32
  }
  func.func @transform_6(%arg0: i32) -> (i32, i32) {
    %c0_i32 = arith.constant 0 : i32
    %c0_i32_0 = arith.constant 0 : i32
    return %arg0, %c0_i32 : i32, i32
  }
}

module attributes {stable_mosaic.version = 14 : i64} {
  func.func @_mm2_body(%arg0: i32, %arg1: memref<1x1x1000x64xf32, #tpu.memory_space<vmem>>, %arg2: memref<1x1x1000x64xf32, #tpu.memory_space<vmem>>, %arg3: memref<1x1x1000x64xf32, #tpu.memory_space<vmem>>, %arg4: memref<1x1x1000x64xf32, #tpu.memory_space<vmem>>, %arg5: memref<1000x64xf32, #tpu.memory_space<vmem>>, %arg6: memref<1000x64xf32, #tpu.memory_space<vmem>>, %arg7: memref<1000x1xf32, #tpu.memory_space<vmem>>, %arg8: memref<1x128xf32, #tpu.memory_space<vmem>>, %arg9: memref<128x64xf32, #tpu.memory_space<vmem>>, %arg10: memref<1000x64xf32, #tpu.memory_space<vmem>>) attributes {dimension_semantics = [#tpu.dimension_semantics<arbitrary>], iteration_bounds = array<i64: 10>, scalar_prefetch = 0 : i64, scratch_operands = 0 : i64, tpu.core_type = #tpu.core_type<tc>, window_params = [{transform_indices = @transform_0, window_bounds = array<i64: 1, 1, 1000, 64>}, {transform_indices = @transform_1, window_bounds = array<i64: 1, 1, 1000, 64>}, {transform_indices = @transform_2, window_bounds = array<i64: 1, 1, 1000, 64>}, {transform_indices = @transform_3, window_bounds = array<i64: 1, 1, 1000, 64>}, {transform_indices = @transform_4, window_bounds = array<i64: 1000, 64>}, {transform_indices = @transform_5, window_bounds = array<i64: 1000, 64>}, {transform_indices = @transform_6, window_bounds = array<i64: 1000, 1>}, {pipeline_mode = #tpu.pipeline_mode<synchronous>, transform_indices = @transform_7, window_bounds = array<i64: 1, 128>}, {pipeline_mode = #tpu.pipeline_mode<synchronous>, transform_indices = @transform_8, window_bounds = array<i64: 128, 64>}, {transform_indices = @transform_9, window_bounds = array<i64: 1000, 64>}]} {
    %get3A = arith.constant 0 : index
    %get3A_0 = arith.constant 0 : index
    %get3A_1 = vector.load %arg7[%get3A, %get3A_0] : memref<1000x1xf32, #tpu.memory_space<vmem>>, vector<1000x1xf32>
    %get3A_2 = arith.constant 0 : index
    %get3A_3 = arith.constant 0 : index
    %get3A_4 = arith.constant 0 : index
    %get3A_5 = arith.constant 0 : index
    %get3A_6 = vector.load %arg1[%get3A_2, %get3A_3, %get3A_4, %get3A_5] : memref<1x1x1000x64xf32, #tpu.memory_space<vmem>>, vector<1x1x1000x64xf32>
    %get3A_7 = vector.shape_cast %get3A_6 : vector<1x1x1000x64xf32> to vector<1000x64xf32>
    %get3A_8 = arith.constant 0 : index
    %get3A_9 = arith.constant 0 : index
    %get3A_10 = arith.constant 0 : index
    %get3A_11 = arith.constant 0 : index
    %get3A_12 = vector.load %arg2[%get3A_8, %get3A_9, %get3A_10, %get3A_11] : memref<1x1x1000x64xf32, #tpu.memory_space<vmem>>, vector<1x1x1000x64xf32>
    %get3A_13 = vector.shape_cast %get3A_12 : vector<1x1x1000x64xf32> to vector<1000x64xf32>
    %add3A = arith.addf %get3A_7, %get3A_13 : vector<1000x64xf32>
    %get3A_14 = arith.constant 0 : index
    %get3A_15 = arith.constant 0 : index
    %get3A_16 = vector.load %arg5[%get3A_14, %get3A_15] : memref<1000x64xf32, #tpu.memory_space<vmem>>, vector<1000x64xf32>
    %add3A_17 = arith.addf %add3A, %get3A_16 : vector<1000x64xf32>
    %get3A_18 = arith.constant 0 : index
    %get3A_19 = arith.constant 0 : index
    %get3A_20 = arith.constant 0 : index
    %get3A_21 = arith.constant 0 : index
    %get3A_22 = vector.load %arg3[%get3A_18, %get3A_19, %get3A_20, %get3A_21] : memref<1x1x1000x64xf32, #tpu.memory_space<vmem>>, vector<1x1x1000x64xf32>
    %get3A_23 = vector.shape_cast %get3A_22 : vector<1x1x1000x64xf32> to vector<1000x64xf32>
    %get3A_24 = arith.constant 0 : index
    %get3A_25 = arith.constant 0 : index
    %get3A_26 = arith.constant 0 : index
    %get3A_27 = arith.constant 0 : index
    %get3A_28 = vector.load %arg4[%get3A_24, %get3A_25, %get3A_26, %get3A_27] : memref<1x1x1000x64xf32, #tpu.memory_space<vmem>>, vector<1x1x1000x64xf32>
    %get3A_29 = vector.shape_cast %get3A_28 : vector<1x1x1000x64xf32> to vector<1000x64xf32>
    %add3A_30 = arith.addf %get3A_23, %get3A_29 : vector<1000x64xf32>
    %get3A_31 = arith.constant 0 : index
    %get3A_32 = arith.constant 0 : index
    %get3A_33 = vector.load %arg6[%get3A_31, %get3A_32] : memref<1000x64xf32, #tpu.memory_space<vmem>>, vector<1000x64xf32>
    %add3A_34 = arith.addf %add3A_30, %get3A_33 : vector<1000x64xf32>
    %concatenate3A = tpu.concatenate %add3A_17, %add3A_34 in 1 : vector<1000x64xf32>, vector<1000x64xf32> -> vector<1000x128xf32>
    %mul3A = vector.broadcast %get3A_1 : vector<1000x1xf32> to vector<1000x128xf32>
    %mul3A_35 = arith.mulf %mul3A, %concatenate3A : vector<1000x128xf32>
    %get3A_36 = arith.constant 0 : index
    %get3A_37 = arith.constant 0 : index
    %get3A_38 = vector.load %arg8[%get3A_36, %get3A_37] : memref<1x128xf32, #tpu.memory_space<vmem>>, vector<1x128xf32>
    %add3A_39 = vector.broadcast %get3A_38 : vector<1x128xf32> to vector<1000x128xf32>
    %add3A_40 = arith.addf %mul3A_35, %add3A_39 : vector<1000x128xf32>
    %get3A_41 = arith.constant 0 : index
    %get3A_42 = arith.constant 0 : index
    %get3A_43 = vector.load %arg9[%get3A_41, %get3A_42] : memref<128x64xf32, #tpu.memory_space<vmem>>, vector<128x64xf32>
    %dot_general3A = arith.constant dense<0.000000e+00> : vector<1000x64xf32>
    %dot_general3A_44 = tpu.matmul %add3A_40, %get3A_43, %dot_general3A {dimension_numbers = #tpu.dot_dimension_numbers<[1], [0], [0], [1], [0, 0, 1, 1], [], []>, transpose_lhs_hint = false} : vector<1000x128xf32>, vector<128x64xf32>, vector<1000x64xf32> -> vector<1000x64xf32>
    %mul3A_45 = vector.broadcast %get3A_1 : vector<1000x1xf32> to vector<1000x64xf32>
    %mul3A_46 = arith.mulf %dot_general3A_44, %mul3A_45 : vector<1000x64xf32>
    %swap3A = arith.constant 0 : index
    %swap3A_47 = arith.constant 0 : index
    %swap3A_48 = vector.load %arg10[%swap3A, %swap3A_47] : memref<1000x64xf32, #tpu.memory_space<vmem>>, vector<1000x64xf32>
    tpu.vector_store %arg10[%swap3A, %swap3A_47], %mul3A_46 {strides = array<i32>} : memref<1000x64xf32, #tpu.memory_space<vmem>>, vector<1000x64xf32>,
    return
  }
  func.func @transform_0(%arg0: i32) -> (i32, i32, i32, i32) {
    %c0_i32 = arith.constant 0 : i32
    %c0_i32_0 = arith.constant 0 : i32
    %c0_i32_1 = arith.constant 0 : i32
    %c0_i32_2 = arith.constant 0 : i32
    return %c0_i32, %c0_i32_0, %arg0, %c0_i32_1 : i32, i32, i32, i32
  }
  func.func @transform_1(%arg0: i32) -> (i32, i32, i32, i32) {
    %c1_i32 = arith.constant 1 : i32
    %c0_i32 = arith.constant 0 : i32
    %c0_i32_0 = arith.constant 0 : i32
    %c0_i32_1 = arith.constant 0 : i32
    return %c1_i32, %c0_i32, %arg0, %c0_i32_0 : i32, i32, i32, i32
  }
  func.func @transform_2(%arg0: i32) -> (i32, i32, i32, i32) {
    %c0_i32 = arith.constant 0 : i32
    %c1_i32 = arith.constant 1 : i32
    %c0_i32_0 = arith.constant 0 : i32
    %c0_i32_1 = arith.constant 0 : i32
    return %c0_i32, %c1_i32, %arg0, %c0_i32_0 : i32, i32, i32, i32
  }
  func.func @transform_3(%arg0: i32) -> (i32, i32, i32, i32) {
    %c1_i32 = arith.constant 1 : i32
    %c1_i32_0 = arith.constant 1 : i32
    %c0_i32 = arith.constant 0 : i32
    %c0_i32_1 = arith.constant 0 : i32
    return %c1_i32, %c1_i32_0, %arg0, %c0_i32 : i32, i32, i32, i32
  }
  func.func @transform_4(%arg0: i32) -> (i32, i32) {
    %c0_i32 = arith.constant 0 : i32
    %c0_i32_0 = arith.constant 0 : i32
    return %arg0, %c0_i32 : i32, i32
  }
  func.func @transform_5(%arg0: i32) -> (i32, i32) {
    %c0_i32 = arith.constant 0 : i32
    %c0_i32_0 = arith.constant 0 : i32
    return %arg0, %c0_i32 : i32, i32
  }
  func.func @transform_6(%arg0: i32) -> (i32, i32) {
    %c0_i32 = arith.constant 0 : i32
    %c0_i32_0 = arith.constant 0 : i32
    return %arg0, %c0_i32 : i32, i32
  }
  func.func @transform_7(%arg0: i32) -> (i32, i32) {
    %c0_i32 = arith.constant 0 : i32
    %c0_i32_0 = arith.constant 0 : i32
    %c0_i32_1 = arith.constant 0 : i32
    return %c0_i32, %c0_i32_0 : i32, i32
  }
  func.func @transform_8(%arg0: i32) -> (i32, i32) {
    %c0_i32 = arith.constant 0 : i32
    %c0_i32_0 = arith.constant 0 : i32
    %c0_i32_1 = arith.constant 0 : i32
    return %c0_i32, %c0_i32_0 : i32, i32
  }
  func.func @transform_9(%arg0: i32) -> (i32, i32) {
    %c0_i32 = arith.constant 0 : i32
    %c0_i32_0 = arith.constant 0 : i32
    return %arg0, %c0_i32 : i32, i32
  }
}

module attributes {stable_mosaic.version = 14 : i64} {
  func.func @_finmlp_body(%arg0: i32, %arg1: memref<1x1x10000x64xf32, #tpu.memory_space<vmem>>, %arg2: memref<1x1x10000x64xf32, #tpu.memory_space<vmem>>, %arg3: memref<10000x64xf32, #tpu.memory_space<vmem>>, %arg4: memref<10000x1xf32, #tpu.memory_space<vmem>>, %arg5: memref<1x64xf32, #tpu.memory_space<vmem>>, %arg6: memref<16x64x128xf32, #tpu.memory_space<vmem>>, %arg7: memref<1x128xf32, #tpu.memory_space<vmem>>, %arg8: memref<128x10xf32, #tpu.memory_space<vmem>>, %arg9: memref<1x10xf32, #tpu.memory_space<vmem>>, %arg10: memref<625x10xf32, #tpu.memory_space<vmem>>) attributes {dimension_semantics = [#tpu.dimension_semantics<arbitrary>], iteration_bounds = array<i64: 1>, scalar_prefetch = 0 : i64, scratch_operands = 0 : i64, tpu.core_type = #tpu.core_type<tc>, window_params = [{transform_indices = @transform_0, window_bounds = array<i64: 1, 1, 10000, 64>}, {transform_indices = @transform_1, window_bounds = array<i64: 1, 1, 10000, 64>}, {pipeline_mode = #tpu.pipeline_mode<synchronous>, transform_indices = @transform_2, window_bounds = array<i64: 10000, 64>}, {pipeline_mode = #tpu.pipeline_mode<synchronous>, transform_indices = @transform_3, window_bounds = array<i64: 10000, 1>}, {pipeline_mode = #tpu.pipeline_mode<synchronous>, transform_indices = @transform_4, window_bounds = array<i64: 1, 64>}, {pipeline_mode = #tpu.pipeline_mode<synchronous>, transform_indices = @transform_5, window_bounds = array<i64: 16, 64, 128>}, {pipeline_mode = #tpu.pipeline_mode<synchronous>, transform_indices = @transform_6, window_bounds = array<i64: 1, 128>}, {pipeline_mode = #tpu.pipeline_mode<synchronous>, transform_indices = @transform_7, window_bounds = array<i64: 128, 10>}, {pipeline_mode = #tpu.pipeline_mode<synchronous>, transform_indices = @transform_8, window_bounds = array<i64: 1, 10>}, {pipeline_mode = #tpu.pipeline_mode<synchronous>, transform_indices = @transform_9, window_bounds = array<i64: 625, 10>}]} {
    %get3A = arith.constant 0 : index
    %get3A_0 = arith.constant 0 : index
    %get3A_1 = vector.load %arg4[%get3A, %get3A_0] : memref<10000x1xf32, #tpu.memory_space<vmem>>, vector<10000x1xf32>
    %get3A_2 = arith.constant 0 : index
    %get3A_3 = arith.constant 0 : index
    %get3A_4 = arith.constant 0 : index
    %get3A_5 = arith.constant 0 : index
    %get3A_6 = vector.load %arg1[%get3A_2, %get3A_3, %get3A_4, %get3A_5] : memref<1x1x10000x64xf32, #tpu.memory_space<vmem>>, vector<1x1x10000x64xf32>
    %get3A_7 = vector.shape_cast %get3A_6 : vector<1x1x10000x64xf32> to vector<10000x64xf32>
    %get3A_8 = arith.constant 0 : index
    %get3A_9 = arith.constant 0 : index
    %get3A_10 = arith.constant 0 : index
    %get3A_11 = arith.constant 0 : index
    %get3A_12 = vector.load %arg2[%get3A_8, %get3A_9, %get3A_10, %get3A_11] : memref<1x1x10000x64xf32, #tpu.memory_space<vmem>>, vector<1x1x10000x64xf32>
    %get3A_13 = vector.shape_cast %get3A_12 : vector<1x1x10000x64xf32> to vector<10000x64xf32>
    %add3A = arith.addf %get3A_7, %get3A_13 : vector<10000x64xf32>
    %get3A_14 = arith.constant 0 : index
    %get3A_15 = arith.constant 0 : index
    %get3A_16 = vector.load %arg3[%get3A_14, %get3A_15] : memref<10000x64xf32, #tpu.memory_space<vmem>>, vector<10000x64xf32>
    %add3A_17 = arith.addf %add3A, %get3A_16 : vector<10000x64xf32>
    %mul3A = vector.broadcast %get3A_1 : vector<10000x1xf32> to vector<10000x64xf32>
    %mul3A_18 = arith.mulf %mul3A, %add3A_17 : vector<10000x64xf32>
    %get3A_19 = arith.constant 0 : index
    %get3A_20 = arith.constant 0 : index
    %get3A_21 = vector.load %arg5[%get3A_19, %get3A_20] : memref<1x64xf32, #tpu.memory_space<vmem>>, vector<1x64xf32>
    %add3A_22 = vector.broadcast %get3A_21 : vector<1x64xf32> to vector<10000x64xf32>
    %add3A_23 = arith.addf %mul3A_18, %add3A_22 : vector<10000x64xf32>
    %reshape3A = vector.shape_cast %add3A_23 : vector<10000x64xf32> to vector<625x16x64xf32>
    %broadcast_in_dim3A = arith.constant 0.000000e+00 : f32
    %broadcast_in_dim3A_24 = vector.broadcast %broadcast_in_dim3A : f32 to vector<625x128xf32>
    %slice3A = vector.extract_strided_slice %reshape3A {offsets = [0, 0, 0], sizes = [625, 1, 64], strides = [1, 1, 1]} : vector<625x16x64xf32> to vector<625x1x64xf32>
    %squeeze3A = vector.shape_cast %slice3A : vector<625x1x64xf32> to vector<625x64xf32>
    %get3A_25 = arith.constant 0 : index
    %get3A_26 = arith.constant 0 : index
    %get3A_27 = arith.constant 0 : index
    %get3A_28 = vector.load %arg6[%get3A_25, %get3A_26, %get3A_27] : memref<16x64x128xf32, #tpu.memory_space<vmem>>, vector<1x64x128xf32>
    %get3A_29 = vector.shape_cast %get3A_28 : vector<1x64x128xf32> to vector<64x128xf32>
    %dot_general3A = arith.constant dense<0.000000e+00> : vector<625x128xf32>
    %dot_general3A_30 = tpu.matmul %squeeze3A, %get3A_29, %dot_general3A {dimension_numbers = #tpu.dot_dimension_numbers<[1], [0], [0], [1], [0, 0, 1, 1], [], []>, transpose_lhs_hint = false} : vector<625x64xf32>, vector<64x128xf32>, vector<625x128xf32> -> vector<625x128xf32>
    %add3A_31 = arith.addf %broadcast_in_dim3A_24, %dot_general3A_30 : vector<625x128xf32>
    %slice3A_32 = vector.extract_strided_slice %reshape3A {offsets = [0, 1, 0], sizes = [625, 1, 64], strides = [1, 1, 1]} : vector<625x16x64xf32> to vector<625x1x64xf32>
    %squeeze3A_33 = vector.shape_cast %slice3A_32 : vector<625x1x64xf32> to vector<625x64xf32>
    %get3A_34 = arith.constant 1 : index
    %get3A_35 = arith.constant 0 : index
    %get3A_36 = arith.constant 0 : index
    %get3A_37 = vector.load %arg6[%get3A_34, %get3A_35, %get3A_36] : memref<16x64x128xf32, #tpu.memory_space<vmem>>, vector<1x64x128xf32>
    %get3A_38 = vector.shape_cast %get3A_37 : vector<1x64x128xf32> to vector<64x128xf32>
    %dot_general3A_39 = arith.constant dense<0.000000e+00> : vector<625x128xf32>
    %dot_general3A_40 = tpu.matmul %squeeze3A_33, %get3A_38, %dot_general3A_39 {dimension_numbers = #tpu.dot_dimension_numbers<[1], [0], [0], [1], [0, 0, 1, 1], [], []>, transpose_lhs_hint = false} : vector<625x64xf32>, vector<64x128xf32>, vector<625x128xf32> -> vector<625x128xf32>
    %add3A_41 = arith.addf %add3A_31, %dot_general3A_40 : vector<625x128xf32>
    %slice3A_42 = vector.extract_strided_slice %reshape3A {offsets = [0, 2, 0], sizes = [625, 1, 64], strides = [1, 1, 1]} : vector<625x16x64xf32> to vector<625x1x64xf32>
    %squeeze3A_43 = vector.shape_cast %slice3A_42 : vector<625x1x64xf32> to vector<625x64xf32>
    %get3A_44 = arith.constant 2 : index
    %get3A_45 = arith.constant 0 : index
    %get3A_46 = arith.constant 0 : index
    %get3A_47 = vector.load %arg6[%get3A_44, %get3A_45, %get3A_46] : memref<16x64x128xf32, #tpu.memory_space<vmem>>, vector<1x64x128xf32>
    %get3A_48 = vector.shape_cast %get3A_47 : vector<1x64x128xf32> to vector<64x128xf32>
    %dot_general3A_49 = arith.constant dense<0.000000e+00> : vector<625x128xf32>
    %dot_general3A_50 = tpu.matmul %squeeze3A_43, %get3A_48, %dot_general3A_49 {dimension_numbers = #tpu.dot_dimension_numbers<[1], [0], [0], [1], [0, 0, 1, 1], [], []>, transpose_lhs_hint = false} : vector<625x64xf32>, vector<64x128xf32>, vector<625x128xf32> -> vector<625x128xf32>
    %add3A_51 = arith.addf %add3A_41, %dot_general3A_50 : vector<625x128xf32>
    %slice3A_52 = vector.extract_strided_slice %reshape3A {offsets = [0, 3, 0], sizes = [625, 1, 64], strides = [1, 1, 1]} : vector<625x16x64xf32> to vector<625x1x64xf32>
    %squeeze3A_53 = vector.shape_cast %slice3A_52 : vector<625x1x64xf32> to vector<625x64xf32>
    %get3A_54 = arith.constant 3 : index
    %get3A_55 = arith.constant 0 : index
    %get3A_56 = arith.constant 0 : index
    %get3A_57 = vector.load %arg6[%get3A_54, %get3A_55, %get3A_56] : memref<16x64x128xf32, #tpu.memory_space<vmem>>, vector<1x64x128xf32>
    %get3A_58 = vector.shape_cast %get3A_57 : vector<1x64x128xf32> to vector<64x128xf32>
    %dot_general3A_59 = arith.constant dense<0.000000e+00> : vector<625x128xf32>
    %dot_general3A_60 = tpu.matmul %squeeze3A_53, %get3A_58, %dot_general3A_59 {dimension_numbers = #tpu.dot_dimension_numbers<[1], [0], [0], [1], [0, 0, 1, 1], [], []>, transpose_lhs_hint = false} : vector<625x64xf32>, vector<64x128xf32>, vector<625x128xf32> -> vector<625x128xf32>
    %add3A_61 = arith.addf %add3A_51, %dot_general3A_60 : vector<625x128xf32>
    %slice3A_62 = vector.extract_strided_slice %reshape3A {offsets = [0, 4, 0], sizes = [625, 1, 64], strides = [1, 1, 1]} : vector<625x16x64xf32> to vector<625x1x64xf32>
    %squeeze3A_63 = vector.shape_cast %slice3A_62 : vector<625x1x64xf32> to vector<625x64xf32>
    %get3A_64 = arith.constant 4 : index
    %get3A_65 = arith.constant 0 : index
    %get3A_66 = arith.constant 0 : index
    %get3A_67 = vector.load %arg6[%get3A_64, %get3A_65, %get3A_66] : memref<16x64x128xf32, #tpu.memory_space<vmem>>, vector<1x64x128xf32>
    %get3A_68 = vector.shape_cast %get3A_67 : vector<1x64x128xf32> to vector<64x128xf32>
    %dot_general3A_69 = arith.constant dense<0.000000e+00> : vector<625x128xf32>
    %dot_general3A_70 = tpu.matmul %squeeze3A_63, %get3A_68, %dot_general3A_69 {dimension_numbers = #tpu.dot_dimension_numbers<[1], [0], [0], [1], [0, 0, 1, 1], [], []>, transpose_lhs_hint = false} : vector<625x64xf32>, vector<64x128xf32>, vector<625x128xf32> -> vector<625x128xf32>
    %add3A_71 = arith.addf %add3A_61, %dot_general3A_70 : vector<625x128xf32>
    %slice3A_72 = vector.extract_strided_slice %reshape3A {offsets = [0, 5, 0], sizes = [625, 1, 64], strides = [1, 1, 1]} : vector<625x16x64xf32> to vector<625x1x64xf32>
    %squeeze3A_73 = vector.shape_cast %slice3A_72 : vector<625x1x64xf32> to vector<625x64xf32>
    %get3A_74 = arith.constant 5 : index
    %get3A_75 = arith.constant 0 : index
    %get3A_76 = arith.constant 0 : index
    %get3A_77 = vector.load %arg6[%get3A_74, %get3A_75, %get3A_76] : memref<16x64x128xf32, #tpu.memory_space<vmem>>, vector<1x64x128xf32>
    %get3A_78 = vector.shape_cast %get3A_77 : vector<1x64x128xf32> to vector<64x128xf32>
    %dot_general3A_79 = arith.constant dense<0.000000e+00> : vector<625x128xf32>
    %dot_general3A_80 = tpu.matmul %squeeze3A_73, %get3A_78, %dot_general3A_79 {dimension_numbers = #tpu.dot_dimension_numbers<[1], [0], [0], [1], [0, 0, 1, 1], [], []>, transpose_lhs_hint = false} : vector<625x64xf32>, vector<64x128xf32>, vector<625x128xf32> -> vector<625x128xf32>
    %add3A_81 = arith.addf %add3A_71, %dot_general3A_80 : vector<625x128xf32>
    %slice3A_82 = vector.extract_strided_slice %reshape3A {offsets = [0, 6, 0], sizes = [625, 1, 64], strides = [1, 1, 1]} : vector<625x16x64xf32> to vector<625x1x64xf32>
    %squeeze3A_83 = vector.shape_cast %slice3A_82 : vector<625x1x64xf32> to vector<625x64xf32>
    %get3A_84 = arith.constant 6 : index
    %get3A_85 = arith.constant 0 : index
    %get3A_86 = arith.constant 0 : index
    %get3A_87 = vector.load %arg6[%get3A_84, %get3A_85, %get3A_86] : memref<16x64x128xf32, #tpu.memory_space<vmem>>, vector<1x64x128xf32>
    %get3A_88 = vector.shape_cast %get3A_87 : vector<1x64x128xf32> to vector<64x128xf32>
    %dot_general3A_89 = arith.constant dense<0.000000e+00> : vector<625x128xf32>
    %dot_general3A_90 = tpu.matmul %squeeze3A_83, %get3A_88, %dot_general3A_89 {dimension_numbers = #tpu.dot_dimension_numbers<[1], [0], [0], [1], [0, 0, 1, 1], [], []>, transpose_lhs_hint = false} : vector<625x64xf32>, vector<64x128xf32>, vector<625x128xf32> -> vector<625x128xf32>
    %add3A_91 = arith.addf %add3A_81, %dot_general3A_90 : vector<625x128xf32>
    %slice3A_92 = vector.extract_strided_slice %reshape3A {offsets = [0, 7, 0], sizes = [625, 1, 64], strides = [1, 1, 1]} : vector<625x16x64xf32> to vector<625x1x64xf32>
    %squeeze3A_93 = vector.shape_cast %slice3A_92 : vector<625x1x64xf32> to vector<625x64xf32>
    %get3A_94 = arith.constant 7 : index
    %get3A_95 = arith.constant 0 : index
    %get3A_96 = arith.constant 0 : index
    %get3A_97 = vector.load %arg6[%get3A_94, %get3A_95, %get3A_96] : memref<16x64x128xf32, #tpu.memory_space<vmem>>, vector<1x64x128xf32>
    %get3A_98 = vector.shape_cast %get3A_97 : vector<1x64x128xf32> to vector<64x128xf32>
    %dot_general3A_99 = arith.constant dense<0.000000e+00> : vector<625x128xf32>
    %dot_general3A_100 = tpu.matmul %squeeze3A_93, %get3A_98, %dot_general3A_99 {dimension_numbers = #tpu.dot_dimension_numbers<[1], [0], [0], [1], [0, 0, 1, 1], [], []>, transpose_lhs_hint = false} : vector<625x64xf32>, vector<64x128xf32>, vector<625x128xf32> -> vector<625x128xf32>
    %add3A_101 = arith.addf %add3A_91, %dot_general3A_100 : vector<625x128xf32>
    %slice3A_102 = vector.extract_strided_slice %reshape3A {offsets = [0, 8, 0], sizes = [625, 1, 64], strides = [1, 1, 1]} : vector<625x16x64xf32> to vector<625x1x64xf32>
    %squeeze3A_103 = vector.shape_cast %slice3A_102 : vector<625x1x64xf32> to vector<625x64xf32>
    %get3A_104 = arith.constant 8 : index
    %get3A_105 = arith.constant 0 : index
    %get3A_106 = arith.constant 0 : index
    %get3A_107 = vector.load %arg6[%get3A_104, %get3A_105, %get3A_106] : memref<16x64x128xf32, #tpu.memory_space<vmem>>, vector<1x64x128xf32>
    %get3A_108 = vector.shape_cast %get3A_107 : vector<1x64x128xf32> to vector<64x128xf32>
    %dot_general3A_109 = arith.constant dense<0.000000e+00> : vector<625x128xf32>
    %dot_general3A_110 = tpu.matmul %squeeze3A_103, %get3A_108, %dot_general3A_109 {dimension_numbers = #tpu.dot_dimension_numbers<[1], [0], [0], [1], [0, 0, 1, 1], [], []>, transpose_lhs_hint = false} : vector<625x64xf32>, vector<64x128xf32>, vector<625x128xf32> -> vector<625x128xf32>
    %add3A_111 = arith.addf %add3A_101, %dot_general3A_110 : vector<625x128xf32>
    %slice3A_112 = vector.extract_strided_slice %reshape3A {offsets = [0, 9, 0], sizes = [625, 1, 64], strides = [1, 1, 1]} : vector<625x16x64xf32> to vector<625x1x64xf32>
    %squeeze3A_113 = vector.shape_cast %slice3A_112 : vector<625x1x64xf32> to vector<625x64xf32>
    %get3A_114 = arith.constant 9 : index
    %get3A_115 = arith.constant 0 : index
    %get3A_116 = arith.constant 0 : index
    %get3A_117 = vector.load %arg6[%get3A_114, %get3A_115, %get3A_116] : memref<16x64x128xf32, #tpu.memory_space<vmem>>, vector<1x64x128xf32>
    %get3A_118 = vector.shape_cast %get3A_117 : vector<1x64x128xf32> to vector<64x128xf32>
    %dot_general3A_119 = arith.constant dense<0.000000e+00> : vector<625x128xf32>
    %dot_general3A_120 = tpu.matmul %squeeze3A_113, %get3A_118, %dot_general3A_119 {dimension_numbers = #tpu.dot_dimension_numbers<[1], [0], [0], [1], [0, 0, 1, 1], [], []>, transpose_lhs_hint = false} : vector<625x64xf32>, vector<64x128xf32>, vector<625x128xf32> -> vector<625x128xf32>
    %add3A_121 = arith.addf %add3A_111, %dot_general3A_120 : vector<625x128xf32>
    %slice3A_122 = vector.extract_strided_slice %reshape3A {offsets = [0, 10, 0], sizes = [625, 1, 64], strides = [1, 1, 1]} : vector<625x16x64xf32> to vector<625x1x64xf32>
    %squeeze3A_123 = vector.shape_cast %slice3A_122 : vector<625x1x64xf32> to vector<625x64xf32>
    %get3A_124 = arith.constant 10 : index
    %get3A_125 = arith.constant 0 : index
    %get3A_126 = arith.constant 0 : index
    %get3A_127 = vector.load %arg6[%get3A_124, %get3A_125, %get3A_126] : memref<16x64x128xf32, #tpu.memory_space<vmem>>, vector<1x64x128xf32>
    %get3A_128 = vector.shape_cast %get3A_127 : vector<1x64x128xf32> to vector<64x128xf32>
    %dot_general3A_129 = arith.constant dense<0.000000e+00> : vector<625x128xf32>
    %dot_general3A_130 = tpu.matmul %squeeze3A_123, %get3A_128, %dot_general3A_129 {dimension_numbers = #tpu.dot_dimension_numbers<[1], [0], [0], [1], [0, 0, 1, 1], [], []>, transpose_lhs_hint = false} : vector<625x64xf32>, vector<64x128xf32>, vector<625x128xf32> -> vector<625x128xf32>
    %add3A_131 = arith.addf %add3A_121, %dot_general3A_130 : vector<625x128xf32>
    %slice3A_132 = vector.extract_strided_slice %reshape3A {offsets = [0, 11, 0], sizes = [625, 1, 64], strides = [1, 1, 1]} : vector<625x16x64xf32> to vector<625x1x64xf32>
    %squeeze3A_133 = vector.shape_cast %slice3A_132 : vector<625x1x64xf32> to vector<625x64xf32>
    %get3A_134 = arith.constant 11 : index
    %get3A_135 = arith.constant 0 : index
    %get3A_136 = arith.constant 0 : index
    %get3A_137 = vector.load %arg6[%get3A_134, %get3A_135, %get3A_136] : memref<16x64x128xf32, #tpu.memory_space<vmem>>, vector<1x64x128xf32>
    %get3A_138 = vector.shape_cast %get3A_137 : vector<1x64x128xf32> to vector<64x128xf32>
    %dot_general3A_139 = arith.constant dense<0.000000e+00> : vector<625x128xf32>
    %dot_general3A_140 = tpu.matmul %squeeze3A_133, %get3A_138, %dot_general3A_139 {dimension_numbers = #tpu.dot_dimension_numbers<[1], [0], [0], [1], [0, 0, 1, 1], [], []>, transpose_lhs_hint = false} : vector<625x64xf32>, vector<64x128xf32>, vector<625x128xf32> -> vector<625x128xf32>
    %add3A_141 = arith.addf %add3A_131, %dot_general3A_140 : vector<625x128xf32>
    %slice3A_142 = vector.extract_strided_slice %reshape3A {offsets = [0, 12, 0], sizes = [625, 1, 64], strides = [1, 1, 1]} : vector<625x16x64xf32> to vector<625x1x64xf32>
    %squeeze3A_143 = vector.shape_cast %slice3A_142 : vector<625x1x64xf32> to vector<625x64xf32>
    %get3A_144 = arith.constant 12 : index
    %get3A_145 = arith.constant 0 : index
    %get3A_146 = arith.constant 0 : index
    %get3A_147 = vector.load %arg6[%get3A_144, %get3A_145, %get3A_146] : memref<16x64x128xf32, #tpu.memory_space<vmem>>, vector<1x64x128xf32>
    %get3A_148 = vector.shape_cast %get3A_147 : vector<1x64x128xf32> to vector<64x128xf32>
    %dot_general3A_149 = arith.constant dense<0.000000e+00> : vector<625x128xf32>
    %dot_general3A_150 = tpu.matmul %squeeze3A_143, %get3A_148, %dot_general3A_149 {dimension_numbers = #tpu.dot_dimension_numbers<[1], [0], [0], [1], [0, 0, 1, 1], [], []>, transpose_lhs_hint = false} : vector<625x64xf32>, vector<64x128xf32>, vector<625x128xf32> -> vector<625x128xf32>
    %add3A_151 = arith.addf %add3A_141, %dot_general3A_150 : vector<625x128xf32>
    %slice3A_152 = vector.extract_strided_slice %reshape3A {offsets = [0, 13, 0], sizes = [625, 1, 64], strides = [1, 1, 1]} : vector<625x16x64xf32> to vector<625x1x64xf32>
    %squeeze3A_153 = vector.shape_cast %slice3A_152 : vector<625x1x64xf32> to vector<625x64xf32>
    %get3A_154 = arith.constant 13 : index
    %get3A_155 = arith.constant 0 : index
    %get3A_156 = arith.constant 0 : index
    %get3A_157 = vector.load %arg6[%get3A_154, %get3A_155, %get3A_156] : memref<16x64x128xf32, #tpu.memory_space<vmem>>, vector<1x64x128xf32>
    %get3A_158 = vector.shape_cast %get3A_157 : vector<1x64x128xf32> to vector<64x128xf32>
    %dot_general3A_159 = arith.constant dense<0.000000e+00> : vector<625x128xf32>
    %dot_general3A_160 = tpu.matmul %squeeze3A_153, %get3A_158, %dot_general3A_159 {dimension_numbers = #tpu.dot_dimension_numbers<[1], [0], [0], [1], [0, 0, 1, 1], [], []>, transpose_lhs_hint = false} : vector<625x64xf32>, vector<64x128xf32>, vector<625x128xf32> -> vector<625x128xf32>
    %add3A_161 = arith.addf %add3A_151, %dot_general3A_160 : vector<625x128xf32>
    %slice3A_162 = vector.extract_strided_slice %reshape3A {offsets = [0, 14, 0], sizes = [625, 1, 64], strides = [1, 1, 1]} : vector<625x16x64xf32> to vector<625x1x64xf32>
    %squeeze3A_163 = vector.shape_cast %slice3A_162 : vector<625x1x64xf32> to vector<625x64xf32>
    %get3A_164 = arith.constant 14 : index
    %get3A_165 = arith.constant 0 : index
    %get3A_166 = arith.constant 0 : index
    %get3A_167 = vector.load %arg6[%get3A_164, %get3A_165, %get3A_166] : memref<16x64x128xf32, #tpu.memory_space<vmem>>, vector<1x64x128xf32>
    %get3A_168 = vector.shape_cast %get3A_167 : vector<1x64x128xf32> to vector<64x128xf32>
    %dot_general3A_169 = arith.constant dense<0.000000e+00> : vector<625x128xf32>
    %dot_general3A_170 = tpu.matmul %squeeze3A_163, %get3A_168, %dot_general3A_169 {dimension_numbers = #tpu.dot_dimension_numbers<[1], [0], [0], [1], [0, 0, 1, 1], [], []>, transpose_lhs_hint = false} : vector<625x64xf32>, vector<64x128xf32>, vector<625x128xf32> -> vector<625x128xf32>
    %add3A_171 = arith.addf %add3A_161, %dot_general3A_170 : vector<625x128xf32>
    %slice3A_172 = vector.extract_strided_slice %reshape3A {offsets = [0, 15, 0], sizes = [625, 1, 64], strides = [1, 1, 1]} : vector<625x16x64xf32> to vector<625x1x64xf32>
    %squeeze3A_173 = vector.shape_cast %slice3A_172 : vector<625x1x64xf32> to vector<625x64xf32>
    %get3A_174 = arith.constant 15 : index
    %get3A_175 = arith.constant 0 : index
    %get3A_176 = arith.constant 0 : index
    %get3A_177 = vector.load %arg6[%get3A_174, %get3A_175, %get3A_176] : memref<16x64x128xf32, #tpu.memory_space<vmem>>, vector<1x64x128xf32>
    %get3A_178 = vector.shape_cast %get3A_177 : vector<1x64x128xf32> to vector<64x128xf32>
    %dot_general3A_179 = arith.constant dense<0.000000e+00> : vector<625x128xf32>
    %dot_general3A_180 = tpu.matmul %squeeze3A_173, %get3A_178, %dot_general3A_179 {dimension_numbers = #tpu.dot_dimension_numbers<[1], [0], [0], [1], [0, 0, 1, 1], [], []>, transpose_lhs_hint = false} : vector<625x64xf32>, vector<64x128xf32>, vector<625x128xf32> -> vector<625x128xf32>
    %add3A_181 = arith.addf %add3A_171, %dot_general3A_180 : vector<625x128xf32>
    %get3A_182 = arith.constant 0 : index
    %get3A_183 = arith.constant 0 : index
    %get3A_184 = vector.load %arg7[%get3A_182, %get3A_183] : memref<1x128xf32, #tpu.memory_space<vmem>>, vector<1x128xf32>
    %add3A_185 = vector.broadcast %get3A_184 : vector<1x128xf32> to vector<625x128xf32>
    %add3A_186 = arith.addf %add3A_181, %add3A_185 : vector<625x128xf32>
    %max3A = arith.constant 0.000000e+00 : f32
    %max3A_187 = vector.broadcast %max3A : f32 to vector<625x128xf32>
    %max3A_188 = arith.maximumf %add3A_186, %max3A_187 : vector<625x128xf32>
    %get3A_189 = arith.constant 0 : index
    %get3A_190 = arith.constant 0 : index
    %get3A_191 = vector.load %arg8[%get3A_189, %get3A_190] : memref<128x10xf32, #tpu.memory_space<vmem>>, vector<128x10xf32>
    %dot_general3A_192 = arith.constant dense<0.000000e+00> : vector<625x10xf32>
    %dot_general3A_193 = tpu.matmul %max3A_188, %get3A_191, %dot_general3A_192 {dimension_numbers = #tpu.dot_dimension_numbers<[1], [0], [0], [1], [0, 0, 1, 1], [], []>, transpose_lhs_hint = false} : vector<625x128xf32>, vector<128x10xf32>, vector<625x10xf32> -> vector<625x10xf32>
    %get3A_194 = arith.constant 0 : index
    %get3A_195 = arith.constant 0 : index
    %get3A_196 = vector.load %arg9[%get3A_194, %get3A_195] : memref<1x10xf32, #tpu.memory_space<vmem>>, vector<1x10xf32>
    %add3A_197 = vector.broadcast %get3A_196 : vector<1x10xf32> to vector<625x10xf32>
    %add3A_198 = arith.addf %dot_general3A_193, %add3A_197 : vector<625x10xf32>
    %reduce_max3A = arith.constant dense<0xFF800000> : vector<625xf32>
    %reduce_max3A_199 = vector.multi_reduction <maximumf>, %add3A_198, %reduce_max3A [1] : vector<625x10xf32> to vector<625xf32>
    %broadcast_in_dim3A_200 = vector.shape_cast %reduce_max3A_199 : vector<625xf32> to vector<625x1xf32>
    %sub3A = vector.broadcast %broadcast_in_dim3A_200 : vector<625x1xf32> to vector<625x10xf32>
    %sub3A_201 = arith.subf %add3A_198, %sub3A : vector<625x10xf32>
    %exp3A = math.exp %sub3A_201 : vector<625x10xf32>
    %reduce_sum3A = arith.constant dense<0.000000e+00> : vector<625xf32>
    %reduce_sum3A_202 = vector.multi_reduction <add>, %exp3A, %reduce_sum3A [1] : vector<625x10xf32> to vector<625xf32>
    %broadcast_in_dim3A_203 = vector.shape_cast %reduce_sum3A_202 : vector<625xf32> to vector<625x1xf32>
    %log3A = math.log %broadcast_in_dim3A_203 : vector<625x1xf32>
    %sub3A_204 = vector.broadcast %log3A : vector<625x1xf32> to vector<625x10xf32>
    %sub3A_205 = arith.subf %sub3A_201, %sub3A_204 : vector<625x10xf32>
    %swap3A = arith.constant 0 : index
    %swap3A_206 = arith.constant 0 : index
    %swap3A_207 = vector.load %arg10[%swap3A, %swap3A_206] : memref<625x10xf32, #tpu.memory_space<vmem>>, vector<625x10xf32>
    tpu.vector_store %arg10[%swap3A, %swap3A_206], %sub3A_205 {strides = array<i32>} : memref<625x10xf32, #tpu.memory_space<vmem>>, vector<625x10xf32>,
    return
  }
  func.func @transform_0(%arg0: i32) -> (i32, i32, i32, i32) {
    %c0_i32 = arith.constant 0 : i32
    %c0_i32_0 = arith.constant 0 : i32
    %c0_i32_1 = arith.constant 0 : i32
    %c0_i32_2 = arith.constant 0 : i32
    %c0_i32_3 = arith.constant 0 : i32
    return %c0_i32, %c0_i32_0, %c0_i32_1, %c0_i32_2 : i32, i32, i32, i32
  }
  func.func @transform_1(%arg0: i32) -> (i32, i32, i32, i32) {
    %c1_i32 = arith.constant 1 : i32
    %c0_i32 = arith.constant 0 : i32
    %c0_i32_0 = arith.constant 0 : i32
    %c0_i32_1 = arith.constant 0 : i32
    %c0_i32_2 = arith.constant 0 : i32
    return %c1_i32, %c0_i32, %c0_i32_0, %c0_i32_1 : i32, i32, i32, i32
  }
  func.func @transform_2(%arg0: i32) -> (i32, i32) {
    %c0_i32 = arith.constant 0 : i32
    %c0_i32_0 = arith.constant 0 : i32
    %c0_i32_1 = arith.constant 0 : i32
    return %c0_i32, %c0_i32_0 : i32, i32
  }
  func.func @transform_3(%arg0: i32) -> (i32, i32) {
    %c0_i32 = arith.constant 0 : i32
    %c0_i32_0 = arith.constant 0 : i32
    %c0_i32_1 = arith.constant 0 : i32
    return %c0_i32, %c0_i32_0 : i32, i32
  }
  func.func @transform_4(%arg0: i32) -> (i32, i32) {
    %c0_i32 = arith.constant 0 : i32
    %c0_i32_0 = arith.constant 0 : i32
    %c0_i32_1 = arith.constant 0 : i32
    return %c0_i32, %c0_i32_0 : i32, i32
  }
  func.func @transform_5(%arg0: i32) -> (i32, i32, i32) {
    %c0_i32 = arith.constant 0 : i32
    %c0_i32_0 = arith.constant 0 : i32
    %c0_i32_1 = arith.constant 0 : i32
    %c0_i32_2 = arith.constant 0 : i32
    return %c0_i32, %c0_i32_0, %c0_i32_1 : i32, i32, i32
  }
  func.func @transform_6(%arg0: i32) -> (i32, i32) {
    %c0_i32 = arith.constant 0 : i32
    %c0_i32_0 = arith.constant 0 : i32
    %c0_i32_1 = arith.constant 0 : i32
    return %c0_i32, %c0_i32_0 : i32, i32
  }
  func.func @transform_7(%arg0: i32) -> (i32, i32) {
    %c0_i32 = arith.constant 0 : i32
    %c0_i32_0 = arith.constant 0 : i32
    %c0_i32_1 = arith.constant 0 : i32
    return %c0_i32, %c0_i32_0 : i32, i32
  }
  func.func @transform_8(%arg0: i32) -> (i32, i32) {
    %c0_i32 = arith.constant 0 : i32
    %c0_i32_0 = arith.constant 0 : i32
    %c0_i32_1 = arith.constant 0 : i32
    return %c0_i32, %c0_i32_0 : i32, i32
  }
  func.func @transform_9(%arg0: i32) -> (i32, i32) {
    %c0_i32 = arith.constant 0 : i32
    %c0_i32_0 = arith.constant 0 : i32
    %c0_i32_1 = arith.constant 0 : i32
    return %c0_i32, %c0_i32_0 : i32, i32
  }
}

</mosaic_0001>

<sc_bundles>
// kernel: kernel.11.cloned.1.call-start
scs
__scs_entry_jumppad:
0x0: {  	(pc) =	sbr.rel $0x88, $3  }
0x1: {  	(tag) =	ssettag $0x0;
	lr =	simm.s32 $0x1  }
0x2: {  	[smem:$0x3F97] =	sst lr;
	_ =	strace $0xD0000000  }
0x3: {  	_ = 	snop  }
0x4: {  	_ = 	snop  }
0x5: {  	_ = 	snop  }
0x6: {  	_ = 	snop  }
0x7: {  	_ = 	snop  }
__scs_overlays_trampoline_lowered:
0x8: {  	[smem:$0x3FA6] =	sst s0  }
0x9: {  	[smem:$0x3FA7] =	sst s1  }
0xa: {  	[smem:$0x3FA8] =	sst s2  }
0xb: {  	[smem:$0x3FA9] =	sst s3  }
0xc: {  	[smem:$0x3FAA] =	sst s4  }
0xd: {  	[smem:$0x3FAB] =	sst s5  }
0xe: {  	[smem:$0x3FAC] =	sst s6  }
0xf: {  	[smem:$0x3FAD] =	sst s7  }
0x10: {  	[smem:$0x3FAE] =	sst s8  }
0x11: {  	[smem:$0x3FAF] =	sst s9;
	s0 =	simm.s32 @!p0 $0x0  }
0x12: {  	s1 =	sld [smem:$0x3F95];
	s0 =	simm.s32 @p0 $0x1  }
0x13: {  	[smem:$0x3FB0] =	sst s0;
	s0 =	simm.s32 @!p1 $0x0  }
0x14: {  	s2 =	sld [smem:$0x3F94];
	s0 =	simm.s32 @p1 $0x1  }
0x15: {  	[smem:$0x3FB1] =	sst s0;
	s0 =	simm.s32 @!p2 $0x0  }
0x16: {  	s3 =	sld [smem:$0x3FDB];
	s0 =	simm.s32 @p2 $0x1  }
0x17: {  	s4 =	simm.s32 $0x1BF5;
	[smem:$0x3FB3] =	sst s0  }
0x18: {  	s0 =	sld [smem:$0x3F96];
	_ =	swait.ge [sflag:s4], $0x0  }
0x19: {  	s7 =	sld [smem:$0x3F97]  }
0x1a: {  	s8 =	sadd.s32 $0xFFFFE003, lr  }
0x1b: {  	s9 =	sadd.s32 $0xFFFFFEF7, lr;
	s5 =	simm.s32 $0xFFFFFFFF;
	p2 =	slt.u32 s8, $0xFFFFF086  }
0x1c: {  	p1 =	slt.u32 s9, $0xF7A;
	s5 =	simm.s32 @!p2 $0x0  }
0x1d: {  	s5 =	simm.s32 @p1 $0x1;
	p0 =	seq.s32 s7, s2  }
0x1e: {  	s7 =	smul.u32 @!p0 $0xF7A, s2;
	p2 =	seq.s32 @!p0 s5, $0x0  }
0x1f: {  	s9 =	smul.u32 $0xF7A, s1;
	s8 =	simm.s32 @!p0 $0x1BF5;
	p2 =	por !p2, p0  }
0x20: {  	[sflag:s8] =	ssyncset.s32 @!p0 $0xFFFFF086;
	s6 =	sadd.s32 @!p0 s3, s7;
	s7 =	simm.s32 @!p0 $0x108  }
0x21: {  	s3 =	sadd.s32 s3, s9;
	s6 =	sadd.s32 @!p0 $0x88, s6;
	s7 =	simm.s32 @p2 $0x1082  }
0x22: {  	[simem:s7], [sflag:s8] =	dma.local @!p0 [hbm:s6], $0xF7A  }
0x23: {  	s9 =	sor.u32 $0xD0000000, s2;
	s6 =	simm.s32 $0x108;
	_ =	swait.ge @!p0 [sflag:s8], $0x0  }
0x24: {  	s3 =	sadd.s32 $0x88, s3;
	s6 =	simm.s32 @!p1 $0x1082;
	[sflag:s4] =	ssyncset.s32 $0xFFFFF086  }
0x25: {  	[simem:s6], [sflag:s4] =	dma.local [hbm:s3], $0xF7A  }
0x26: {  	[smem:$0x3F97] =	sst s1;
	(tag) =	ssettag s2;
	_ =	strace s9  }
0x27: {  	s1 =	sld [smem:$0x3FA7]  }
0x28: {  	s2 =	sld [smem:$0x3FA8]  }
0x29: {  	s4 =	sld [smem:$0x3FAA]  }
0x2a: {  	p0 =	seq.s32 s5, $0x0;
	s5 =	sld [smem:$0x3FAB]  }
0x2b: {  	s6 =	sld [smem:$0x3FAC]  }
0x2c: {  	s7 =	sld [smem:$0x3FAD]  }
0x2d: {  	s3 =	simm.s32 $0x108;
	s8 =	sld [smem:$0x3FAE]  }
0x2e: {  	s3 =	simm.s32 @!p0 $0x1082;
	s9 =	sld [smem:$0x3FAF]  }
0x2f: {  	lr =	sadd.s32 s0, s3;
	s0 =	sld [smem:$0x3FA6]  }
0x30: {  	s3 =	sld [smem:$0x3FA9]  }
0x31: {  	[smem:$0x3FB2] =	sst s10  }
0x32: {  	s10 =	sld [smem:$0x3FB0];
	_ =	sdelay $0x3  }
0x33: {  	p0 =	seq.s32 s10, $0x1;
	s10 =	sld [smem:$0x3FB2];
	_ =	sdelay $0x3  }
0x34: {  	[smem:$0x3FB2] =	sst s10  }
0x35: {  	s10 =	sld [smem:$0x3FB1];
	_ =	sdelay $0x3  }
0x36: {  	p1 =	seq.s32 s10, $0x1;
	s10 =	sld [smem:$0x3FB2];
	_ =	sdelay $0x3  }
0x37: {  	[smem:$0x3FB2] =	sst s10  }
0x38: {  	s10 =	sld [smem:$0x3FB3]  }
0x39: {  	_ = 	snop;
	(pc) =	sbr.ind lr, $3  }
0x3a: {  	_ = 	snop  }
0x3b: {  	_ = 	snop  }
0x3c: {  	p2 =	seq.s32 s10, $0x1;
	s10 =	sld [smem:$0x3FB2]  }
0x3d: {  	_ =	shalt  }
0x3e: {  	_ =	shalt  }
0x3f: {  	_ =	shalt  }
0x40: {  	_ =	shalt  }
0x41: {  	_ =	shalt  }
0x42: {  	_ =	shalt  }
0x43: {  	_ =	shalt  }
0x44: {  	_ =	shalt  }
0x45: {  	_ =	shalt  }
0x46: {  	_ =	shalt  }
0x47: {  	_ =	shalt  }
0x48: {  	_ =	shalt  }
0x49: {  	_ =	shalt  }
0x4a: {  	_ =	shalt  }
0x4b: {  	_ =	shalt  }
0x4c: {  	_ =	shalt  }
0x4d: {  	_ =	shalt  }
0x4e: {  	_ =	shalt  }
0x4f: {  	_ =	shalt  }
0x50: {  	_ =	shalt  }
0x51: {  	_ =	shalt  }
0x52: {  	_ =	shalt  }
0x53: {  	_ =	shalt  }
0x54: {  	_ =	shalt  }
0x55: {  	_ =	shalt  }
0x56: {  	_ =	shalt  }
0x57: {  	_ =	shalt  }
0x58: {  	_ =	shalt  }
0x59: {  	_ =	shalt  }
0x5a: {  	_ =	shalt  }
0x5b: {  	_ =	shalt  }
0x5c: {  	_ =	shalt  }
0x5d: {  	_ =	shalt  }
0x5e: {  	_ =	shalt  }
0x5f: {  	_ =	shalt  }
0x60: {  	_ =	shalt  }
0x61: {  	_ =	shalt  }
0x62: {  	_ =	shalt  }
0x63: {  	_ =	shalt  }
0x64: {  	_ =	shalt  }
0x65: {  	_ =	shalt  }
0x66: {  	_ =	shalt  }
0x67: {  	_ =	shalt  }
0x68: {  	_ =	shalt  }
0x69: {  	_ =	shalt  }
0x6a: {  	_ =	shalt  }
0x6b: {  	_ =	shalt  }
0x6c: {  	_ =	shalt  }
0x6d: {  	_ =	shalt  }
0x6e: {  	_ =	shalt  }
0x6f: {  	_ =	shalt  }
0x70: {  	_ =	shalt  }
0x71: {  	_ =	shalt  }
0x72: {  	_ =	shalt  }
0x73: {  	_ =	shalt  }
0x74: {  	_ =	shalt  }
0x75: {  	_ =	shalt  }
0x76: {  	_ =	shalt  }
0x77: {  	_ =	shalt  }
0x78: {  	_ =	shalt  }
0x79: {  	_ =	shalt  }
0x7a: {  	_ =	shalt  }
0x7b: {  	_ =	shalt  }
0x7c: {  	_ =	shalt  }
0x7d: {  	_ =	shalt  }
0x7e: {  	_ =	shalt  }
0x7f: {  	_ =	shalt  }
0x80: {  	_ =	shalt  }
0x81: {  	_ =	shalt  }
0x82: {  	_ =	shalt  }
0x83: {  	_ =	shalt  }
0x84: {  	_ =	shalt  }
0x85: {  	_ =	shalt  }
0x86: {  	_ =	shalt  }
0x87: {  	_ =	shalt  }
.Lfunc_end0:
.L_simem_size_0:
called_computation.1_lowered:
.L_overlay_start_0:
0x88: {  	s2 =	sld [smem:$0x3FD9]  }
0x89: {  	s3 =	sld [smem:$0x3FFE];
	_ =	sdelay $0x1  }
0x8a: {  	s1 =	srdreg.scid  }
0x8b: {  	s0 =	sand.u32 $0x1, s1  }
0x8c: {  	s16 =	sshll.u32 s0, $0xA;
	s2 =	sadd.s32 s3, s2  }
0x8d: {  	s2 =	sadd.s32 s2, s16  }
0x8e: {  	[smem:$0x3FBE] =	sst s2  }
0x8f: {  	_ = 	snop  }
0x90: {  	(tm) =	ssettm $0x1  }
0x91: {  	s17 =	sld [smem:$0x3FFB];
	_ =	sdelay $0x3  }
0x92: {  	_ =	strace s17  }
0x93: {  	s2 =	sld [smem:$0x3FFC];
	_ =	sdelay $0x3  }
0x94: {  	_ =	strace s2  }
0x95: {  	s2 =	sld [smem:$0x3FFD];
	_ =	sdelay $0x3  }
0x96: {  	_ =	strace s2  }
0x97: {  	_ =	strace $0x8FFFFFFF  }
0x98: {  	s18 =	sld [smem:$0x3FDB];
	_ =	sdelay $0x1  }
0x99: {  	s19 =	simm.s32 $_scs_section_size  }
0x9a: {  	s4 =	simm.s32 $_size__tile_overlayer_lowered;
	s5 =	simm.s32 $_tile_overlayer_lowered  }
0x9b: {  	s22 =	simm.s32 $0x1BFF;
	s21 =	sshll.u32 s5, $0x1;
	s2 =	sadd.s32 s19, s18  }
0x9c: {  	s6 =	simm.s32 $0x0;
	s20 =	sshll.u32 s4, $0x1;
	s4 =	sadd.s32 s21, s2  }
0x9d: {  	[timem:s6], [sflag:s22] =	dma.local [hbm:s4], s20  }
0x9e: {  	_ =	swait.ge [sflag:s22], s20  }
0x9f: {  	s3 =	ssub.s32 $0x0, s20;
	[sflag:s22] =	ssyncset.done $0x0  }
0xa0: {  	[sflag:s22] =	ssyncadd.s32 s3;
	_ =	sdelay $0x1  }
0xa1: {  	s23 =	simm.s32 $0x1B8B  }
0xa2: {  	_ =	swait.ge [sflag:s23], $0x1  }
0xa3: {  	[sflag:s23] =	ssyncset.done $0x0  }
0xa4: {  	s25 =	simm.s32 $0x1B8E;
	s24 =	sld [smem:$0x3FFE];
	[sflag:s23] =	ssyncadd.s32 $0xFFFFFFFF  }
0xa5: {  	s26 =	simm.s32 $execute0_lowered;
	[smem:$0x3FD2] =	sst s25  }
0xa6: {  	s4 =	sshll.u32 s26, $0x1;
	_ =	strace $0x80000049;
	[dreg:$0x1] =	wrdreg $0xFFFFFFFF  }
0xa7: {  	s28 =	simm.s32 $_size_execute0_lowered;
	s2 =	sadd.s32 s2, s4;
	[dreg:$0x0] =	wrdreg $0x0  }
0xa8: {  	s4 =	sshll.u32 s28, $0x1;
	[dreg:$0x2] =	wrdreg s2  }
0xa9: {  	[dreg:$0x3] =	wrdreg s4  }
0xaa: {  	[dreg:$0x4] =	wrdreg $0xC0  }
0xab: {  	_ =	task [dreg:s6], $0x5FFFF  }
0xac: {  	[dreg:$0x1] =	wrdreg $0xFFFFFFFF  }
0xad: {  	[dreg:$0x0] =	wrdreg $0x60  }
0xae: {  	[dreg:$0x2] =	wrdreg s24  }
0xaf: {  	[dreg:$0x3] =	wrdreg $0xC6200  }
0xb0: {  	[dreg:$0x4] =	wrdreg $0x9  }
0xb1: {  	_ =	task.clear_ibuf [dreg:s6], $0x5FFFF;
	_ =	strace $0x90000049  }
0xb2: {  	s29 =	simm.s32 $0x9;
	_ =	strace $0x8000004B  }
0xb3: {  	_ =	swait.ge [sflag:s29], $0x1  }
0xb4: {  	[sflag:s29] =	ssyncadd.s32 $0xFFFFFFFF  }
0xb5: {  	_ =	strace $0x9000004B  }
0xb6: {  	_ =	sfence  }
0xb7: {  	s30 =	sld [smem:$0x0];
	_ =	sdelay $0x2  }
0xb8: {  	s31 =	sshll.u32 s1, $0xD;
	s1 =	sshrl.u32 s1, $0x2  }
0xb9: {  	s3 =	sand.u32 $0x4000, s31;
	s1 =	sadd.s32 s1, s30  }
0xba: {  	s0 =	sor.u32 s3, s0;
	s1 =	sshll.u32 s1, $0x11  }
0xbb: {  	s0 =	sor.u32 s1, s0  }
0xbc: {  	s0 =	sadd.s32 $0x8F2B, s0  }
0xbd: {  	[sflag:s0] =	ssyncadd.remote.s32 $0x1  }
0xbe: {  	_ =	sfence.sel $0xFFFF  }
0xbf: {  	[dreg:$0x0] =	wrdreg $0xFFFFFFFF;
	(pc) =	sbr.abs _section_cstart, $3  }
0xc0: {  	[dreg:$0x1] =	wrdreg $0xFFFFFFFF  }
0xc1: {  	_ =	task.clear_ibuf [dreg:s6], $0x2FFFF;
	_ =	strace $0x9FFFFFFF  }
0xc2: {  	(tm) =	ssettm $0x7FFFFFFF  }
0xc3: {  	_ =	shalt  }
tec
execute0_lowered:
.L_overlay_start_1:
0x0: {  	(tag) =	ssettag $0x1  }
0x1: {  	s0 =	rddreg [dreg:$0x0]  }
0x2: {  	s1 =	rddreg [dreg:$0x1]  }
0x3: {  	s3 =	simm.s32 $0x0;
	s2 =	srdreg.scid;
	s10 =	stileid.u32  }
0x4: {  	s28 =	simm.s32 $0x7620;
	s30 =	simm.s32 $0x8A20;
	s31 =	simm.s32 $0x1  }
0x5: {  	s29 =	simm.s32 $0x5;
	s12 =	simm.s32 $0x9;
	[smem:$0x7FF] =	sst s3  }
0x6: {  	s2 =	sand.u32 $0x1, s2;
	s8 =	smul.u32 $0xA000, s10;
	s4 =	sadd.s32 $0x29400, s0  }
0x7: {  	s5 =	sadd.s32 $0x15A00, s0;
	s6 =	smul.u32 $0x140000, s2;
	s7 =	sshll.u32 s2, $0x4  }
0x8: {  	_ =	strace $0x8000004A;
	s2 =	ssub.s32 $0x2, s2;
	s7 =	sor.u32 s10, s7  }
0x9: {  	s9 =	sshrl.u32 s2, $0x1;
	s10 =	smul.u32 $0x28000, s10;
	s20 =	sadd.s32 s8, s1  }
0xa: {  	s7 =	smul.u32 $0x4E2, s7;
	s6 =	sadd.s32 s8, s6;
	s2 =	ssub.s32 s2, s9  }
0xb: {  	[dreg:$0x6] =	wrdreg s20;
	s18 =	sshrl.u32 s10, $0x2;
	s21 =	smax.u32 s2, $0x1  }
0xc: {  	s7 =	sadd.s32 s7, s0;
	s10 =	sadd.s32 s18, s1;
	[dreg:$0x8] =	wrdreg s21  }
0xd: {  	s6 =	sshrl.u32 s6, $0x3;
	s16 =	sadd.s32 $0x1E00, s7;
	[dreg:$0x9] =	wrdreg s10  }
0xe: {  	s0 =	sadd.s32 s6, s0;
	s17 =	sadd.s32 $0xBC00, s7;
	[dreg:$0x3] =	wrdreg s16  }
0xf: {  	s20 =	simm.s32 $0xB;
	s19 =	sadd.s32 $0x3CE00, s0;
	[dreg:$0x4] =	wrdreg s17  }
0x10: {  	s8 =	simm.s32 $0x6;
	s0 =	sadd.s32 $0x50E00, s0;
	[dreg:$0x5] =	wrdreg s19  }
0x11: {  	s9 =	simm.s32 $0x8;
	s22 =	sadd.s32 $0x3C00, s10;
	[dreg:$0x7] =	wrdreg s0  }
0x12: {  	s2 =	simm.s32 $0x9E20;
	s23 =	sadd.s32 $0x5000, s10;
	[dreg:$0xa] =	wrdreg s22  }
0x13: {  	s6 =	simm.s32 $0x2;
	s24 =	sadd.s32 $0x6400, s10;
	[dreg:$0xb] =	wrdreg s23  }
.Ltmp0:
0x14: {  	s25 =	sadd.s32 $0x7800, s10;
	[dreg:$0xc] =	wrdreg s24;
	(pc) =	sbr.rel .LBB2_1-.Ltmp0, $4  }
0x15: {  	s18 =	sadd.s32 $0x1400, s10;
	s26 =	sadd.s32 $0x8C00, s10;
	[dreg:$0xd] =	wrdreg s25  }
0x16: {  	s7 =	simm.s32 $0xA;
	s19 =	sadd.s32 $0x2800, s10;
	[dreg:$0xe] =	wrdreg s26  }
0x17: {  	s22 =	simm.s32 $0xB220;
	s23 =	simm.s32 $0x50;
	s24 =	simm.s32 $0x4E20  }
0x18: {  	v0 =	vimm.f32 $0.0e+00;
	s25 =	simm.s32 $0x6220;
	s26 =	simm.s32 $0x7;
	s0 =	simm.s32 $0x4  }
.LBB2_9:
0x19: {  	_ =	swait.ge [sflag:s29], $0x1400  }
0x1a: {  	[sflag:s29] =	ssyncset.done $0x0  }
0x1b: {  	[sflag:s29] =	ssyncadd.s32 $0xFFFFEC00  }
0x1c: {  	[spmem:s1] =	stream.indirect.scatter.add.f32 [tilespmem:s2], [sflag:$0xA], $0x40, s16, s23, $0xb8;
	[tilespmem:$0x16620] =	vst v63  }
0x1d: {  	_ =	swait.ge [sflag:s8], $0x1400  }
0x1e: {  	[sflag:s8] =	ssyncset.done $0x0  }
0x1f: {  	[sflag:s8] =	ssyncadd.s32 $0xFFFFEC00  }
0x20: {  	_ =	swait.ge [sflag:s26], $0x1400  }
0x21: {  	[sflag:s26] =	ssyncset.done $0x0  }
0x22: {  	[sflag:s26] =	ssyncadd.s32 $0xFFFFEC00  }
0x23: {  	_ =	swait.ge [sflag:s9], $0x1400  }
0x24: {  	[sflag:s9] =	ssyncset.done $0x0  }
0x25: {  	[sflag:s9] =	ssyncadd.s32 $0xFFFFEC00  }
0x26: {  	_ =	swait.ge [sflag:s12], $0x1400  }
0x27: {  	[sflag:s12] =	ssyncset.done $0x0  }
0x28: {  	[sflag:s12] =	ssyncadd.s32 $0xFFFFEC00  }
0x29: {  	_ =	swait.ge [sflag:s7], $0x1400  }
0x2a: {  	[sflag:s7] =	ssyncset.done $0x0  }
0x2b: {  	[sflag:s7] =	ssyncadd.s32 $0xFFFFEC00  }
0x2c: {  	[bflag:$0x0] =	sbarrier.arrive $0xFFFF  }
0x2d: {  	s14 =	rddreg [dreg:$0x7]  }
0x2e: {  	[hbm:s14], [sflag:s21] =	dma.local [spmem:s13], $0x1400  }
0x2f: {  	_ =	swait.ge [sflag:s20], $0x1400  }
0x30: {  	s3 =	sadd.s32 $0x1, s3;
	s21 =	rddreg [dreg:$0x8]  }
0x31: {  	p0 =	sne.s32 s3, s21  }
.Ltmp1:
0x32: {  	_ = 	snop;
	(pc) =	sbr.rel @!p0 .LBB2_10-.Ltmp1, $3  }
0x33: {  	_ =	sdelay $0x1  }
0x34: {  	s18 =	smov.u32 s10;
	[sflag:s20] =	ssyncset.done $0x0  }
0x35: {  	s19 =	smov.u32 s11;
	s10 =	rddreg [dreg:$0x9];
	[sflag:s20] =	ssyncadd.s32 $0xFFFFEC00  }
.LBB2_1:
0x36: {  	s14 =	simm.s32 $0x100;
	s13 =	simm.s32 $0x0  }
.LBB2_2:
0x37: {  	p0 =	sne.s32 s14, $0x4F00;
	[tilespmem:s13+$0xB250] =	vst v0;
	s15 =	smov.u32 s14;
	s14 =	sadd.s32 $0x100, s14  }
.Ltmp2:
0x38: {  	[tilespmem:s13+$0xB240] =	vst v0;
	(pc) =	sbr.rel @p0 .LBB2_2-.Ltmp2, $3  }
0x39: {  	[tilespmem:s13+$0xB220] =	vst v0  }
0x3a: {  	[tilespmem:s13+$0xB230] =	vst v0;
	_ =	sdelay $0x1  }
0x3b: {  	s13 =	sshra.s32 s15, $0x2  }
0x3c: {  	[tilespmem:s13+$0xB250] =	vst v0  }
0x3d: {  	[tilespmem:s13+$0xB240] =	vst v0  }
0x3e: {  	[tilespmem:s13+$0xB220] =	vst v0  }
0x3f: {  	[tilespmem:s13+$0xB230] =	vst v0;
	s13 =	simm.s32 $0x0;
	s14 =	rddreg [dreg:$0x3]  }
0x40: {  	[tilespmem:s13], [sflag:$0xB] =	stream.linear.gather [hbm4b:s14+s13], $0x2710, $0x38;
	[tilespmem:$0x16620] =	vst v63  }
0x41: {  	_ =	swait.ge [sflag:s20], $0x2710  }
0x42: {  	[sflag:s20] =	ssyncset.done $0x0  }
0x43: {  	s15 =	simm.s32 $0x2710;
	s16 =	rddreg [dreg:$0x4];
	[sflag:s20] =	ssyncadd.s32 $0xFFFFD8F0  }
0x44: {  	[tilespmem:s15], [sflag:$0xB] =	stream.linear.gather [hbm4b:s16+s13], $0x2710, $0x38;
	[tilespmem:$0x16620] =	vst v63  }
0x45: {  	_ =	swait.ge [sflag:s20], $0x2710  }
0x46: {  	[sflag:s20] =	ssyncset.done $0x0  }
0x47: {  	[sflag:s20] =	ssyncadd.s32 $0xFFFFD8F0  }
0x48: {  	[spmem:s10] =	stream.linear.scatter [tilespmem:s22], [sflag:$0xB], $0x1400, $0x38;
	[tilespmem:$0x16620] =	vst v63  }
0x49: {  	_ =	swait.ge [sflag:s20], $0x1400  }
0x4a: {  	[sflag:s20] =	ssyncset.done $0x0  }
0x4b: {  	[sflag:s20] =	ssyncadd.s32 $0xFFFFEC00  }
0x4c: {  	[spmem:s18] =	stream.linear.scatter [tilespmem:s22], [sflag:$0xB], $0x1400, $0x38;
	[tilespmem:$0x16620] =	vst v63  }
0x4d: {  	_ =	swait.ge [sflag:s20], $0x1400  }
0x4e: {  	[sflag:s20] =	ssyncset.done $0x0  }
0x4f: {  	[sflag:s20] =	ssyncadd.s32 $0xFFFFEC00  }
0x50: {  	[spmem:s19] =	stream.linear.scatter [tilespmem:s22], [sflag:$0xB], $0x1400, $0x38;
	[tilespmem:$0x16620] =	vst v63  }
0x51: {  	_ =	swait.ge [sflag:s20], $0x1400  }
0x52: {  	[sflag:s20] =	ssyncset.done $0x0  }
0x53: {  	s11 =	rddreg [dreg:$0xa];
	[sflag:s20] =	ssyncadd.s32 $0xFFFFEC00  }
0x54: {  	[spmem:s11] =	stream.linear.scatter [tilespmem:s22], [sflag:$0xB], $0x1400, $0x38;
	[tilespmem:$0x16620] =	vst v63  }
0x55: {  	_ =	swait.ge [sflag:s20], $0x1400  }
0x56: {  	[sflag:s20] =	ssyncset.done $0x0  }
0x57: {  	s17 =	rddreg [dreg:$0xb];
	[sflag:s20] =	ssyncadd.s32 $0xFFFFEC00  }
0x58: {  	[spmem:s17] =	stream.linear.scatter [tilespmem:s22], [sflag:$0xB], $0x1400, $0x38;
	[tilespmem:$0x16620] =	vst v63  }
0x59: {  	_ =	swait.ge [sflag:s20], $0x1400  }
0x5a: {  	[sflag:s20] =	ssyncset.done $0x0  }
0x5b: {  	s21 =	rddreg [dreg:$0xc];
	[sflag:s20] =	ssyncadd.s32 $0xFFFFEC00  }
0x5c: {  	[spmem:s21] =	stream.linear.scatter [tilespmem:s22], [sflag:$0xB], $0x1400, $0x38;
	[tilespmem:$0x16620] =	vst v63  }
0x5d: {  	_ =	swait.ge [sflag:s20], $0x1400  }
0x5e: {  	[sflag:s20] =	ssyncset.done $0x0  }
0x5f: {  	s14 =	rddreg [dreg:$0xd];
	[sflag:s20] =	ssyncadd.s32 $0xFFFFEC00  }
0x60: {  	[spmem:s14] =	stream.linear.scatter [tilespmem:s22], [sflag:$0xB], $0x1400, $0x38;
	[tilespmem:$0x16620] =	vst v63  }
0x61: {  	_ =	swait.ge [sflag:s20], $0x1400  }
0x62: {  	[sflag:s20] =	ssyncset.done $0x0  }
0x63: {  	s16 =	rddreg [dreg:$0xe];
	[sflag:s20] =	ssyncadd.s32 $0xFFFFEC00  }
0x64: {  	[spmem:s16] =	stream.linear.scatter [tilespmem:s22], [sflag:$0xB], $0x1400, $0x38;
	[tilespmem:$0x16620] =	vst v63  }
0x65: {  	_ =	swait.ge [sflag:s20], $0x1400  }
0x66: {  	[sflag:s20] =	ssyncset.done $0x0  }
0x67: {  	[sflag:s20] =	ssyncadd.s32 $0xFFFFEC00  }
0x68: {  	[bflag:$0x0] =	sbarrier.arrive $0xFFFF  }
0x69: {  	[tilespmem:s24], [sflag:$0x1] =	stream.indirect.gather [hbm4b:s4+s23], $0x40, s13, s23, $0xb8;
	[tilespmem:$0x16620] =	vst v63  }
0x6a: {  	_ = 	snop  }
0x6b: {  	[tilespmem:s25], [sflag:$0x2] =	stream.indirect.gather [hbm4b:s4+s23], $0x40, s23, s23, $0xb8;
	[tilespmem:$0x16620] =	vst v63  }
0x6c: {  	s17 =	simm.s32 $0xA0  }
0x6d: {  	[tilespmem:s28], [sflag:$0x3] =	stream.indirect.gather [hbm4b:s4+s23], $0x40, s17, s23, $0xb8;
	[tilespmem:$0x16620] =	vst v63  }
0x6e: {  	s21 =	simm.s32 $0xF0  }
0x6f: {  	[tilespmem:s30], [sflag:$0x4] =	stream.indirect.gather [hbm4b:s4+s23], $0x40, s21, s23, $0xb8;
	[tilespmem:$0x16620] =	vst v63  }
0x70: {  	_ =	swait.ge [sflag:s31], $0x1400  }
0x71: {  	[sflag:s31] =	ssyncset.done $0x0  }
0x72: {  	[sflag:s31] =	ssyncadd.s32 $0xFFFFEC00  }
0x73: {  	[spmem:s1] =	stream.indirect.scatter.add.f32 [tilespmem:s24], [sflag:$0x6], $0x40, s15, s23, $0xb8;
	[tilespmem:$0x16620] =	vst v63  }
0x74: {  	s14 =	simm.s32 $0x140  }
0x75: {  	[tilespmem:s2], [sflag:$0x5] =	stream.indirect.gather [hbm4b:s4+s23], $0x40, s14, s23, $0xb8;
	[tilespmem:$0x16620] =	vst v63  }
0x76: {  	_ =	swait.ge [sflag:s6], $0x1400  }
0x77: {  	[sflag:s6] =	ssyncset.done $0x0  }
0x78: {  	s15 =	simm.s32 $0x2760;
	[sflag:s6] =	ssyncadd.s32 $0xFFFFEC00  }
0x79: {  	[spmem:s1] =	stream.indirect.scatter.add.f32 [tilespmem:s25], [sflag:$0x7], $0x40, s15, s23, $0xb8;
	[tilespmem:$0x16620] =	vst v63  }
0x7a: {  	_ =	swait.ge [sflag:s8], $0x1400  }
0x7b: {  	[sflag:s8] =	ssyncset.done $0x0  }
0x7c: {  	s16 =	simm.s32 $0x190;
	s17 =	simm.s32 $0x3;
	[sflag:s8] =	ssyncadd.s32 $0xFFFFEC00  }
0x7d: {  	[tilespmem:s24], [sflag:$0x1] =	stream.indirect.gather [hbm4b:s4+s23], $0x40, s16, s23, $0xb8;
	[tilespmem:$0x16620] =	vst v63  }
0x7e: {  	_ =	swait.ge [sflag:s17], $0x1400  }
0x7f: {  	[sflag:s17] =	ssyncset.done $0x0  }
0x80: {  	s21 =	simm.s32 $0x27B0;
	[sflag:s17] =	ssyncadd.s32 $0xFFFFEC00  }
0x81: {  	[spmem:s1] =	stream.indirect.scatter.add.f32 [tilespmem:s28], [sflag:$0x8], $0x40, s21, s23, $0xb8;
	[tilespmem:$0x16620] =	vst v63  }
0x82: {  	_ =	swait.ge [sflag:s26], $0x1400  }
0x83: {  	[sflag:s26] =	ssyncset.done $0x0  }
0x84: {  	s14 =	simm.s32 $0x1E0;
	[sflag:s26] =	ssyncadd.s32 $0xFFFFEC00  }
0x85: {  	[tilespmem:s25], [sflag:$0x2] =	stream.indirect.gather [hbm4b:s4+s23], $0x40, s14, s23, $0xb8;
	[tilespmem:$0x16620] =	vst v63  }
0x86: {  	_ =	swait.ge [sflag:s0], $0x1400  }
0x87: {  	[sflag:s0] =	ssyncset.done $0x0  }
0x88: {  	s15 =	simm.s32 $0x2800;
	[sflag:s0] =	ssyncadd.s32 $0xFFFFEC00  }
0x89: {  	[spmem:s1] =	stream.indirect.scatter.add.f32 [tilespmem:s30], [sflag:$0x9], $0x40, s15, s23, $0xb8;
	[tilespmem:$0x16620] =	vst v63  }
0x8a: {  	_ =	swait.ge [sflag:s9], $0x1400  }
0x8b: {  	[sflag:s9] =	ssyncset.done $0x0  }
0x8c: {  	s16 =	simm.s32 $0x230;
	[sflag:s9] =	ssyncadd.s32 $0xFFFFEC00  }
0x8d: {  	[tilespmem:s28], [sflag:$0x3] =	stream.indirect.gather [hbm4b:s4+s23], $0x40, s16, s23, $0xb8;
	[tilespmem:$0x16620] =	vst v63  }
0x8e: {  	_ =	swait.ge [sflag:s29], $0x1400  }
0x8f: {  	[sflag:s29] =	ssyncset.done $0x0  }
0x90: {  	s17 =	simm.s32 $0x2850;
	[sflag:s29] =	ssyncadd.s32 $0xFFFFEC00  }
0x91: {  	[spmem:s1] =	stream.indirect.scatter.add.f32 [tilespmem:s2], [sflag:$0xA], $0x40, s17, s23, $0xb8;
	[tilespmem:$0x16620] =	vst v63  }
0x92: {  	_ =	swait.ge [sflag:s12], $0x1400  }
0x93: {  	[sflag:s12] =	ssyncset.done $0x0  }
0x94: {  	s21 =	simm.s32 $0x280;
	[sflag:s12] =	ssyncadd.s32 $0xFFFFEC00  }
0x95: {  	[tilespmem:s30], [sflag:$0x4] =	stream.indirect.gather [hbm4b:s4+s23], $0x40, s21, s23, $0xb8;
	[tilespmem:$0x16620] =	vst v63  }
.LBB2_4:
0x96: {  	_ =	swait.ge [sflag:s31], $0x1400  }
0x97: {  	s14 =	sshra.s32 s13, $0x2;
	[sflag:s31] =	ssyncset.done $0x0  }
0x98: {  	s15 =	sadd.s32 $0x28A0, s14;
	[sflag:s31] =	ssyncadd.s32 $0xFFFFEC00  }
0x99: {  	[spmem:s1] =	stream.indirect.scatter.add.f32 [tilespmem:s24], [sflag:$0x6], $0x40, s15, s23, $0xb8;
	[tilespmem:$0x16620] =	vst v63  }
0x9a: {  	_ =	swait.ge [sflag:s7], $0x1400  }
0x9b: {  	[sflag:s7] =	ssyncset.done $0x0  }
0x9c: {  	s16 =	sadd.s32 $0x2D0, s14;
	[sflag:s7] =	ssyncadd.s32 $0xFFFFEC00  }
0x9d: {  	[tilespmem:s2], [sflag:$0x5] =	stream.indirect.gather [hbm4b:s4+s23], $0x40, s16, s23, $0xb8;
	[tilespmem:$0x16620] =	vst v63  }
0x9e: {  	_ =	swait.ge [sflag:s6], $0x1400  }
0x9f: {  	p0 =	seq.s32 s13, $0x8FC0;
	[sflag:s6] =	ssyncset.done $0x0  }
0xa0: {  	s17 =	sadd.s32 $0x28F0, s14;
	s15 =	simm.s32 @p0 $0x3;
	[sflag:s6] =	ssyncadd.s32 $0xFFFFEC00  }
0xa1: {  	[spmem:s1] =	stream.indirect.scatter.add.f32 [tilespmem:s25], [sflag:$0x7], $0x40, s17, s23, $0xb8;
	[tilespmem:$0x16620] =	vst v63  }
0xa2: {  	_ =	swait.ge @p0 [sflag:s15], $0x1400  }
0xa3: {  	[sflag:s15] =	ssyncset.done @p0 $0x0  }
0xa4: {  	[sflag:s15] =	ssyncadd.s32 @p0 $0xFFFFEC00;
	s15 =	sshra.s32 @p0 s13, $0x2  }
0xa5: {  	s21 =	simm.s32 @p0 $0x7620;
	s16 =	simm.s32 @p0 $0x50;
	s15 =	sadd.s32 @p0 $0x2940, s15  }
0xa6: {  	[spmem:s1] =	stream.indirect.scatter.add.f32 @p0 [tilespmem:s21], [sflag:$0x8], $0x40, s15, s16, $0xb8;
	[tilespmem:$0x16620] =	vst v63  }
0xa7: {  	s15 =	simm.s32 @!p0 $0x6  }
0xa8: {  	_ =	swait.ge @!p0 [sflag:s15], $0x1400  }
0xa9: {  	[sflag:s15] =	ssyncset.done @!p0 $0x0  }
0xaa: {  	[sflag:s15] =	ssyncadd.s32 @!p0 $0xFFFFEC00;
	s15 =	sshra.s32 @!p0 s13, $0x2  }
0xab: {  	s17 =	simm.s32 @!p0 $0x4E20;
	s21 =	simm.s32 @!p0 $0x50;
	s16 =	sadd.s32 @!p0 $0x320, s15  }
0xac: {  	[tilespmem:s17], [sflag:$0x1] =	stream.indirect.gather @!p0 [hbm4b:s4+s21], $0x40, s16, s21, $0xb8;
	[tilespmem:$0x16620] =	vst v63  }
0xad: {  	s16 =	simm.s32 @!p0 $0x3  }
0xae: {  	_ =	swait.ge @!p0 [sflag:s16], $0x1400  }
0xaf: {  	[sflag:s16] =	ssyncset.done @!p0 $0x0  }
0xb0: {  	s17 =	simm.s32 @!p0 $0x7620;
	[sflag:s16] =	ssyncadd.s32 @!p0 $0xFFFFEC00;
	s16 =	sadd.s32 @!p0 $0x2940, s15  }
0xb1: {  	[spmem:s1] =	stream.indirect.scatter.add.f32 @!p0 [tilespmem:s17], [sflag:$0x8], $0x40, s16, s21, $0xb8;
	[tilespmem:$0x16620] =	vst v63  }
0xb2: {  	s16 =	simm.s32 @!p0 $0x7  }
0xb3: {  	_ =	swait.ge @!p0 [sflag:s16], $0x1400  }
0xb4: {  	[sflag:s16] =	ssyncset.done @!p0 $0x0  }
0xb5: {  	s15 =	sadd.s32 @!p0 $0x370, s15;
	[sflag:s16] =	ssyncadd.s32 @!p0 $0xFFFFEC00;
	s16 =	simm.s32 @!p0 $0x6220  }
0xb6: {  	[tilespmem:s16], [sflag:$0x2] =	stream.indirect.gather @!p0 [hbm4b:s4+s21], $0x40, s15, s21, $0xb8;
	[tilespmem:$0x16620] =	vst v63  }
.Ltmp3:
0xb7: {  	_ = 	snop;
	(pc) =	sbr.rel @p0 .LBB2_6-.Ltmp3, $4  }
0xb8: {  	_ =	swait.ge [sflag:s0], $0x1400  }
0xb9: {  	[sflag:s0] =	ssyncset.done $0x0  }
0xba: {  	s21 =	sadd.s32 $0x2990, s14;
	s15 =	sadd.s32 $0x29E0, s14;
	[sflag:s0] =	ssyncadd.s32 $0xFFFFEC00  }
0xbb: {  	[spmem:s1] =	stream.indirect.scatter.add.f32 [tilespmem:s30], [sflag:$0x9], $0x40, s21, s23, $0xb8;
	[tilespmem:$0x16620] =	vst v63  }
0xbc: {  	_ =	swait.ge [sflag:s9], $0x1400  }
0xbd: {  	[sflag:s9] =	ssyncset.done $0x0  }
0xbe: {  	s16 =	sadd.s32 $0x3C0, s14;
	[sflag:s9] =	ssyncadd.s32 $0xFFFFEC00  }
0xbf: {  	[tilespmem:s28], [sflag:$0x3] =	stream.indirect.gather [hbm4b:s4+s23], $0x40, s16, s23, $0xb8;
	[tilespmem:$0x16620] =	vst v63  }
0xc0: {  	_ =	swait.ge [sflag:s29], $0x1400  }
0xc1: {  	[sflag:s29] =	ssyncset.done $0x0  }
0xc2: {  	[sflag:s29] =	ssyncadd.s32 $0xFFFFEC00  }
0xc3: {  	[spmem:s1] =	stream.indirect.scatter.add.f32 [tilespmem:s2], [sflag:$0xA], $0x40, s15, s23, $0xb8;
	[tilespmem:$0x16620] =	vst v63  }
.Ltmp4:
0xc4: {  	_ = 	snop;
	(pc) =	sbr.rel .LBB2_4-.Ltmp4, $4  }
0xc5: {  	_ =	swait.ge [sflag:s12], $0x1400  }
0xc6: {  	[sflag:s12] =	ssyncset.done $0x0  }
0xc7: {  	s21 =	sadd.s32 $0x410, s14;
	s13 =	sadd.s32 $0x640, s13;
	[sflag:s12] =	ssyncadd.s32 $0xFFFFEC00  }
0xc8: {  	[tilespmem:s30], [sflag:$0x4] =	stream.indirect.gather [hbm4b:s4+s23], $0x40, s21, s23, $0xb8;
	[tilespmem:$0x16620] =	vst v63  }
.LBB2_6:
0xc9: {  	_ =	swait.ge [sflag:s29], $0x1400  }
0xca: {  	[sflag:s29] =	ssyncset.done $0x0  }
0xcb: {  	[sflag:s29] =	ssyncadd.s32 $0xFFFFEC00  }
0xcc: {  	[spmem:s1] =	stream.indirect.scatter.add.f32 [tilespmem:s2], [sflag:$0xA], $0x40, s15, s23, $0xb8;
	[tilespmem:$0x16620] =	vst v63  }
0xcd: {  	_ =	swait.ge [sflag:s8], $0x1400  }
0xce: {  	[sflag:s8] =	ssyncset.done $0x0  }
0xcf: {  	[sflag:s8] =	ssyncadd.s32 $0xFFFFEC00  }
0xd0: {  	_ =	swait.ge [sflag:s26], $0x1400  }
0xd1: {  	[sflag:s26] =	ssyncset.done $0x0  }
0xd2: {  	[sflag:s26] =	ssyncadd.s32 $0xFFFFEC00  }
0xd3: {  	_ =	swait.ge [sflag:s9], $0x1400  }
0xd4: {  	[sflag:s9] =	ssyncset.done $0x0  }
0xd5: {  	[sflag:s9] =	ssyncadd.s32 $0xFFFFEC00  }
0xd6: {  	_ =	swait.ge [sflag:s12], $0x1400  }
0xd7: {  	[sflag:s12] =	ssyncset.done $0x0  }
0xd8: {  	[sflag:s12] =	ssyncadd.s32 $0xFFFFEC00  }
0xd9: {  	_ =	swait.ge [sflag:s7], $0x1400  }
0xda: {  	[sflag:s7] =	ssyncset.done $0x0  }
0xdb: {  	[sflag:s7] =	ssyncadd.s32 $0xFFFFEC00  }
0xdc: {  	s13 =	stileid.u32;
	[bflag:$0x0] =	sbarrier.arrive $0xFFFF  }
0xdd: {  	s13 =	sshll.u32 s13, $0x6;
	s17 =	rddreg [dreg:$0x6]  }
0xde: {  	s21 =	sor.u32 $0x1C0B, s13;
	s14 =	rddreg [dreg:$0x5];
	s13 =	sshrl.u32 s17, $0x3  }
0xdf: {  	[hbm:s14], [sflag:s21] =	dma.local [spmem:s13], $0x1400  }
0xe0: {  	_ =	swait.ge [sflag:s20], $0x1400  }
0xe1: {  	[sflag:s20] =	ssyncset.done $0x0  }
0xe2: {  	[sflag:s20] =	ssyncadd.s32 $0xFFFFEC00  }
0xe3: {  	[spmem:s10] =	stream.linear.scatter [tilespmem:s22], [sflag:$0xB], $0x1400, $0x38;
	[tilespmem:$0x16620] =	vst v63  }
0xe4: {  	_ =	swait.ge [sflag:s20], $0x1400  }
0xe5: {  	[sflag:s20] =	ssyncset.done $0x0  }
0xe6: {  	[sflag:s20] =	ssyncadd.s32 $0xFFFFEC00  }
0xe7: {  	[spmem:s18] =	stream.linear.scatter [tilespmem:s22], [sflag:$0xB], $0x1400, $0x38;
	[tilespmem:$0x16620] =	vst v63  }
0xe8: {  	_ =	swait.ge [sflag:s20], $0x1400  }
0xe9: {  	[sflag:s20] =	ssyncset.done $0x0  }
0xea: {  	[sflag:s20] =	ssyncadd.s32 $0xFFFFEC00  }
0xeb: {  	[spmem:s19] =	stream.linear.scatter [tilespmem:s22], [sflag:$0xB], $0x1400, $0x38;
	[tilespmem:$0x16620] =	vst v63  }
0xec: {  	_ =	swait.ge [sflag:s20], $0x1400  }
0xed: {  	[sflag:s20] =	ssyncset.done $0x0  }
0xee: {  	s11 =	smov.u32 s19;
	s19 =	rddreg [dreg:$0xa];
	[sflag:s20] =	ssyncadd.s32 $0xFFFFEC00  }
0xef: {  	[spmem:s19] =	stream.linear.scatter [tilespmem:s22], [sflag:$0xB], $0x1400, $0x38;
	[tilespmem:$0x16620] =	vst v63  }
0xf0: {  	_ =	swait.ge [sflag:s20], $0x1400  }
0xf1: {  	[sflag:s20] =	ssyncset.done $0x0  }
0xf2: {  	s15 =	rddreg [dreg:$0xb];
	[sflag:s20] =	ssyncadd.s32 $0xFFFFEC00  }
0xf3: {  	[spmem:s15] =	stream.linear.scatter [tilespmem:s22], [sflag:$0xB], $0x1400, $0x38;
	[tilespmem:$0x16620] =	vst v63  }
0xf4: {  	_ =	swait.ge [sflag:s20], $0x1400  }
0xf5: {  	[sflag:s20] =	ssyncset.done $0x0  }
0xf6: {  	s16 =	rddreg [dreg:$0xc];
	[sflag:s20] =	ssyncadd.s32 $0xFFFFEC00  }
0xf7: {  	[spmem:s16] =	stream.linear.scatter [tilespmem:s22], [sflag:$0xB], $0x1400, $0x38;
	[tilespmem:$0x16620] =	vst v63  }
0xf8: {  	_ =	swait.ge [sflag:s20], $0x1400  }
0xf9: {  	[sflag:s20] =	ssyncset.done $0x0  }
0xfa: {  	s17 =	rddreg [dreg:$0xd];
	[sflag:s20] =	ssyncadd.s32 $0xFFFFEC00  }
0xfb: {  	[spmem:s17] =	stream.linear.scatter [tilespmem:s22], [sflag:$0xB], $0x1400, $0x38;
	[tilespmem:$0x16620] =	vst v63  }
0xfc: {  	_ =	swait.ge [sflag:s20], $0x1400  }
0xfd: {  	[sflag:s20] =	ssyncset.done $0x0  }
0xfe: {  	s10 =	smov.u32 s18;
	s18 =	rddreg [dreg:$0xe];
	[sflag:s20] =	ssyncadd.s32 $0xFFFFEC00  }
0xff: {  	[spmem:s18] =	stream.linear.scatter [tilespmem:s22], [sflag:$0xB], $0x1400, $0x38;
	[tilespmem:$0x16620] =	vst v63  }
0x100: {  	_ =	swait.ge [sflag:s20], $0x1400  }
0x101: {  	[sflag:s20] =	ssyncset.done $0x0  }
0x102: {  	[sflag:s20] =	ssyncadd.s32 $0xFFFFEC00  }
0x103: {  	s14 =	simm.s32 $0x0;
	[bflag:$0x0] =	sbarrier.arrive $0xFFFF  }
0x104: {  	[tilespmem:s24], [sflag:$0x1] =	stream.indirect.gather [hbm4b:s5+s23], $0x40, s14, s23, $0xb8;
	[tilespmem:$0x16620] =	vst v63  }
0x105: {  	_ = 	snop  }
0x106: {  	[tilespmem:s25], [sflag:$0x2] =	stream.indirect.gather [hbm4b:s5+s23], $0x40, s23, s23, $0xb8;
	[tilespmem:$0x16620] =	vst v63  }
0x107: {  	s19 =	simm.s32 $0xA0  }
0x108: {  	[tilespmem:s28], [sflag:$0x3] =	stream.indirect.gather [hbm4b:s5+s23], $0x40, s19, s23, $0xb8;
	[tilespmem:$0x16620] =	vst v63  }
0x109: {  	s16 =	simm.s32 $0xF0  }
0x10a: {  	[tilespmem:s30], [sflag:$0x4] =	stream.indirect.gather [hbm4b:s5+s23], $0x40, s16, s23, $0xb8;
	[tilespmem:$0x16620] =	vst v63  }
0x10b: {  	_ =	swait.ge [sflag:s31], $0x1400  }
0x10c: {  	[sflag:s31] =	ssyncset.done $0x0  }
0x10d: {  	s17 =	simm.s32 $0x2710;
	[sflag:s31] =	ssyncadd.s32 $0xFFFFEC00  }
0x10e: {  	[spmem:s1] =	stream.indirect.scatter.add.f32 [tilespmem:s24], [sflag:$0x6], $0x40, s17, s23, $0xb8;
	[tilespmem:$0x16620] =	vst v63  }
0x10f: {  	s18 =	simm.s32 $0x140  }
0x110: {  	[tilespmem:s2], [sflag:$0x5] =	stream.indirect.gather [hbm4b:s5+s23], $0x40, s18, s23, $0xb8;
	[tilespmem:$0x16620] =	vst v63  }
0x111: {  	_ =	swait.ge [sflag:s6], $0x1400  }
0x112: {  	[sflag:s6] =	ssyncset.done $0x0  }
0x113: {  	s19 =	simm.s32 $0x2760;
	[sflag:s6] =	ssyncadd.s32 $0xFFFFEC00  }
0x114: {  	[spmem:s1] =	stream.indirect.scatter.add.f32 [tilespmem:s25], [sflag:$0x7], $0x40, s19, s23, $0xb8;
	[tilespmem:$0x16620] =	vst v63  }
0x115: {  	_ =	swait.ge [sflag:s8], $0x1400  }
0x116: {  	[sflag:s8] =	ssyncset.done $0x0  }
0x117: {  	s16 =	simm.s32 $0x190;
	s17 =	simm.s32 $0x3;
	[sflag:s8] =	ssyncadd.s32 $0xFFFFEC00  }
0x118: {  	[tilespmem:s24], [sflag:$0x1] =	stream.indirect.gather [hbm4b:s5+s23], $0x40, s16, s23, $0xb8;
	[tilespmem:$0x16620] =	vst v63  }
0x119: {  	_ =	swait.ge [sflag:s17], $0x1400  }
0x11a: {  	[sflag:s17] =	ssyncset.done $0x0  }
0x11b: {  	s18 =	simm.s32 $0x27B0;
	[sflag:s17] =	ssyncadd.s32 $0xFFFFEC00  }
0x11c: {  	[spmem:s1] =	stream.indirect.scatter.add.f32 [tilespmem:s28], [sflag:$0x8], $0x40, s18, s23, $0xb8;
	[tilespmem:$0x16620] =	vst v63  }
0x11d: {  	_ =	swait.ge [sflag:s26], $0x1400  }
0x11e: {  	[sflag:s26] =	ssyncset.done $0x0  }
0x11f: {  	s19 =	simm.s32 $0x1E0;
	[sflag:s26] =	ssyncadd.s32 $0xFFFFEC00  }
0x120: {  	[tilespmem:s25], [sflag:$0x2] =	stream.indirect.gather [hbm4b:s5+s23], $0x40, s19, s23, $0xb8;
	[tilespmem:$0x16620] =	vst v63  }
0x121: {  	_ =	swait.ge [sflag:s0], $0x1400  }
0x122: {  	[sflag:s0] =	ssyncset.done $0x0  }
0x123: {  	s16 =	simm.s32 $0x2800;
	[sflag:s0] =	ssyncadd.s32 $0xFFFFEC00  }
0x124: {  	[spmem:s1] =	stream.indirect.scatter.add.f32 [tilespmem:s30], [sflag:$0x9], $0x40, s16, s23, $0xb8;
	[tilespmem:$0x16620] =	vst v63  }
0x125: {  	_ =	swait.ge [sflag:s9], $0x1400  }
0x126: {  	[sflag:s9] =	ssyncset.done $0x0  }
0x127: {  	s17 =	simm.s32 $0x230;
	[sflag:s9] =	ssyncadd.s32 $0xFFFFEC00  }
0x128: {  	[tilespmem:s28], [sflag:$0x3] =	stream.indirect.gather [hbm4b:s5+s23], $0x40, s17, s23, $0xb8;
	[tilespmem:$0x16620] =	vst v63  }
0x129: {  	_ =	swait.ge [sflag:s29], $0x1400  }
0x12a: {  	[sflag:s29] =	ssyncset.done $0x0  }
0x12b: {  	s18 =	simm.s32 $0x2850;
	[sflag:s29] =	ssyncadd.s32 $0xFFFFEC00  }
0x12c: {  	[spmem:s1] =	stream.indirect.scatter.add.f32 [tilespmem:s2], [sflag:$0xA], $0x40, s18, s23, $0xb8;
	[tilespmem:$0x16620] =	vst v63  }
0x12d: {  	_ =	swait.ge [sflag:s12], $0x1400  }
0x12e: {  	[sflag:s12] =	ssyncset.done $0x0  }
0x12f: {  	s19 =	simm.s32 $0x280;
	[sflag:s12] =	ssyncadd.s32 $0xFFFFEC00  }
0x130: {  	[tilespmem:s30], [sflag:$0x4] =	stream.indirect.gather [hbm4b:s5+s23], $0x40, s19, s23, $0xb8;
	[tilespmem:$0x16620] =	vst v63  }
.LBB2_7:
0x131: {  	_ =	swait.ge [sflag:s31], $0x1400  }
0x132: {  	s15 =	sshra.s32 s14, $0x2;
	[sflag:s31] =	ssyncset.done $0x0  }
0x133: {  	s16 =	sadd.s32 $0x28A0, s15;
	[sflag:s31] =	ssyncadd.s32 $0xFFFFEC00  }
0x134: {  	[spmem:s1] =	stream.indirect.scatter.add.f32 [tilespmem:s24], [sflag:$0x6], $0x40, s16, s23, $0xb8;
	[tilespmem:$0x16620] =	vst v63  }
0x135: {  	_ =	swait.ge [sflag:s7], $0x1400  }
0x136: {  	[sflag:s7] =	ssyncset.done $0x0  }
0x137: {  	s17 =	sadd.s32 $0x2D0, s15;
	[sflag:s7] =	ssyncadd.s32 $0xFFFFEC00  }
0x138: {  	[tilespmem:s2], [sflag:$0x5] =	stream.indirect.gather [hbm4b:s5+s23], $0x40, s17, s23, $0xb8;
	[tilespmem:$0x16620] =	vst v63  }
0x139: {  	_ =	swait.ge [sflag:s6], $0x1400  }
0x13a: {  	p0 =	seq.s32 s14, $0x8FC0;
	[sflag:s6] =	ssyncset.done $0x0  }
0x13b: {  	s18 =	sadd.s32 $0x28F0, s15;
	s16 =	simm.s32 @p0 $0x3;
	[sflag:s6] =	ssyncadd.s32 $0xFFFFEC00  }
0x13c: {  	[spmem:s1] =	stream.indirect.scatter.add.f32 [tilespmem:s25], [sflag:$0x7], $0x40, s18, s23, $0xb8;
	[tilespmem:$0x16620] =	vst v63  }
0x13d: {  	_ =	swait.ge @p0 [sflag:s16], $0x1400  }
0x13e: {  	[sflag:s16] =	ssyncset.done @p0 $0x0  }
0x13f: {  	[sflag:s16] =	ssyncadd.s32 @p0 $0xFFFFEC00;
	s16 =	sshra.s32 @p0 s14, $0x2  }
0x140: {  	s17 =	simm.s32 @p0 $0x50;
	s18 =	simm.s32 @p0 $0x7620;
	s16 =	sadd.s32 @p0 $0x2940, s16  }
0x141: {  	[spmem:s1] =	stream.indirect.scatter.add.f32 @p0 [tilespmem:s18], [sflag:$0x8], $0x40, s16, s17, $0xb8;
	[tilespmem:$0x16620] =	vst v63  }
0x142: {  	s16 =	simm.s32 @!p0 $0x6  }
0x143: {  	_ =	swait.ge @!p0 [sflag:s16], $0x1400  }
0x144: {  	[sflag:s16] =	ssyncset.done @!p0 $0x0  }
0x145: {  	[sflag:s16] =	ssyncadd.s32 @!p0 $0xFFFFEC00;
	s16 =	sshra.s32 @!p0 s14, $0x2  }
0x146: {  	s19 =	simm.s32 @!p0 $0x4E20;
	s18 =	simm.s32 @!p0 $0x50;
	s17 =	sadd.s32 @!p0 $0x320, s16  }
0x147: {  	[tilespmem:s19], [sflag:$0x1] =	stream.indirect.gather @!p0 [hbm4b:s5+s18], $0x40, s17, s18, $0xb8;
	[tilespmem:$0x16620] =	vst v63  }
0x148: {  	s17 =	simm.s32 @!p0 $0x3  }
0x149: {  	_ =	swait.ge @!p0 [sflag:s17], $0x1400  }
0x14a: {  	[sflag:s17] =	ssyncset.done @!p0 $0x0  }
0x14b: {  	s19 =	simm.s32 @!p0 $0x7620;
	[sflag:s17] =	ssyncadd.s32 @!p0 $0xFFFFEC00;
	s17 =	sadd.s32 @!p0 $0x2940, s16  }
0x14c: {  	[spmem:s1] =	stream.indirect.scatter.add.f32 @!p0 [tilespmem:s19], [sflag:$0x8], $0x40, s17, s18, $0xb8;
	[tilespmem:$0x16620] =	vst v63  }
0x14d: {  	s17 =	simm.s32 @!p0 $0x7  }
0x14e: {  	_ =	swait.ge @!p0 [sflag:s17], $0x1400  }
0x14f: {  	[sflag:s17] =	ssyncset.done @!p0 $0x0  }
0x150: {  	s16 =	sadd.s32 @!p0 $0x370, s16;
	[sflag:s17] =	ssyncadd.s32 @!p0 $0xFFFFEC00;
	s17 =	simm.s32 @!p0 $0x6220  }
0x151: {  	[tilespmem:s17], [sflag:$0x2] =	stream.indirect.gather @!p0 [hbm4b:s5+s18], $0x40, s16, s18, $0xb8;
	[tilespmem:$0x16620] =	vst v63  }
.Ltmp5:
0x152: {  	_ = 	snop;
	(pc) =	sbr.rel @p0 .LBB2_9-.Ltmp5, $4  }
0x153: {  	_ =	swait.ge [sflag:s0], $0x1400  }
0x154: {  	[sflag:s0] =	ssyncset.done $0x0  }
0x155: {  	s19 =	sadd.s32 $0x2990, s15;
	s16 =	sadd.s32 $0x29E0, s15;
	[sflag:s0] =	ssyncadd.s32 $0xFFFFEC00  }
0x156: {  	[spmem:s1] =	stream.indirect.scatter.add.f32 [tilespmem:s30], [sflag:$0x9], $0x40, s19, s23, $0xb8;
	[tilespmem:$0x16620] =	vst v63  }
0x157: {  	_ =	swait.ge [sflag:s9], $0x1400  }
0x158: {  	[sflag:s9] =	ssyncset.done $0x0  }
0x159: {  	s17 =	sadd.s32 $0x3C0, s15;
	[sflag:s9] =	ssyncadd.s32 $0xFFFFEC00  }
0x15a: {  	[tilespmem:s28], [sflag:$0x3] =	stream.indirect.gather [hbm4b:s5+s23], $0x40, s17, s23, $0xb8;
	[tilespmem:$0x16620] =	vst v63  }
0x15b: {  	_ =	swait.ge [sflag:s29], $0x1400  }
0x15c: {  	[sflag:s29] =	ssyncset.done $0x0  }
0x15d: {  	[sflag:s29] =	ssyncadd.s32 $0xFFFFEC00  }
0x15e: {  	[spmem:s1] =	stream.indirect.scatter.add.f32 [tilespmem:s2], [sflag:$0xA], $0x40, s16, s23, $0xb8;
	[tilespmem:$0x16620] =	vst v63  }
.Ltmp6:
0x15f: {  	_ = 	snop;
	(pc) =	sbr.rel .LBB2_7-.Ltmp6, $4  }
0x160: {  	_ =	swait.ge [sflag:s12], $0x1400  }
0x161: {  	[sflag:s12] =	ssyncset.done $0x0  }
0x162: {  	s19 =	sadd.s32 $0x410, s15;
	s14 =	sadd.s32 $0x640, s14;
	[sflag:s12] =	ssyncadd.s32 $0xFFFFEC00  }
0x163: {  	[tilespmem:s30], [sflag:$0x4] =	stream.indirect.gather [hbm4b:s5+s23], $0x40, s19, s23, $0xb8;
	[tilespmem:$0x16620] =	vst v63  }
.LBB2_10:
0x164: {  	_ =	sfence.sel $0x180000  }
0x165: {  	[bflag:$0x0] =	sbarrier.arrive $0xFFFF  }
0x166: {  	_ =	strace $0x9000004A  }
0x167: {  	s0 =	stileid.u32;
	[bflag:$0x2] =	sbarrier.arrive $0xFFFF  }
0x168: {  	p0 =	sne.s32 s0, $0x0;
	s0 =	rddreg [dreg:$0x2]  }
0x169: {  	s0 =	sadd.s32 @!p0 $0x100000, s0  }
0x16a: {  	[sflag:s0] =	ssyncadd.tile.s32 @!p0 $0x1;
	_ =	shalt  }
.Lfunc_end2:
_tile_overlayer_lowered:
.L_overlay_start_2:
0x16b: {  	(tag) =	ssettag $0x2  }
0x16c: {  	s0 =	rddreg [dreg:$0x0];
	s2 =	stileid.u32  }
0x16d: {  	s1 =	rddreg [dreg:$0x1];
	p0 =	sne.s32 s2, $0x0  }
0x16e: {  	s3 =	rddreg [dreg:$0x2];
	[bflag:$0x3] =	sbarrier.arrive $0xFFFF;
	s2 =	simm.s32 @!p0 $0x1C0B  }
0x16f: {  	[timem:s3], [sflag:s2] =	dma.local @!p0 [hbm:s0], s1  }
0x170: {  	s0 =	simm.s32 @!p0 $0xB  }
0x171: {  	_ =	swait.ge @!p0 [sflag:s0], s1  }
0x172: {  	s1 =	ssub.s32 @!p0 $0x0, s1;
	[sflag:s0] =	ssyncset.done @!p0 $0x0  }
0x173: {  	[sflag:s0] =	ssyncadd.s32 @!p0 s1  }
0x174: {  	[bflag:$0x3] =	sbarrier.arrive $0xFFFF  }
0x175: {  	_ =	shalt  }

// kernel: kernel.14.cloned.1.call-start
scs
__scs_entry_jumppad:
0x0: {  	(pc) =	sbr.rel $0x88, $3  }
0x1: {  	(tag) =	ssettag $0x0;
	lr =	simm.s32 $0x1  }
0x2: {  	[smem:$0x3F97] =	sst lr;
	_ =	strace $0xD0000000  }
0x3: {  	_ = 	snop  }
0x4: {  	_ = 	snop  }
0x5: {  	_ = 	snop  }
0x6: {  	_ = 	snop  }
0x7: {  	_ = 	snop  }
__scs_overlays_trampoline_lowered:
0x8: {  	[smem:$0x3FA6] =	sst s0  }
0x9: {  	[smem:$0x3FA7] =	sst s1  }
0xa: {  	[smem:$0x3FA8] =	sst s2  }
0xb: {  	[smem:$0x3FA9] =	sst s3  }
0xc: {  	[smem:$0x3FAA] =	sst s4  }
0xd: {  	[smem:$0x3FAB] =	sst s5  }
0xe: {  	[smem:$0x3FAC] =	sst s6  }
0xf: {  	[smem:$0x3FAD] =	sst s7  }
0x10: {  	[smem:$0x3FAE] =	sst s8  }
0x11: {  	[smem:$0x3FAF] =	sst s9;
	s0 =	simm.s32 @!p0 $0x0  }
0x12: {  	s1 =	sld [smem:$0x3F95];
	s0 =	simm.s32 @p0 $0x1  }
0x13: {  	[smem:$0x3FB0] =	sst s0;
	s0 =	simm.s32 @!p1 $0x0  }
0x14: {  	s2 =	sld [smem:$0x3F94];
	s0 =	simm.s32 @p1 $0x1  }
0x15: {  	[smem:$0x3FB1] =	sst s0;
	s0 =	simm.s32 @!p2 $0x0  }
0x16: {  	s3 =	sld [smem:$0x3FDB];
	s0 =	simm.s32 @p2 $0x1  }
0x17: {  	s4 =	simm.s32 $0x1BF5;
	[smem:$0x3FB3] =	sst s0  }
0x18: {  	s0 =	sld [smem:$0x3F96];
	_ =	swait.ge [sflag:s4], $0x0  }
0x19: {  	s7 =	sld [smem:$0x3F97]  }
0x1a: {  	s8 =	sadd.s32 $0xFFFFE003, lr  }
0x1b: {  	s9 =	sadd.s32 $0xFFFFFEF7, lr;
	s5 =	simm.s32 $0xFFFFFFFF;
	p2 =	slt.u32 s8, $0xFFFFF086  }
0x1c: {  	p1 =	slt.u32 s9, $0xF7A;
	s5 =	simm.s32 @!p2 $0x0  }
0x1d: {  	s5 =	simm.s32 @p1 $0x1;
	p0 =	seq.s32 s7, s2  }
0x1e: {  	s7 =	smul.u32 @!p0 $0xF7A, s2;
	p2 =	seq.s32 @!p0 s5, $0x0  }
0x1f: {  	s9 =	smul.u32 $0xF7A, s1;
	s8 =	simm.s32 @!p0 $0x1BF5;
	p2 =	por !p2, p0  }
0x20: {  	[sflag:s8] =	ssyncset.s32 @!p0 $0xFFFFF086;
	s6 =	sadd.s32 @!p0 s3, s7;
	s7 =	simm.s32 @!p0 $0x108  }
0x21: {  	s3 =	sadd.s32 s3, s9;
	s6 =	sadd.s32 @!p0 $0x88, s6;
	s7 =	simm.s32 @p2 $0x1082  }
0x22: {  	[simem:s7], [sflag:s8] =	dma.local @!p0 [hbm:s6], $0xF7A  }
0x23: {  	s9 =	sor.u32 $0xD0000000, s2;
	s6 =	simm.s32 $0x108;
	_ =	swait.ge @!p0 [sflag:s8], $0x0  }
0x24: {  	s3 =	sadd.s32 $0x88, s3;
	s6 =	simm.s32 @!p1 $0x1082;
	[sflag:s4] =	ssyncset.s32 $0xFFFFF086  }
0x25: {  	[simem:s6], [sflag:s4] =	dma.local [hbm:s3], $0xF7A  }
0x26: {  	[smem:$0x3F97] =	sst s1;
	(tag) =	ssettag s2;
	_ =	strace s9  }
0x27: {  	s1 =	sld [smem:$0x3FA7]  }
0x28: {  	s2 =	sld [smem:$0x3FA8]  }
0x29: {  	s4 =	sld [smem:$0x3FAA]  }
0x2a: {  	p0 =	seq.s32 s5, $0x0;
	s5 =	sld [smem:$0x3FAB]  }
0x2b: {  	s6 =	sld [smem:$0x3FAC]  }
0x2c: {  	s7 =	sld [smem:$0x3FAD]  }
0x2d: {  	s3 =	simm.s32 $0x108;
	s8 =	sld [smem:$0x3FAE]  }
0x2e: {  	s3 =	simm.s32 @!p0 $0x1082;
	s9 =	sld [smem:$0x3FAF]  }
0x2f: {  	lr =	sadd.s32 s0, s3;
	s0 =	sld [smem:$0x3FA6]  }
0x30: {  	s3 =	sld [smem:$0x3FA9]  }
0x31: {  	[smem:$0x3FB2] =	sst s10  }
0x32: {  	s10 =	sld [smem:$0x3FB0];
	_ =	sdelay $0x3  }
0x33: {  	p0 =	seq.s32 s10, $0x1;
	s10 =	sld [smem:$0x3FB2];
	_ =	sdelay $0x3  }
0x34: {  	[smem:$0x3FB2] =	sst s10  }
0x35: {  	s10 =	sld [smem:$0x3FB1];
	_ =	sdelay $0x3  }
0x36: {  	p1 =	seq.s32 s10, $0x1;
	s10 =	sld [smem:$0x3FB2];
	_ =	sdelay $0x3  }
0x37: {  	[smem:$0x3FB2] =	sst s10  }
0x38: {  	s10 =	sld [smem:$0x3FB3]  }
0x39: {  	_ = 	snop;
	(pc) =	sbr.ind lr, $3  }
0x3a: {  	_ = 	snop  }
0x3b: {  	_ = 	snop  }
0x3c: {  	p2 =	seq.s32 s10, $0x1;
	s10 =	sld [smem:$0x3FB2]  }
0x3d: {  	_ =	shalt  }
0x3e: {  	_ =	shalt  }
0x3f: {  	_ =	shalt  }
0x40: {  	_ =	shalt  }
0x41: {  	_ =	shalt  }
0x42: {  	_ =	shalt  }
0x43: {  	_ =	shalt  }
0x44: {  	_ =	shalt  }
0x45: {  	_ =	shalt  }
0x46: {  	_ =	shalt  }
0x47: {  	_ =	shalt  }
0x48: {  	_ =	shalt  }
0x49: {  	_ =	shalt  }
0x4a: {  	_ =	shalt  }
0x4b: {  	_ =	shalt  }
0x4c: {  	_ =	shalt  }
0x4d: {  	_ =	shalt  }
0x4e: {  	_ =	shalt  }
0x4f: {  	_ =	shalt  }
0x50: {  	_ =	shalt  }
0x51: {  	_ =	shalt  }
0x52: {  	_ =	shalt  }
0x53: {  	_ =	shalt  }
0x54: {  	_ =	shalt  }
0x55: {  	_ =	shalt  }
0x56: {  	_ =	shalt  }
0x57: {  	_ =	shalt  }
0x58: {  	_ =	shalt  }
0x59: {  	_ =	shalt  }
0x5a: {  	_ =	shalt  }
0x5b: {  	_ =	shalt  }
0x5c: {  	_ =	shalt  }
0x5d: {  	_ =	shalt  }
0x5e: {  	_ =	shalt  }
0x5f: {  	_ =	shalt  }
0x60: {  	_ =	shalt  }
0x61: {  	_ =	shalt  }
0x62: {  	_ =	shalt  }
0x63: {  	_ =	shalt  }
0x64: {  	_ =	shalt  }
0x65: {  	_ =	shalt  }
0x66: {  	_ =	shalt  }
0x67: {  	_ =	shalt  }
0x68: {  	_ =	shalt  }
0x69: {  	_ =	shalt  }
0x6a: {  	_ =	shalt  }
0x6b: {  	_ =	shalt  }
0x6c: {  	_ =	shalt  }
0x6d: {  	_ =	shalt  }
0x6e: {  	_ =	shalt  }
0x6f: {  	_ =	shalt  }
0x70: {  	_ =	shalt  }
0x71: {  	_ =	shalt  }
0x72: {  	_ =	shalt  }
0x73: {  	_ =	shalt  }
0x74: {  	_ =	shalt  }
0x75: {  	_ =	shalt  }
0x76: {  	_ =	shalt  }
0x77: {  	_ =	shalt  }
0x78: {  	_ =	shalt  }
0x79: {  	_ =	shalt  }
0x7a: {  	_ =	shalt  }
0x7b: {  	_ =	shalt  }
0x7c: {  	_ =	shalt  }
0x7d: {  	_ =	shalt  }
0x7e: {  	_ =	shalt  }
0x7f: {  	_ =	shalt  }
0x80: {  	_ =	shalt  }
0x81: {  	_ =	shalt  }
0x82: {  	_ =	shalt  }
0x83: {  	_ =	shalt  }
0x84: {  	_ =	shalt  }
0x85: {  	_ =	shalt  }
0x86: {  	_ =	shalt  }
0x87: {  	_ =	shalt  }
.Lfunc_end0:
.L_simem_size_0:
called_computation.2_lowered:
.L_overlay_start_0:
0x88: {  	s2 =	sld [smem:$0x3FD9]  }
0x89: {  	s3 =	sld [smem:$0x3FFE];
	_ =	sdelay $0x1  }
0x8a: {  	s1 =	srdreg.scid  }
0x8b: {  	s0 =	sand.u32 $0x1, s1  }
0x8c: {  	s16 =	sshll.u32 s0, $0xA;
	s2 =	sadd.s32 s3, s2  }
0x8d: {  	s2 =	sadd.s32 s2, s16  }
0x8e: {  	[smem:$0x3FBE] =	sst s2  }
0x8f: {  	_ = 	snop  }
0x90: {  	(tm) =	ssettm $0x1  }
0x91: {  	s17 =	sld [smem:$0x3FFB];
	_ =	sdelay $0x3  }
0x92: {  	_ =	strace s17  }
0x93: {  	s2 =	sld [smem:$0x3FFC];
	_ =	sdelay $0x3  }
0x94: {  	_ =	strace s2  }
0x95: {  	s2 =	sld [smem:$0x3FFD];
	_ =	sdelay $0x3  }
0x96: {  	_ =	strace s2  }
0x97: {  	_ =	strace $0x8FFFFFFF  }
0x98: {  	s18 =	sld [smem:$0x3FDB];
	_ =	sdelay $0x1  }
0x99: {  	s19 =	simm.s32 $_scs_section_size  }
0x9a: {  	s4 =	simm.s32 $_size__tile_overlayer_lowered;
	s5 =	simm.s32 $_tile_overlayer_lowered  }
0x9b: {  	s22 =	simm.s32 $0x1BFF;
	s21 =	sshll.u32 s5, $0x1;
	s2 =	sadd.s32 s19, s18  }
0x9c: {  	s6 =	simm.s32 $0x0;
	s20 =	sshll.u32 s4, $0x1;
	s4 =	sadd.s32 s21, s2  }
0x9d: {  	[timem:s6], [sflag:s22] =	dma.local [hbm:s4], s20  }
0x9e: {  	_ =	swait.ge [sflag:s22], s20  }
0x9f: {  	s3 =	ssub.s32 $0x0, s20;
	[sflag:s22] =	ssyncset.done $0x0  }
0xa0: {  	[sflag:s22] =	ssyncadd.s32 s3;
	_ =	sdelay $0x1  }
0xa1: {  	s23 =	simm.s32 $0x1B8B  }
0xa2: {  	_ =	swait.ge [sflag:s23], $0x1  }
0xa3: {  	[sflag:s23] =	ssyncset.done $0x0  }
0xa4: {  	s25 =	simm.s32 $0x1B8E;
	s24 =	sld [smem:$0x3FFE];
	[sflag:s23] =	ssyncadd.s32 $0xFFFFFFFF  }
0xa5: {  	s26 =	simm.s32 $execute0_lowered;
	[smem:$0x3FD2] =	sst s25  }
0xa6: {  	s4 =	sshll.u32 s26, $0x1;
	_ =	strace $0x8000004C;
	[dreg:$0x1] =	wrdreg $0xFFFFFFFF  }
0xa7: {  	s28 =	simm.s32 $_size_execute0_lowered;
	s2 =	sadd.s32 s2, s4;
	[dreg:$0x0] =	wrdreg $0x0  }
0xa8: {  	s4 =	sshll.u32 s28, $0x1;
	[dreg:$0x2] =	wrdreg s2  }
0xa9: {  	[dreg:$0x3] =	wrdreg s4  }
0xaa: {  	[dreg:$0x4] =	wrdreg $0xC0  }
0xab: {  	_ =	task [dreg:s6], $0x5FFFF  }
0xac: {  	[dreg:$0x1] =	wrdreg $0xFFFFFFFF  }
0xad: {  	[dreg:$0x0] =	wrdreg $0x60  }
0xae: {  	[dreg:$0x2] =	wrdreg s24  }
0xaf: {  	[dreg:$0x3] =	wrdreg $0xC6200  }
0xb0: {  	[dreg:$0x4] =	wrdreg $0x9  }
0xb1: {  	_ =	task.clear_ibuf [dreg:s6], $0x5FFFF;
	_ =	strace $0x9000004C  }
0xb2: {  	s29 =	simm.s32 $0x9;
	_ =	strace $0x8000004E  }
0xb3: {  	_ =	swait.ge [sflag:s29], $0x1  }
0xb4: {  	[sflag:s29] =	ssyncadd.s32 $0xFFFFFFFF  }
0xb5: {  	_ =	strace $0x9000004E  }
0xb6: {  	_ =	sfence  }
0xb7: {  	s30 =	sld [smem:$0x0];
	_ =	sdelay $0x2  }
0xb8: {  	s31 =	sshll.u32 s1, $0xD;
	s1 =	sshrl.u32 s1, $0x2  }
0xb9: {  	s3 =	sand.u32 $0x4000, s31;
	s1 =	sadd.s32 s1, s30  }
0xba: {  	s0 =	sor.u32 s3, s0;
	s1 =	sshll.u32 s1, $0x11  }
0xbb: {  	s0 =	sor.u32 s1, s0  }
0xbc: {  	s0 =	sadd.s32 $0x8F2B, s0  }
0xbd: {  	[sflag:s0] =	ssyncadd.remote.s32 $0x1  }
0xbe: {  	_ =	sfence.sel $0xFFFF  }
0xbf: {  	[dreg:$0x0] =	wrdreg $0xFFFFFFFF;
	(pc) =	sbr.abs _section_cstart, $3  }
0xc0: {  	[dreg:$0x1] =	wrdreg $0xFFFFFFFF  }
0xc1: {  	_ =	task.clear_ibuf [dreg:s6], $0x2FFFF;
	_ =	strace $0x9FFFFFFF  }
0xc2: {  	(tm) =	ssettm $0x7FFFFFFF  }
0xc3: {  	_ =	shalt  }
tec
execute0_lowered:
.L_overlay_start_1:
0x0: {  	(tag) =	ssettag $0x1  }
0x1: {  	s0 =	rddreg [dreg:$0x0]  }
0x2: {  	s1 =	rddreg [dreg:$0x1]  }
0x3: {  	s2 =	srdreg.scid;
	s3 =	simm.s32 $0x0;
	s9 =	stileid.u32  }
0x4: {  	s19 =	simm.s32 $0xB220;
	s20 =	simm.s32 $0x50;
	s21 =	simm.s32 $0x4E20  }
0x5: {  	s28 =	simm.s32 $0x8A20;
	s29 =	simm.s32 $0x1;
	s31 =	simm.s32 $0x9E20  }
0x6: {  	s30 =	simm.s32 $0x3;
	s2 =	sand.u32 $0x1, s2;
	s7 =	smul.u32 $0xA000, s9  }
0x7: {  	[smem:$0x7FF] =	sst s3;
	s4 =	sadd.s32 $0x15A00, s0;
	s5 =	smul.u32 $0xA0000, s2  }
0x8: {  	s6 =	sshll.u32 s2, $0x4;
	_ =	strace $0x8000004D;
	s2 =	ssub.s32 $0x2, s2  }
0x9: {  	s6 =	sor.u32 s9, s6;
	s8 =	sshrl.u32 s2, $0x1;
	s9 =	smul.u32 $0x28000, s9  }
0xa: {  	s18 =	sadd.s32 s7, s1;
	s6 =	smul.u32 $0x4E2, s6;
	s5 =	sadd.s32 s7, s5  }
0xb: {  	s2 =	ssub.s32 s2, s8;
	s7 =	simm.s32 $0x9;
	s5 =	sshrl.u32 s5, $0x3  }
0xc: {  	s17 =	sshrl.u32 s9, $0x2;
	s2 =	smax.u32 s2, $0x1;
	s6 =	sadd.s32 s6, s0  }
0xd: {  	s9 =	simm.s32 $0xA;
	[dreg:$0x6] =	wrdreg s2;
	s15 =	sadd.s32 $0x1E00, s6  }
0xe: {  	s0 =	sadd.s32 s5, s0;
	s16 =	sadd.s32 $0xBC00, s6;
	[dreg:$0x3] =	wrdreg s15  }
0xf: {  	s8 =	sadd.s32 s17, s1;
	s0 =	sadd.s32 $0x29400, s0;
	[dreg:$0x4] =	wrdreg s16  }
0x10: {  	s17 =	simm.s32 $0xB;
	s22 =	sadd.s32 $0x1400, s8;
	[dreg:$0x5] =	wrdreg s0  }
0x11: {  	s2 =	simm.s32 $0x4;
	s23 =	sadd.s32 $0x2800, s8;
	[dreg:$0x7] =	wrdreg s22  }
0x12: {  	s5 =	simm.s32 $0x8;
	s24 =	sadd.s32 $0x3C00, s8;
	[dreg:$0x8] =	wrdreg s23  }
.Ltmp0:
0x13: {  	s25 =	sadd.s32 $0x5000, s8;
	[dreg:$0x9] =	wrdreg s24;
	(pc) =	sbr.rel .LBB2_1-.Ltmp0, $4  }
0x14: {  	s26 =	sadd.s32 $0x6400, s8;
	s6 =	simm.s32 $0x5;
	[dreg:$0xa] =	wrdreg s25  }
0x15: {  	[dreg:$0xb] =	wrdreg s26;
	s15 =	sadd.s32 $0x7800, s8;
	s16 =	sadd.s32 $0x8C00, s8  }
0x16: {  	s22 =	simm.s32 $0x6220;
	s24 =	simm.s32 $0x7620;
	s25 =	sshrl.u32 s18, $0x3  }
0x17: {  	v0 =	vimm.f32 $0.0e+00;
	s0 =	simm.s32 $0x2;
	s23 =	simm.s32 $0x6;
	s26 =	simm.s32 $0x7  }
.LBB2_6:
0x18: {  	_ =	swait.ge [sflag:s6], $0x1400  }
0x19: {  	[sflag:s6] =	ssyncset.done $0x0  }
0x1a: {  	[sflag:s6] =	ssyncadd.s32 $0xFFFFEC00  }
0x1b: {  	[spmem:s1] =	stream.indirect.scatter.add.f32 [tilespmem:s31], [sflag:$0xA], $0x40, s12, s20, $0xb8;
	[tilespmem:$0x16620] =	vst v63  }
0x1c: {  	_ =	swait.ge [sflag:s23], $0x1400  }
0x1d: {  	[sflag:s23] =	ssyncset.done $0x0  }
0x1e: {  	[sflag:s23] =	ssyncadd.s32 $0xFFFFEC00  }
0x1f: {  	_ =	swait.ge [sflag:s26], $0x1400  }
0x20: {  	[sflag:s26] =	ssyncset.done $0x0  }
0x21: {  	[sflag:s26] =	ssyncadd.s32 $0xFFFFEC00  }
0x22: {  	_ =	swait.ge [sflag:s5], $0x1400  }
0x23: {  	[sflag:s5] =	ssyncset.done $0x0  }
0x24: {  	[sflag:s5] =	ssyncadd.s32 $0xFFFFEC00  }
0x25: {  	_ =	swait.ge [sflag:s7], $0x1400  }
0x26: {  	[sflag:s7] =	ssyncset.done $0x0  }
0x27: {  	[sflag:s7] =	ssyncadd.s32 $0xFFFFEC00  }
0x28: {  	_ =	swait.ge [sflag:s9], $0x1400  }
0x29: {  	[sflag:s9] =	ssyncset.done $0x0  }
0x2a: {  	s10 =	stileid.u32;
	[sflag:s9] =	ssyncadd.s32 $0xFFFFEC00  }
0x2b: {  	s10 =	sshll.u32 s10, $0x6;
	[bflag:$0x0] =	sbarrier.arrive $0xFFFF  }
0x2c: {  	s10 =	sor.u32 $0x1C0B, s10;
	s11 =	rddreg [dreg:$0x5]  }
0x2d: {  	[hbm:s11], [sflag:s10] =	dma.local [spmem:s25], $0x1400  }
0x2e: {  	_ =	swait.ge [sflag:s17], $0x1400  }
0x2f: {  	s3 =	sadd.s32 $0x1, s3;
	s18 =	rddreg [dreg:$0x6]  }
0x30: {  	p0 =	sne.s32 s3, s18  }
.Ltmp1:
0x31: {  	_ = 	snop;
	(pc) =	sbr.rel @!p0 .LBB2_7-.Ltmp1, $3  }
0x32: {  	_ =	sdelay $0x1  }
0x33: {  	[sflag:s17] =	ssyncset.done $0x0  }
0x34: {  	[sflag:s17] =	ssyncadd.s32 $0xFFFFEC00  }
.LBB2_1:
0x35: {  	s11 =	simm.s32 $0x100;
	s10 =	simm.s32 $0x0  }
.LBB2_2:
0x36: {  	p0 =	sne.s32 s11, $0x4F00;
	[tilespmem:s10+$0xB250] =	vst v0;
	s12 =	smov.u32 s11;
	s11 =	sadd.s32 $0x100, s11  }
.Ltmp2:
0x37: {  	[tilespmem:s10+$0xB240] =	vst v0;
	(pc) =	sbr.rel @p0 .LBB2_2-.Ltmp2, $3  }
0x38: {  	[tilespmem:s10+$0xB220] =	vst v0  }
0x39: {  	[tilespmem:s10+$0xB230] =	vst v0;
	_ =	sdelay $0x1  }
0x3a: {  	s10 =	sshra.s32 s12, $0x2  }
0x3b: {  	[tilespmem:s10+$0xB250] =	vst v0  }
0x3c: {  	[tilespmem:s10+$0xB240] =	vst v0  }
0x3d: {  	[tilespmem:s10+$0xB220] =	vst v0  }
0x3e: {  	[tilespmem:s10+$0xB230] =	vst v0;
	s10 =	simm.s32 $0x0;
	s11 =	rddreg [dreg:$0x3]  }
0x3f: {  	[tilespmem:s10], [sflag:$0xB] =	stream.linear.gather [hbm4b:s11+s10], $0x2710, $0x38;
	[tilespmem:$0x16620] =	vst v63  }
0x40: {  	_ =	swait.ge [sflag:s17], $0x2710  }
0x41: {  	[sflag:s17] =	ssyncset.done $0x0  }
0x42: {  	s12 =	simm.s32 $0x2710;
	s13 =	rddreg [dreg:$0x4];
	[sflag:s17] =	ssyncadd.s32 $0xFFFFD8F0  }
0x43: {  	[tilespmem:s12], [sflag:$0xB] =	stream.linear.gather [hbm4b:s13+s10], $0x2710, $0x38;
	[tilespmem:$0x16620] =	vst v63  }
0x44: {  	_ =	swait.ge [sflag:s17], $0x2710  }
0x45: {  	[sflag:s17] =	ssyncset.done $0x0  }
0x46: {  	[sflag:s17] =	ssyncadd.s32 $0xFFFFD8F0  }
0x47: {  	[spmem:s8] =	stream.linear.scatter [tilespmem:s19], [sflag:$0xB], $0x1400, $0x38;
	[tilespmem:$0x16620] =	vst v63  }
0x48: {  	_ =	swait.ge [sflag:s17], $0x1400  }
0x49: {  	[sflag:s17] =	ssyncset.done $0x0  }
0x4a: {  	s14 =	rddreg [dreg:$0x7];
	[sflag:s17] =	ssyncadd.s32 $0xFFFFEC00  }
0x4b: {  	[spmem:s14] =	stream.linear.scatter [tilespmem:s19], [sflag:$0xB], $0x1400, $0x38;
	[tilespmem:$0x16620] =	vst v63  }
0x4c: {  	_ =	swait.ge [sflag:s17], $0x1400  }
0x4d: {  	[sflag:s17] =	ssyncset.done $0x0  }
0x4e: {  	s18 =	rddreg [dreg:$0x8];
	[sflag:s17] =	ssyncadd.s32 $0xFFFFEC00  }
0x4f: {  	[spmem:s18] =	stream.linear.scatter [tilespmem:s19], [sflag:$0xB], $0x1400, $0x38;
	[tilespmem:$0x16620] =	vst v63  }
0x50: {  	_ =	swait.ge [sflag:s17], $0x1400  }
0x51: {  	[sflag:s17] =	ssyncset.done $0x0  }
0x52: {  	s13 =	rddreg [dreg:$0x9];
	[sflag:s17] =	ssyncadd.s32 $0xFFFFEC00  }
0x53: {  	[spmem:s13] =	stream.linear.scatter [tilespmem:s19], [sflag:$0xB], $0x1400, $0x38;
	[tilespmem:$0x16620] =	vst v63  }
0x54: {  	_ =	swait.ge [sflag:s17], $0x1400  }
0x55: {  	[sflag:s17] =	ssyncset.done $0x0  }
0x56: {  	s14 =	rddreg [dreg:$0xa];
	[sflag:s17] =	ssyncadd.s32 $0xFFFFEC00  }
0x57: {  	[spmem:s14] =	stream.linear.scatter [tilespmem:s19], [sflag:$0xB], $0x1400, $0x38;
	[tilespmem:$0x16620] =	vst v63  }
0x58: {  	_ =	swait.ge [sflag:s17], $0x1400  }
0x59: {  	[sflag:s17] =	ssyncset.done $0x0  }
0x5a: {  	s18 =	rddreg [dreg:$0xb];
	[sflag:s17] =	ssyncadd.s32 $0xFFFFEC00  }
0x5b: {  	[spmem:s18] =	stream.linear.scatter [tilespmem:s19], [sflag:$0xB], $0x1400, $0x38;
	[tilespmem:$0x16620] =	vst v63  }
0x5c: {  	_ =	swait.ge [sflag:s17], $0x1400  }
0x5d: {  	[sflag:s17] =	ssyncset.done $0x0  }
0x5e: {  	[sflag:s17] =	ssyncadd.s32 $0xFFFFEC00  }
0x5f: {  	[spmem:s15] =	stream.linear.scatter [tilespmem:s19], [sflag:$0xB], $0x1400, $0x38;
	[tilespmem:$0x16620] =	vst v63  }
0x60: {  	_ =	swait.ge [sflag:s17], $0x1400  }
0x61: {  	[sflag:s17] =	ssyncset.done $0x0  }
0x62: {  	[sflag:s17] =	ssyncadd.s32 $0xFFFFEC00  }
0x63: {  	[spmem:s16] =	stream.linear.scatter [tilespmem:s19], [sflag:$0xB], $0x1400, $0x38;
	[tilespmem:$0x16620] =	vst v63  }
0x64: {  	_ =	swait.ge [sflag:s17], $0x1400  }
0x65: {  	[sflag:s17] =	ssyncset.done $0x0  }
0x66: {  	[sflag:s17] =	ssyncadd.s32 $0xFFFFEC00  }
0x67: {  	[bflag:$0x0] =	sbarrier.arrive $0xFFFF  }
0x68: {  	[tilespmem:s21], [sflag:$0x1] =	stream.indirect.gather [hbm4b:s4+s20], $0x40, s10, s20, $0xb8;
	[tilespmem:$0x16620] =	vst v63  }
0x69: {  	_ = 	snop  }
0x6a: {  	[tilespmem:s22], [sflag:$0x2] =	stream.indirect.gather [hbm4b:s4+s20], $0x40, s20, s20, $0xb8;
	[tilespmem:$0x16620] =	vst v63  }
0x6b: {  	s13 =	simm.s32 $0xA0  }
0x6c: {  	[tilespmem:s24], [sflag:$0x3] =	stream.indirect.gather [hbm4b:s4+s20], $0x40, s13, s20, $0xb8;
	[tilespmem:$0x16620] =	vst v63  }
0x6d: {  	s14 =	simm.s32 $0xF0  }
0x6e: {  	[tilespmem:s28], [sflag:$0x4] =	stream.indirect.gather [hbm4b:s4+s20], $0x40, s14, s20, $0xb8;
	[tilespmem:$0x16620] =	vst v63  }
0x6f: {  	_ =	swait.ge [sflag:s29], $0x1400  }
0x70: {  	[sflag:s29] =	ssyncset.done $0x0  }
0x71: {  	[sflag:s29] =	ssyncadd.s32 $0xFFFFEC00  }
0x72: {  	[spmem:s1] =	stream.indirect.scatter.add.f32 [tilespmem:s21], [sflag:$0x6], $0x40, s12, s20, $0xb8;
	[tilespmem:$0x16620] =	vst v63  }
0x73: {  	s18 =	simm.s32 $0x140  }
0x74: {  	[tilespmem:s31], [sflag:$0x5] =	stream.indirect.gather [hbm4b:s4+s20], $0x40, s18, s20, $0xb8;
	[tilespmem:$0x16620] =	vst v63  }
0x75: {  	_ =	swait.ge [sflag:s0], $0x1400  }
0x76: {  	[sflag:s0] =	ssyncset.done $0x0  }
0x77: {  	s12 =	simm.s32 $0x2760;
	[sflag:s0] =	ssyncadd.s32 $0xFFFFEC00  }
0x78: {  	[spmem:s1] =	stream.indirect.scatter.add.f32 [tilespmem:s22], [sflag:$0x7], $0x40, s12, s20, $0xb8;
	[tilespmem:$0x16620] =	vst v63  }
0x79: {  	_ =	swait.ge [sflag:s23], $0x1400  }
0x7a: {  	[sflag:s23] =	ssyncset.done $0x0  }
0x7b: {  	s13 =	simm.s32 $0x190;
	[sflag:s23] =	ssyncadd.s32 $0xFFFFEC00  }
0x7c: {  	[tilespmem:s21], [sflag:$0x1] =	stream.indirect.gather [hbm4b:s4+s20], $0x40, s13, s20, $0xb8;
	[tilespmem:$0x16620] =	vst v63  }
0x7d: {  	_ =	swait.ge [sflag:s30], $0x1400  }
0x7e: {  	[sflag:s30] =	ssyncset.done $0x0  }
0x7f: {  	s14 =	simm.s32 $0x27B0;
	[sflag:s30] =	ssyncadd.s32 $0xFFFFEC00  }
0x80: {  	[spmem:s1] =	stream.indirect.scatter.add.f32 [tilespmem:s24], [sflag:$0x8], $0x40, s14, s20, $0xb8;
	[tilespmem:$0x16620] =	vst v63  }
0x81: {  	_ =	swait.ge [sflag:s26], $0x1400  }
0x82: {  	[sflag:s26] =	ssyncset.done $0x0  }
0x83: {  	s18 =	simm.s32 $0x1E0;
	[sflag:s26] =	ssyncadd.s32 $0xFFFFEC00  }
0x84: {  	[tilespmem:s22], [sflag:$0x2] =	stream.indirect.gather [hbm4b:s4+s20], $0x40, s18, s20, $0xb8;
	[tilespmem:$0x16620] =	vst v63  }
0x85: {  	_ =	swait.ge [sflag:s2], $0x1400  }
0x86: {  	[sflag:s2] =	ssyncset.done $0x0  }
0x87: {  	s12 =	simm.s32 $0x2800;
	[sflag:s2] =	ssyncadd.s32 $0xFFFFEC00  }
0x88: {  	[spmem:s1] =	stream.indirect.scatter.add.f32 [tilespmem:s28], [sflag:$0x9], $0x40, s12, s20, $0xb8;
	[tilespmem:$0x16620] =	vst v63  }
0x89: {  	_ =	swait.ge [sflag:s5], $0x1400  }
0x8a: {  	[sflag:s5] =	ssyncset.done $0x0  }
0x8b: {  	s13 =	simm.s32 $0x230;
	[sflag:s5] =	ssyncadd.s32 $0xFFFFEC00  }
0x8c: {  	[tilespmem:s24], [sflag:$0x3] =	stream.indirect.gather [hbm4b:s4+s20], $0x40, s13, s20, $0xb8;
	[tilespmem:$0x16620] =	vst v63  }
0x8d: {  	_ =	swait.ge [sflag:s6], $0x1400  }
0x8e: {  	[sflag:s6] =	ssyncset.done $0x0  }
0x8f: {  	s14 =	simm.s32 $0x2850;
	[sflag:s6] =	ssyncadd.s32 $0xFFFFEC00  }
0x90: {  	[spmem:s1] =	stream.indirect.scatter.add.f32 [tilespmem:s31], [sflag:$0xA], $0x40, s14, s20, $0xb8;
	[tilespmem:$0x16620] =	vst v63  }
0x91: {  	_ =	swait.ge [sflag:s7], $0x1400  }
0x92: {  	[sflag:s7] =	ssyncset.done $0x0  }
0x93: {  	s18 =	simm.s32 $0x280;
	[sflag:s7] =	ssyncadd.s32 $0xFFFFEC00  }
0x94: {  	[tilespmem:s28], [sflag:$0x4] =	stream.indirect.gather [hbm4b:s4+s20], $0x40, s18, s20, $0xb8;
	[tilespmem:$0x16620] =	vst v63  }
.LBB2_4:
0x95: {  	_ =	swait.ge [sflag:s29], $0x1400  }
0x96: {  	s11 =	sshra.s32 s10, $0x2;
	[sflag:s29] =	ssyncset.done $0x0  }
0x97: {  	s12 =	sadd.s32 $0x28A0, s11;
	[sflag:s29] =	ssyncadd.s32 $0xFFFFEC00  }
0x98: {  	[spmem:s1] =	stream.indirect.scatter.add.f32 [tilespmem:s21], [sflag:$0x6], $0x40, s12, s20, $0xb8;
	[tilespmem:$0x16620] =	vst v63  }
0x99: {  	_ =	swait.ge [sflag:s9], $0x1400  }
0x9a: {  	[sflag:s9] =	ssyncset.done $0x0  }
0x9b: {  	s13 =	sadd.s32 $0x2D0, s11;
	[sflag:s9] =	ssyncadd.s32 $0xFFFFEC00  }
0x9c: {  	[tilespmem:s31], [sflag:$0x5] =	stream.indirect.gather [hbm4b:s4+s20], $0x40, s13, s20, $0xb8;
	[tilespmem:$0x16620] =	vst v63  }
0x9d: {  	_ =	swait.ge [sflag:s0], $0x1400  }
0x9e: {  	p0 =	seq.s32 s10, $0x8FC0;
	[sflag:s0] =	ssyncset.done $0x0  }
0x9f: {  	s14 =	sadd.s32 $0x28F0, s11;
	s12 =	simm.s32 @p0 $0x3;
	[sflag:s0] =	ssyncadd.s32 $0xFFFFEC00  }
0xa0: {  	[spmem:s1] =	stream.indirect.scatter.add.f32 [tilespmem:s22], [sflag:$0x7], $0x40, s14, s20, $0xb8;
	[tilespmem:$0x16620] =	vst v63  }
0xa1: {  	_ =	swait.ge @p0 [sflag:s12], $0x1400  }
0xa2: {  	[sflag:s12] =	ssyncset.done @p0 $0x0  }
0xa3: {  	[sflag:s12] =	ssyncadd.s32 @p0 $0xFFFFEC00;
	s12 =	sshra.s32 @p0 s10, $0x2  }
0xa4: {  	s18 =	simm.s32 @p0 $0x7620;
	s13 =	simm.s32 @p0 $0x50;
	s12 =	sadd.s32 @p0 $0x2940, s12  }
0xa5: {  	[spmem:s1] =	stream.indirect.scatter.add.f32 @p0 [tilespmem:s18], [sflag:$0x8], $0x40, s12, s13, $0xb8;
	[tilespmem:$0x16620] =	vst v63  }
0xa6: {  	s12 =	simm.s32 @!p0 $0x6  }
0xa7: {  	_ =	swait.ge @!p0 [sflag:s12], $0x1400  }
0xa8: {  	[sflag:s12] =	ssyncset.done @!p0 $0x0  }
0xa9: {  	[sflag:s12] =	ssyncadd.s32 @!p0 $0xFFFFEC00;
	s12 =	sshra.s32 @!p0 s10, $0x2  }
0xaa: {  	s14 =	simm.s32 @!p0 $0x4E20;
	s18 =	simm.s32 @!p0 $0x50;
	s13 =	sadd.s32 @!p0 $0x320, s12  }
0xab: {  	[tilespmem:s14], [sflag:$0x1] =	stream.indirect.gather @!p0 [hbm4b:s4+s18], $0x40, s13, s18, $0xb8;
	[tilespmem:$0x16620] =	vst v63  }
0xac: {  	s13 =	simm.s32 @!p0 $0x3  }
0xad: {  	_ =	swait.ge @!p0 [sflag:s13], $0x1400  }
0xae: {  	[sflag:s13] =	ssyncset.done @!p0 $0x0  }
0xaf: {  	s14 =	simm.s32 @!p0 $0x7620;
	[sflag:s13] =	ssyncadd.s32 @!p0 $0xFFFFEC00;
	s13 =	sadd.s32 @!p0 $0x2940, s12  }
0xb0: {  	[spmem:s1] =	stream.indirect.scatter.add.f32 @!p0 [tilespmem:s14], [sflag:$0x8], $0x40, s13, s18, $0xb8;
	[tilespmem:$0x16620] =	vst v63  }
0xb1: {  	s13 =	simm.s32 @!p0 $0x7  }
0xb2: {  	_ =	swait.ge @!p0 [sflag:s13], $0x1400  }
0xb3: {  	[sflag:s13] =	ssyncset.done @!p0 $0x0  }
0xb4: {  	s12 =	sadd.s32 @!p0 $0x370, s12;
	[sflag:s13] =	ssyncadd.s32 @!p0 $0xFFFFEC00;
	s13 =	simm.s32 @!p0 $0x6220  }
0xb5: {  	[tilespmem:s13], [sflag:$0x2] =	stream.indirect.gather @!p0 [hbm4b:s4+s18], $0x40, s12, s18, $0xb8;
	[tilespmem:$0x16620] =	vst v63  }
.Ltmp3:
0xb6: {  	_ = 	snop;
	(pc) =	sbr.rel @p0 .LBB2_6-.Ltmp3, $4  }
0xb7: {  	_ =	swait.ge [sflag:s2], $0x1400  }
0xb8: {  	[sflag:s2] =	ssyncset.done $0x0  }
0xb9: {  	s18 =	sadd.s32 $0x2990, s11;
	s12 =	sadd.s32 $0x29E0, s11;
	[sflag:s2] =	ssyncadd.s32 $0xFFFFEC00  }
0xba: {  	[spmem:s1] =	stream.indirect.scatter.add.f32 [tilespmem:s28], [sflag:$0x9], $0x40, s18, s20, $0xb8;
	[tilespmem:$0x16620] =	vst v63  }
0xbb: {  	_ =	swait.ge [sflag:s5], $0x1400  }
0xbc: {  	[sflag:s5] =	ssyncset.done $0x0  }
0xbd: {  	s13 =	sadd.s32 $0x3C0, s11;
	[sflag:s5] =	ssyncadd.s32 $0xFFFFEC00  }
0xbe: {  	[tilespmem:s24], [sflag:$0x3] =	stream.indirect.gather [hbm4b:s4+s20], $0x40, s13, s20, $0xb8;
	[tilespmem:$0x16620] =	vst v63  }
0xbf: {  	_ =	swait.ge [sflag:s6], $0x1400  }
0xc0: {  	[sflag:s6] =	ssyncset.done $0x0  }
0xc1: {  	[sflag:s6] =	ssyncadd.s32 $0xFFFFEC00  }
0xc2: {  	[spmem:s1] =	stream.indirect.scatter.add.f32 [tilespmem:s31], [sflag:$0xA], $0x40, s12, s20, $0xb8;
	[tilespmem:$0x16620] =	vst v63  }
.Ltmp4:
0xc3: {  	_ = 	snop;
	(pc) =	sbr.rel .LBB2_4-.Ltmp4, $4  }
0xc4: {  	_ =	swait.ge [sflag:s7], $0x1400  }
0xc5: {  	[sflag:s7] =	ssyncset.done $0x0  }
0xc6: {  	s18 =	sadd.s32 $0x410, s11;
	s10 =	sadd.s32 $0x640, s10;
	[sflag:s7] =	ssyncadd.s32 $0xFFFFEC00  }
0xc7: {  	[tilespmem:s28], [sflag:$0x4] =	stream.indirect.gather [hbm4b:s4+s20], $0x40, s18, s20, $0xb8;
	[tilespmem:$0x16620] =	vst v63  }
.LBB2_7:
0xc8: {  	_ =	sfence.sel $0x180000  }
0xc9: {  	[bflag:$0x0] =	sbarrier.arrive $0xFFFF  }
0xca: {  	_ =	strace $0x9000004D  }
0xcb: {  	s0 =	stileid.u32;
	[bflag:$0x2] =	sbarrier.arrive $0xFFFF  }
0xcc: {  	p0 =	sne.s32 s0, $0x0;
	s0 =	rddreg [dreg:$0x2]  }
0xcd: {  	s0 =	sadd.s32 @!p0 $0x100000, s0  }
0xce: {  	[sflag:s0] =	ssyncadd.tile.s32 @!p0 $0x1;
	_ =	shalt  }
.Lfunc_end2:
_tile_overlayer_lowered:
.L_overlay_start_2:
0xcf: {  	(tag) =	ssettag $0x2  }
0xd0: {  	s0 =	rddreg [dreg:$0x0];
	s2 =	stileid.u32  }
0xd1: {  	s1 =	rddreg [dreg:$0x1];
	p0 =	sne.s32 s2, $0x0  }
0xd2: {  	s3 =	rddreg [dreg:$0x2];
	[bflag:$0x3] =	sbarrier.arrive $0xFFFF;
	s2 =	simm.s32 @!p0 $0x1C0B  }
0xd3: {  	[timem:s3], [sflag:s2] =	dma.local @!p0 [hbm:s0], s1  }
0xd4: {  	s0 =	simm.s32 @!p0 $0xB  }
0xd5: {  	_ =	swait.ge @!p0 [sflag:s0], s1  }
0xd6: {  	s1 =	ssub.s32 @!p0 $0x0, s1;
	[sflag:s0] =	ssyncset.done @!p0 $0x0  }
0xd7: {  	[sflag:s0] =	ssyncadd.s32 @!p0 s1  }
0xd8: {  	[bflag:$0x3] =	sbarrier.arrive $0xFFFF  }
0xd9: {  	_ =	shalt  }

// kernel: kernel.8.cloned.1.call-start
scs
__scs_entry_jumppad:
0x0: {  	(pc) =	sbr.rel $0x88, $3  }
0x1: {  	(tag) =	ssettag $0x0;
	lr =	simm.s32 $0x1  }
0x2: {  	[smem:$0x3F97] =	sst lr;
	_ =	strace $0xD0000000  }
0x3: {  	_ = 	snop  }
0x4: {  	_ = 	snop  }
0x5: {  	_ = 	snop  }
0x6: {  	_ = 	snop  }
0x7: {  	_ = 	snop  }
__scs_overlays_trampoline_lowered:
0x8: {  	[smem:$0x3FA6] =	sst s0  }
0x9: {  	[smem:$0x3FA7] =	sst s1  }
0xa: {  	[smem:$0x3FA8] =	sst s2  }
0xb: {  	[smem:$0x3FA9] =	sst s3  }
0xc: {  	[smem:$0x3FAA] =	sst s4  }
0xd: {  	[smem:$0x3FAB] =	sst s5  }
0xe: {  	[smem:$0x3FAC] =	sst s6  }
0xf: {  	[smem:$0x3FAD] =	sst s7  }
0x10: {  	[smem:$0x3FAE] =	sst s8  }
0x11: {  	[smem:$0x3FAF] =	sst s9;
	s0 =	simm.s32 @!p0 $0x0  }
0x12: {  	s1 =	sld [smem:$0x3F95];
	s0 =	simm.s32 @p0 $0x1  }
0x13: {  	[smem:$0x3FB0] =	sst s0;
	s0 =	simm.s32 @!p1 $0x0  }
0x14: {  	s2 =	sld [smem:$0x3F94];
	s0 =	simm.s32 @p1 $0x1  }
0x15: {  	[smem:$0x3FB1] =	sst s0;
	s0 =	simm.s32 @!p2 $0x0  }
0x16: {  	s3 =	sld [smem:$0x3FDB];
	s0 =	simm.s32 @p2 $0x1  }
0x17: {  	s4 =	simm.s32 $0x1BF5;
	[smem:$0x3FB3] =	sst s0  }
0x18: {  	s0 =	sld [smem:$0x3F96];
	_ =	swait.ge [sflag:s4], $0x0  }
0x19: {  	s7 =	sld [smem:$0x3F97]  }
0x1a: {  	s8 =	sadd.s32 $0xFFFFE003, lr  }
0x1b: {  	s9 =	sadd.s32 $0xFFFFFEF7, lr;
	s5 =	simm.s32 $0xFFFFFFFF;
	p2 =	slt.u32 s8, $0xFFFFF086  }
0x1c: {  	p1 =	slt.u32 s9, $0xF7A;
	s5 =	simm.s32 @!p2 $0x0  }
0x1d: {  	s5 =	simm.s32 @p1 $0x1;
	p0 =	seq.s32 s7, s2  }
0x1e: {  	s7 =	smul.u32 @!p0 $0xF7A, s2;
	p2 =	seq.s32 @!p0 s5, $0x0  }
0x1f: {  	s9 =	smul.u32 $0xF7A, s1;
	s8 =	simm.s32 @!p0 $0x1BF5;
	p2 =	por !p2, p0  }
0x20: {  	[sflag:s8] =	ssyncset.s32 @!p0 $0xFFFFF086;
	s6 =	sadd.s32 @!p0 s3, s7;
	s7 =	simm.s32 @!p0 $0x108  }
0x21: {  	s3 =	sadd.s32 s3, s9;
	s6 =	sadd.s32 @!p0 $0x88, s6;
	s7 =	simm.s32 @p2 $0x1082  }
0x22: {  	[simem:s7], [sflag:s8] =	dma.local @!p0 [hbm:s6], $0xF7A  }
0x23: {  	s9 =	sor.u32 $0xD0000000, s2;
	s6 =	simm.s32 $0x108;
	_ =	swait.ge @!p0 [sflag:s8], $0x0  }
0x24: {  	s3 =	sadd.s32 $0x88, s3;
	s6 =	simm.s32 @!p1 $0x1082;
	[sflag:s4] =	ssyncset.s32 $0xFFFFF086  }
0x25: {  	[simem:s6], [sflag:s4] =	dma.local [hbm:s3], $0xF7A  }
0x26: {  	[smem:$0x3F97] =	sst s1;
	(tag) =	ssettag s2;
	_ =	strace s9  }
0x27: {  	s1 =	sld [smem:$0x3FA7]  }
0x28: {  	s2 =	sld [smem:$0x3FA8]  }
0x29: {  	s4 =	sld [smem:$0x3FAA]  }
0x2a: {  	p0 =	seq.s32 s5, $0x0;
	s5 =	sld [smem:$0x3FAB]  }
0x2b: {  	s6 =	sld [smem:$0x3FAC]  }
0x2c: {  	s7 =	sld [smem:$0x3FAD]  }
0x2d: {  	s3 =	simm.s32 $0x108;
	s8 =	sld [smem:$0x3FAE]  }
0x2e: {  	s3 =	simm.s32 @!p0 $0x1082;
	s9 =	sld [smem:$0x3FAF]  }
0x2f: {  	lr =	sadd.s32 s0, s3;
	s0 =	sld [smem:$0x3FA6]  }
0x30: {  	s3 =	sld [smem:$0x3FA9]  }
0x31: {  	[smem:$0x3FB2] =	sst s10  }
0x32: {  	s10 =	sld [smem:$0x3FB0];
	_ =	sdelay $0x3  }
0x33: {  	p0 =	seq.s32 s10, $0x1;
	s10 =	sld [smem:$0x3FB2];
	_ =	sdelay $0x3  }
0x34: {  	[smem:$0x3FB2] =	sst s10  }
0x35: {  	s10 =	sld [smem:$0x3FB1];
	_ =	sdelay $0x3  }
0x36: {  	p1 =	seq.s32 s10, $0x1;
	s10 =	sld [smem:$0x3FB2];
	_ =	sdelay $0x3  }
0x37: {  	[smem:$0x3FB2] =	sst s10  }
0x38: {  	s10 =	sld [smem:$0x3FB3]  }
0x39: {  	_ = 	snop;
	(pc) =	sbr.ind lr, $3  }
0x3a: {  	_ = 	snop  }
0x3b: {  	_ = 	snop  }
0x3c: {  	p2 =	seq.s32 s10, $0x1;
	s10 =	sld [smem:$0x3FB2]  }
0x3d: {  	_ =	shalt  }
0x3e: {  	_ =	shalt  }
0x3f: {  	_ =	shalt  }
0x40: {  	_ =	shalt  }
0x41: {  	_ =	shalt  }
0x42: {  	_ =	shalt  }
0x43: {  	_ =	shalt  }
0x44: {  	_ =	shalt  }
0x45: {  	_ =	shalt  }
0x46: {  	_ =	shalt  }
0x47: {  	_ =	shalt  }
0x48: {  	_ =	shalt  }
0x49: {  	_ =	shalt  }
0x4a: {  	_ =	shalt  }
0x4b: {  	_ =	shalt  }
0x4c: {  	_ =	shalt  }
0x4d: {  	_ =	shalt  }
0x4e: {  	_ =	shalt  }
0x4f: {  	_ =	shalt  }
0x50: {  	_ =	shalt  }
0x51: {  	_ =	shalt  }
0x52: {  	_ =	shalt  }
0x53: {  	_ =	shalt  }
0x54: {  	_ =	shalt  }
0x55: {  	_ =	shalt  }
0x56: {  	_ =	shalt  }
0x57: {  	_ =	shalt  }
0x58: {  	_ =	shalt  }
0x59: {  	_ =	shalt  }
0x5a: {  	_ =	shalt  }
0x5b: {  	_ =	shalt  }
0x5c: {  	_ =	shalt  }
0x5d: {  	_ =	shalt  }
0x5e: {  	_ =	shalt  }
0x5f: {  	_ =	shalt  }
0x60: {  	_ =	shalt  }
0x61: {  	_ =	shalt  }
0x62: {  	_ =	shalt  }
0x63: {  	_ =	shalt  }
0x64: {  	_ =	shalt  }
0x65: {  	_ =	shalt  }
0x66: {  	_ =	shalt  }
0x67: {  	_ =	shalt  }
0x68: {  	_ =	shalt  }
0x69: {  	_ =	shalt  }
0x6a: {  	_ =	shalt  }
0x6b: {  	_ =	shalt  }
0x6c: {  	_ =	shalt  }
0x6d: {  	_ =	shalt  }
0x6e: {  	_ =	shalt  }
0x6f: {  	_ =	shalt  }
0x70: {  	_ =	shalt  }
0x71: {  	_ =	shalt  }
0x72: {  	_ =	shalt  }
0x73: {  	_ =	shalt  }
0x74: {  	_ =	shalt  }
0x75: {  	_ =	shalt  }
0x76: {  	_ =	shalt  }
0x77: {  	_ =	shalt  }
0x78: {  	_ =	shalt  }
0x79: {  	_ =	shalt  }
0x7a: {  	_ =	shalt  }
0x7b: {  	_ =	shalt  }
0x7c: {  	_ =	shalt  }
0x7d: {  	_ =	shalt  }
0x7e: {  	_ =	shalt  }
0x7f: {  	_ =	shalt  }
0x80: {  	_ =	shalt  }
0x81: {  	_ =	shalt  }
0x82: {  	_ =	shalt  }
0x83: {  	_ =	shalt  }
0x84: {  	_ =	shalt  }
0x85: {  	_ =	shalt  }
0x86: {  	_ =	shalt  }
0x87: {  	_ =	shalt  }
.Lfunc_end0:
.L_simem_size_0:
called_computation_lowered:
.L_overlay_start_0:
0x88: {  	s2 =	sld [smem:$0x3FD9]  }
0x89: {  	s3 =	sld [smem:$0x3FFE];
	_ =	sdelay $0x1  }
0x8a: {  	s1 =	srdreg.scid  }
0x8b: {  	s0 =	sand.u32 $0x1, s1  }
0x8c: {  	s16 =	sshll.u32 s0, $0xA;
	s2 =	sadd.s32 s3, s2  }
0x8d: {  	s2 =	sadd.s32 s2, s16  }
0x8e: {  	[smem:$0x3FBE] =	sst s2  }
0x8f: {  	_ = 	snop  }
0x90: {  	(tm) =	ssettm $0x1  }
0x91: {  	s17 =	sld [smem:$0x3FFB];
	_ =	sdelay $0x3  }
0x92: {  	_ =	strace s17  }
0x93: {  	s2 =	sld [smem:$0x3FFC];
	_ =	sdelay $0x3  }
0x94: {  	_ =	strace s2  }
0x95: {  	s2 =	sld [smem:$0x3FFD];
	_ =	sdelay $0x3  }
0x96: {  	_ =	strace s2  }
0x97: {  	_ =	strace $0x8FFFFFFF  }
0x98: {  	s18 =	sld [smem:$0x3FDB];
	_ =	sdelay $0x1  }
0x99: {  	s19 =	simm.s32 $_scs_section_size  }
0x9a: {  	s4 =	simm.s32 $_size__tile_overlayer_lowered;
	s5 =	simm.s32 $_tile_overlayer_lowered  }
0x9b: {  	s22 =	simm.s32 $0x1BFF;
	s21 =	sshll.u32 s5, $0x1;
	s2 =	sadd.s32 s19, s18  }
0x9c: {  	s6 =	simm.s32 $0x0;
	s20 =	sshll.u32 s4, $0x1;
	s4 =	sadd.s32 s21, s2  }
0x9d: {  	[timem:s6], [sflag:s22] =	dma.local [hbm:s4], s20  }
0x9e: {  	_ =	swait.ge [sflag:s22], s20  }
0x9f: {  	s3 =	ssub.s32 $0x0, s20;
	[sflag:s22] =	ssyncset.done $0x0  }
0xa0: {  	[sflag:s22] =	ssyncadd.s32 s3;
	_ =	sdelay $0x1  }
0xa1: {  	s23 =	simm.s32 $0x1B8B  }
0xa2: {  	_ =	swait.ge [sflag:s23], $0x1  }
0xa3: {  	[sflag:s23] =	ssyncset.done $0x0  }
0xa4: {  	s25 =	simm.s32 $0x1B8E;
	s24 =	sld [smem:$0x3FFE];
	[sflag:s23] =	ssyncadd.s32 $0xFFFFFFFF  }
0xa5: {  	s26 =	simm.s32 $execute0_lowered;
	[smem:$0x3FD2] =	sst s25  }
0xa6: {  	s4 =	sshll.u32 s26, $0x1;
	_ =	strace $0x80000046;
	[dreg:$0x1] =	wrdreg $0xFFFFFFFF  }
0xa7: {  	s28 =	simm.s32 $_size_execute0_lowered;
	s2 =	sadd.s32 s2, s4;
	[dreg:$0x0] =	wrdreg $0x0  }
0xa8: {  	s4 =	sshll.u32 s28, $0x1;
	[dreg:$0x2] =	wrdreg s2  }
0xa9: {  	[dreg:$0x3] =	wrdreg s4  }
0xaa: {  	[dreg:$0x4] =	wrdreg $0xC0  }
0xab: {  	_ =	task [dreg:s6], $0x5FFFF  }
0xac: {  	[dreg:$0x1] =	wrdreg $0xFFFFFFFF  }
0xad: {  	[dreg:$0x0] =	wrdreg $0x60  }
0xae: {  	[dreg:$0x2] =	wrdreg s24  }
0xaf: {  	[dreg:$0x3] =	wrdreg $0x31100  }
0xb0: {  	[dreg:$0x4] =	wrdreg $0x9  }
0xb1: {  	_ =	task.clear_ibuf [dreg:s6], $0x5FFFF;
	_ =	strace $0x90000046  }
0xb2: {  	s29 =	simm.s32 $0x9;
	_ =	strace $0x80000048  }
0xb3: {  	_ =	swait.ge [sflag:s29], $0x1  }
0xb4: {  	[sflag:s29] =	ssyncadd.s32 $0xFFFFFFFF  }
0xb5: {  	_ =	strace $0x90000048  }
0xb6: {  	_ =	sfence  }
0xb7: {  	s30 =	sld [smem:$0x0];
	_ =	sdelay $0x2  }
0xb8: {  	s31 =	sshll.u32 s1, $0xD;
	s1 =	sshrl.u32 s1, $0x2  }
0xb9: {  	s3 =	sand.u32 $0x4000, s31;
	s1 =	sadd.s32 s1, s30  }
0xba: {  	s0 =	sor.u32 s3, s0;
	s1 =	sshll.u32 s1, $0x11  }
0xbb: {  	s0 =	sor.u32 s1, s0  }
0xbc: {  	s0 =	sadd.s32 $0x8F2B, s0  }
0xbd: {  	[sflag:s0] =	ssyncadd.remote.s32 $0x1  }
0xbe: {  	_ =	sfence.sel $0xFFFF  }
0xbf: {  	[dreg:$0x0] =	wrdreg $0xFFFFFFFF;
	(pc) =	sbr.abs _section_cstart, $3  }
0xc0: {  	[dreg:$0x1] =	wrdreg $0xFFFFFFFF  }
0xc1: {  	_ =	task.clear_ibuf [dreg:s6], $0x2FFFF;
	_ =	strace $0x9FFFFFFF  }
0xc2: {  	(tm) =	ssettm $0x7FFFFFFF  }
0xc3: {  	_ =	shalt  }
tec
execute0_lowered:
.L_overlay_start_1:
0x0: {  	(tag) =	ssettag $0x1  }
0x1: {  	s4 =	rddreg [dreg:$0x0]  }
0x2: {  	s1 =	rddreg [dreg:$0x1]  }
0x3: {  	s2 =	srdreg.scid;
	s0 =	rddreg [dreg:$0x2]  }
0x4: {  	s3 =	simm.s32 $0x0;
	s15 =	simm.s32 $0x2C10;
	s16 =	simm.s32 $0x2  }
0x5: {  	s17 =	simm.s32 $0x50;
	s18 =	simm.s32 $0x2710;
	s5 =	sand.u32 $0x1, s2  }
0x6: {  	s19 =	simm.s32 $0x1;
	s2 =	stileid.u32;
	s6 =	smul.u32 $0x28000, s5  }
0x7: {  	[smem:$0x7FF] =	sst s3;
	s7 =	sshll.u32 s5, $0x4;
	s8 =	smul.u32 $0x2800, s2  }
0x8: {  	_ =	strace $0x80000047;
	s5 =	ssub.s32 $0x2, s5;
	s10 =	smul.u32 $0xA000, s2  }
0x9: {  	s20 =	sshll.u32 s2, $0x6;
	s7 =	sor.u32 s2, s7;
	s9 =	sshrl.u32 s5, $0x1  }
0xa: {  	s20 =	sor.u32 $0x1C02, s20;
	s7 =	smul.u32 $0x4E2, s7;
	s6 =	sadd.s32 s8, s6  }
0xb: {  	s9 =	ssub.s32 s5, s9;
	s31 =	sshrl.u32 s10, $0x2;
	s21 =	sadd.s32 s8, s1  }
0xc: {  	s6 =	sshrl.u32 s6, $0x3;
	s21 =	sshrl.u32 s21, $0x3;
	s7 =	sadd.s32 s7, s4  }
0xd: {  	s6 =	sadd.s32 s6, s4;
	s4 =	sadd.s32 $0xBC00, s7;
	s7 =	sadd.s32 s31, s1  }
0xe: {  	s5 =	sadd.s32 $0x15A00, s6;
	s6 =	smax.u32 s9, $0x1;
	s8 =	sadd.s32 $0x500, s7  }
0xf: {  	s9 =	sadd.s32 $0xA00, s7;
	s10 =	sadd.s32 $0xF00, s7;
	s11 =	sadd.s32 $0x1400, s7  }
0x10: {  	v0 =	vimm.f32 $1.000000000e+00;
	v1 =	vimm.f32 $0.0e+00;
	s12 =	sadd.s32 $0x1900, s7;
	s13 =	sadd.s32 $0x1E00, s7;
	s14 =	sadd.s32 $0x2300, s7  }
.LBB2_1:
0x11: {  	s22 =	simm.s32 $0x40;
	s23 =	simm.s32 $0x0  }
.LBB2_2:
0x12: {  	p0 =	sne.s32 s22, $0x13C0;
	[tilespmem:s23+$0x2710] =	vst v0;
	s24 =	smov.u32 s22;
	s22 =	sadd.s32 $0x40, s22  }
.Ltmp0:
0x13: {  	[tilespmem:s23+$0x2C10] =	vst v1;
	(pc) =	sbr.rel @p0 .LBB2_2-.Ltmp0, $2  }
0x14: {  	_ =	sdelay $0x2  }
0x15: {  	s23 =	sshra.s32 s24, $0x2  }
0x16: {  	[tilespmem:s23+$0x2710] =	vst v0  }
0x17: {  	[tilespmem:s23+$0x2C10] =	vst v1  }
0x18: {  	[spmem:s7] =	stream.linear.scatter [tilespmem:s15], [sflag:$0x2], $0x500, $0x38;
	[tilespmem:$0x5910] =	vst v63  }
0x19: {  	_ =	swait.ge [sflag:s16], $0x500  }
0x1a: {  	[sflag:s16] =	ssyncset.done $0x0  }
0x1b: {  	[sflag:s16] =	ssyncadd.s32 $0xFFFFFB00  }
0x1c: {  	[spmem:s8] =	stream.linear.scatter [tilespmem:s15], [sflag:$0x2], $0x500, $0x38;
	[tilespmem:$0x5910] =	vst v63  }
0x1d: {  	_ =	swait.ge [sflag:s16], $0x500  }
0x1e: {  	[sflag:s16] =	ssyncset.done $0x0  }
0x1f: {  	[sflag:s16] =	ssyncadd.s32 $0xFFFFFB00  }
0x20: {  	[spmem:s9] =	stream.linear.scatter [tilespmem:s15], [sflag:$0x2], $0x500, $0x38;
	[tilespmem:$0x5910] =	vst v63  }
0x21: {  	_ =	swait.ge [sflag:s16], $0x500  }
0x22: {  	[sflag:s16] =	ssyncset.done $0x0  }
0x23: {  	[sflag:s16] =	ssyncadd.s32 $0xFFFFFB00  }
0x24: {  	[spmem:s10] =	stream.linear.scatter [tilespmem:s15], [sflag:$0x2], $0x500, $0x38;
	[tilespmem:$0x5910] =	vst v63  }
0x25: {  	_ =	swait.ge [sflag:s16], $0x500  }
0x26: {  	[sflag:s16] =	ssyncset.done $0x0  }
0x27: {  	[sflag:s16] =	ssyncadd.s32 $0xFFFFFB00  }
0x28: {  	[spmem:s11] =	stream.linear.scatter [tilespmem:s15], [sflag:$0x2], $0x500, $0x38;
	[tilespmem:$0x5910] =	vst v63  }
0x29: {  	_ =	swait.ge [sflag:s16], $0x500  }
0x2a: {  	[sflag:s16] =	ssyncset.done $0x0  }
0x2b: {  	[sflag:s16] =	ssyncadd.s32 $0xFFFFFB00  }
0x2c: {  	[spmem:s12] =	stream.linear.scatter [tilespmem:s15], [sflag:$0x2], $0x500, $0x38;
	[tilespmem:$0x5910] =	vst v63  }
0x2d: {  	_ =	swait.ge [sflag:s16], $0x500  }
0x2e: {  	[sflag:s16] =	ssyncset.done $0x0  }
0x2f: {  	[sflag:s16] =	ssyncadd.s32 $0xFFFFFB00  }
0x30: {  	[spmem:s13] =	stream.linear.scatter [tilespmem:s15], [sflag:$0x2], $0x500, $0x38;
	[tilespmem:$0x5910] =	vst v63  }
0x31: {  	_ =	swait.ge [sflag:s16], $0x500  }
0x32: {  	[sflag:s16] =	ssyncset.done $0x0  }
0x33: {  	[sflag:s16] =	ssyncadd.s32 $0xFFFFFB00  }
0x34: {  	[spmem:s14] =	stream.linear.scatter [tilespmem:s15], [sflag:$0x2], $0x500, $0x38;
	[tilespmem:$0x5910] =	vst v63  }
0x35: {  	_ =	swait.ge [sflag:s16], $0x500  }
0x36: {  	[sflag:s16] =	ssyncset.done $0x0  }
0x37: {  	[sflag:s16] =	ssyncadd.s32 $0xFFFFFB00  }
0x38: {  	s22 =	simm.s32 $0x0;
	[bflag:$0x0] =	sbarrier.arrive $0xFFFF  }
0x39: {  	[tilespmem:s22], [sflag:$0x2] =	stream.linear.gather [hbm4b:s4+s22], $0x2710, $0x38;
	[tilespmem:$0x5910] =	vst v63  }
0x3a: {  	_ =	swait.ge [sflag:s16], $0x2710  }
0x3b: {  	[sflag:s16] =	ssyncset.done $0x0  }
0x3c: {  	[sflag:s16] =	ssyncadd.s32 $0xFFFFD8F0  }
.LBB2_4:
0x3d: {  	p0 =	sne.s32 s22, $0x9B00  }
.Ltmp1:
0x3e: {  	_ = 	snop;
	(pc) =	sbr.rel @p0 .LBB2_4-.Ltmp1, $3  }
0x3f: {  	_ =	sdelay $0x1  }
0x40: {  	s23 =	sshra.s32 s22, $0x2;
	s22 =	sadd.s32 $0x140, s22  }
0x41: {  	[spmem:s1] =	stream.indirect.scatter.add.f32 [tilespmem:s18], [sflag:$0x1], $0x10, s23, s17, $0xb8;
	[tilespmem:$0x5910] =	vst v63  }
0x42: {  	_ =	swait.ge [sflag:s19], $0x500  }
0x43: {  	s22 =	simm.s32 $0x7C;
	[sflag:s19] =	ssyncset.done $0x0  }
.LBB2_6:
0x44: {  	p0 =	sne.s32 s22, $0x1;
	s22 =	sadd.s32 $0xFFFFFFFF, s22;
	[sflag:s19] =	ssyncadd.s32 $0xFFFFFB00  }
.Ltmp2:
0x45: {  	(pc) =	sbr.rel @p0 .LBB2_6-.Ltmp2, $3  }
0x46: {  	_ =	sdelay $0x1  }
0x47: {  	_ =	swait.ge [sflag:s19], $0x500  }
0x48: {  	[sflag:s19] =	ssyncset.done $0x0  }
0x49: {  	s3 =	sadd.s32 $0x1, s3  }
0x4a: {  	[sflag:s19] =	ssyncadd.s32 $0xFFFFFB00;
	p0 =	sne.s32 s3, s6  }
.Ltmp3:
0x4b: {  	[bflag:$0x0] =	sbarrier.arrive $0xFFFF;
	(pc) =	sbr.rel @p0 .LBB2_1-.Ltmp3, $4  }
0x4c: {  	[hbm:s5], [sflag:s20] =	dma.local [spmem:s21], $0x500  }
0x4d: {  	_ =	swait.ge [sflag:s16], $0x500  }
0x4e: {  	[sflag:s16] =	ssyncset.done $0x0  }
0x4f: {  	[sflag:s16] =	ssyncadd.s32 $0xFFFFFB00  }
0x50: {  	_ =	sfence.sel $0x180000  }
0x51: {  	[bflag:$0x0] =	sbarrier.arrive $0xFFFF  }
0x52: {  	p0 =	sne.s32 s2, $0x0;
	_ =	strace $0x90000047  }
0x53: {  	s0 =	sadd.s32 @!p0 $0x100000, s0;
	[bflag:$0x2] =	sbarrier.arrive $0xFFFF  }
0x54: {  	[sflag:s0] =	ssyncadd.tile.s32 @!p0 $0x1;
	_ =	shalt  }
.Lfunc_end2:
_tile_overlayer_lowered:
.L_overlay_start_2:
0x55: {  	(tag) =	ssettag $0x2  }
0x56: {  	s0 =	rddreg [dreg:$0x0];
	s2 =	stileid.u32  }
0x57: {  	s1 =	rddreg [dreg:$0x1];
	p0 =	sne.s32 s2, $0x0  }
0x58: {  	s3 =	rddreg [dreg:$0x2];
	[bflag:$0x3] =	sbarrier.arrive $0xFFFF;
	s2 =	simm.s32 @!p0 $0x1C02  }
0x59: {  	[timem:s3], [sflag:s2] =	dma.local @!p0 [hbm:s0], s1  }
0x5a: {  	s0 =	simm.s32 @!p0 $0x2  }
0x5b: {  	_ =	swait.ge @!p0 [sflag:s0], s1  }
0x5c: {  	s1 =	ssub.s32 @!p0 $0x0, s1;
	[sflag:s0] =	ssyncset.done @!p0 $0x0  }
0x5d: {  	[sflag:s0] =	ssyncadd.s32 @!p0 s1  }
0x5e: {  	[bflag:$0x3] =	sbarrier.arrive $0xFFFF  }
0x5f: {  	_ =	shalt  }

</sc_bundles>
